<compile_context>
chip_gen: v7x
topology: tpu7x:2x2x1
jax: 0.10.2.dev20260603
libtpu: 0.0.44.dev20260713+nightly
codegen_flags: <defaults>
</compile_context>

<pallas_src>
import functools

import jax
import jax.numpy as jnp
from jax import lax
from jax.experimental import pallas as pl
from jax.experimental.pallas import tpu as pltpu
from jax.experimental.pallas import tpu_sc as plsc

DIM = 64
BATCH = 16384
NC = 2
NS = 16
NW = NC * NS
CPW = BATCH // NW
CHUNK = 128
NCHUNK = CPW // CHUNK
LANES = 16


def _score_chunk(es_v, ep_v, eo_v, part_f, out_v, out_base):
    iota16 = lax.iota(jnp.int32, LANES) * LANES

    def group(g, _):
        rowb = g * LANES

        def row(rr, _):
            r = rowb + rr
            v = (es_v[r, pl.ds(0, LANES)]
                 * ep_v[r, pl.ds(0, LANES)]
                 * eo_v[r, pl.ds(0, LANES)])
            for q in range(1, DIM // LANES):
                sl = pl.ds(q * LANES, LANES)
                v = v + es_v[r, sl] * ep_v[r, sl] * eo_v[r, sl]
            part_f[pl.ds(rr * LANES, LANES)] = v
            return 0

        lax.fori_loop(0, LANES, row, 0)

        def red(j, acc):
            return acc + plsc.load_gather(part_f, [iota16 + j])

        acc = lax.fori_loop(0, LANES, red, jnp.zeros((LANES,), jnp.float32))
        out_v[pl.ds(out_base + g * LANES, LANES)] = acc
        return 0

    lax.fori_loop(0, CHUNK // LANES, group, 0)


def _body(human, gmf, hm, rm, tm, hf, rf, tf,
          neg_o, dm_o, df_o,
          hmv, rmv, tmv, hfv, rfv, tfv,
          es_v, ep_v, eo_v, part_f,
          dm_v, df_v, ng_v,
          sem):
    wid = lax.axis_index("s") * NC + lax.axis_index("c")
    base = pl.multiple_of(wid * CPW, CPW)

    pltpu.sync_copy(hm.at[pl.ds(base, CPW)], hmv)
    pltpu.sync_copy(rm.at[pl.ds(base, CPW)], rmv)
    pltpu.sync_copy(tm.at[pl.ds(base, CPW)], tmv)
    pltpu.sync_copy(hf.at[pl.ds(base, CPW)], hfv)
    pltpu.sync_copy(rf.at[pl.ds(base, CPW)], rfv)
    pltpu.sync_copy(tf.at[pl.ds(base, CPW)], tfv)

    for (hv, rv, tv, out_v) in ((hmv, rmv, tmv, dm_v), (hfv, rfv, tfv, df_v)):
        for c in range(NCHUNK):
            sl = pl.ds(c * CHUNK, CHUNK)
            cp1 = pltpu.make_async_copy(human.at[hv.at[sl]], es_v, sem)
            cp2 = pltpu.make_async_copy(gmf.at[rv.at[sl]], ep_v, sem)
            cp3 = pltpu.make_async_copy(gmf.at[tv.at[sl]], eo_v, sem)
            cp1.start()
            cp2.start()
            cp3.start()
            cp1.wait()
            cp2.wait()
            cp3.wait()
            _score_chunk(es_v, ep_v, eo_v, part_f, out_v, c * CHUNK)

    for i in range(CPW // LANES):
        sl = pl.ds(i * LANES, LANES)
        ng_v[sl] = df_v[sl] - dm_v[sl]

    pltpu.sync_copy(dm_v, dm_o.at[pl.ds(base, CPW)])
    pltpu.sync_copy(df_v, df_o.at[pl.ds(base, CPW)])
    pltpu.sync_copy(ng_v, neg_o.at[pl.ds(base, CPW)])


@jax.jit
def _run(human_embeds, gmf_embeds, hm, rm, tm, hf, rf, tf):
    out = jax.ShapeDtypeStruct((BATCH,), jnp.float32)
    k = functools.partial(
        pl.kernel,
        out_type=[out, out, out],
        mesh=plsc.VectorSubcoreMesh(core_axis_name="c", subcore_axis_name="s"),
        compiler_params=pltpu.CompilerParams(
            needs_layout_passes=False, use_tc_tiling_on_sc=False),
        scratch_types=[
            pltpu.VMEM((CPW,), jnp.int32),
            pltpu.VMEM((CPW,), jnp.int32),
            pltpu.VMEM((CPW,), jnp.int32),
            pltpu.VMEM((CPW,), jnp.int32),
            pltpu.VMEM((CPW,), jnp.int32),
            pltpu.VMEM((CPW,), jnp.int32),
            pltpu.VMEM((CHUNK, DIM), jnp.float32),
            pltpu.VMEM((CHUNK, DIM), jnp.float32),
            pltpu.VMEM((CHUNK, DIM), jnp.float32),
            pltpu.VMEM((LANES * LANES,), jnp.float32),
            pltpu.VMEM((CPW,), jnp.float32),
            pltpu.VMEM((CPW,), jnp.float32),
            pltpu.VMEM((CPW,), jnp.float32),
            pltpu.SemaphoreType.DMA,
        ],
    )(_body)
    return k(human_embeds, gmf_embeds, hm, rm, tm, hf, rf, tf)


def kernel(human_embeds, gmf_embeds, male_triplets, female_triplets):
    hm = male_triplets[:, 0]
    rm = male_triplets[:, 1]
    tm = male_triplets[:, 2]
    hf = female_triplets[:, 0]
    rf = female_triplets[:, 1]
    tf = female_triplets[:, 2]
    neg, dm, df = _run(human_embeds, gmf_embeds, hm, rm, tm, hf, rf, tf)
    return (neg, dm, df)

# --- scband reference (transcript-rebuilt; emitter-appended) ---
"""Pipeline reference for scband-model-c-31061203485317 (READ-ONLY COPY).

The authoritative reference and input builder live on the scoring server;
editing this copy changes nothing except your own understanding.
"""

import jax, jax.numpy as jnp
import numpy as np

ENTITY_COUNT = 1000000
RELATION_COUNT = 1000000
DIM = 64
BATCH = 16384


def setup_inputs(seed: int = 0) -> dict:
    key = jax.random.key(seed)
    k1, k2, k3, k4 = jax.random.split(key, 4)
    male_triplets = jax.random.randint(k1, (BATCH, 3), 0, ENTITY_COUNT, dtype=jnp.int32)
    female_triplets = jax.random.randint(k2, (BATCH, 3), 0, ENTITY_COUNT, dtype=jnp.int32)
    human_embeds = jax.random.normal(k3, (ENTITY_COUNT, DIM), dtype=jnp.float32)
    gmf_embeds = jax.random.normal(k4, (RELATION_COUNT, DIM), dtype=jnp.float32)
    return {
        "human_embeds": human_embeds,
        "gmf_embeds": gmf_embeds,
        "male_triplets": male_triplets,
        "female_triplets": female_triplets,
    }


def _distance(triplets, human_embeds, gmf_embeds):
    heads = triplets[:, 0]
    relations = triplets[:, 1]
    tails = triplets[:, 2]
    e_s = jnp.take(human_embeds, heads, axis=0)
    e_p = jnp.take(gmf_embeds, relations, axis=0)
    e_o = jnp.take(gmf_embeds, tails, axis=0)
    return jnp.sum(e_s * e_p * e_o, axis=1)


def reference(human_embeds, gmf_embeds, male_triplets, female_triplets):
    # relative == 'male' (fixed string forward arg)
    d_male = _distance(male_triplets, human_embeds, gmf_embeds)
    d_female = _distance(female_triplets, human_embeds, gmf_embeds)
    negative_m_theta = d_female - d_male
    return (negative_m_theta, d_male, d_female)

if __name__ == "__main__":
    import jax
    _d = setup_inputs()
    print(jax.jit(kernel)(*tuple(_d.values())))

</pallas_src>

<mosaic_0001>
#map = affine_map<(d0, d1) -> (0, 0)>
#map1 = affine_map<(d0, d1) -> (0)>
module attributes {stable_mosaic.version = 14 : i64} {
  func.func @_body(%arg0: i32, %arg1: i32, %arg2: memref<1000000x64xf32, #tpu.memory_space<hbm>>, %arg3: memref<1000000x64xf32, #tpu.memory_space<hbm>>, %arg4: memref<16384xi32, #tpu.memory_space<hbm>>, %arg5: memref<16384xi32, #tpu.memory_space<hbm>>, %arg6: memref<16384xi32, #tpu.memory_space<hbm>>, %arg7: memref<16384xi32, #tpu.memory_space<hbm>>, %arg8: memref<16384xi32, #tpu.memory_space<hbm>>, %arg9: memref<16384xi32, #tpu.memory_space<hbm>>, %arg10: memref<16384xf32, #tpu.memory_space<hbm>>, %arg11: memref<16384xf32, #tpu.memory_space<hbm>>, %arg12: memref<16384xf32, #tpu.memory_space<hbm>>, %arg13: memref<512xi32, #tpu.memory_space<vmem>>, %arg14: memref<512xi32, #tpu.memory_space<vmem>>, %arg15: memref<512xi32, #tpu.memory_space<vmem>>, %arg16: memref<512xi32, #tpu.memory_space<vmem>>, %arg17: memref<512xi32, #tpu.memory_space<vmem>>, %arg18: memref<512xi32, #tpu.memory_space<vmem>>, %arg19: memref<128x64xf32, #tpu.memory_space<vmem>>, %arg20: memref<128x64xf32, #tpu.memory_space<vmem>>, %arg21: memref<128x64xf32, #tpu.memory_space<vmem>>, %arg22: memref<256xf32, #tpu.memory_space<vmem>>, %arg23: memref<512xf32, #tpu.memory_space<vmem>>, %arg24: memref<512xf32, #tpu.memory_space<vmem>>, %arg25: memref<512xf32, #tpu.memory_space<vmem>>, %arg26: memref<!tpu.dma_semaphore, #tpu.memory_space<semaphore_mem>>) attributes {dimension_semantics = [#tpu.dimension_semantics<core_parallel>, #tpu.dimension_semantics<subcore_parallel>], iteration_bounds = array<i64: 2, 16>, scalar_prefetch = 0 : i64, scratch_operands = 14 : i64, tpu.core_type = #tpu.core_type<sc_vector_subcore>, window_params = [{transform_indices = #map}, {transform_indices = #map}, {transform_indices = #map1}, {transform_indices = #map1}, {transform_indices = #map1}, {transform_indices = #map1}, {transform_indices = #map1}, {transform_indices = #map1}, {transform_indices = #map1}, {transform_indices = #map1}, {transform_indices = #map1}]} {
    %mul3A = arith.constant 2 : i32
    %mul3A_0 = arith.muli %arg1, %mul3A : i32
    %add3A = arith.addi %mul3A_0, %arg0 : i32
    %mul3A_1 = arith.constant 512 : i32
    %mul3A_2 = arith.muli %add3A, %mul3A_1 : i32
    %multiple_of3A = tpu.assume_multiple %mul3A_2, 512 : i32
    "tpu.region"() ({
      %run_scoped3A = tpu.sem_alloc : memref<!tpu.dma_semaphore, #tpu.memory_space<semaphore_mem>>
      %dma_start3A_548 = tpu.memref_slice %arg4[%multiple_of3A] : memref<16384xi32, #tpu.memory_space<hbm>> -> memref<512xi32, #tpu.memory_space<hbm>>
      %dma_start3A_549 = tpu.memref_slice %arg4[%multiple_of3A] : memref<16384xi32, #tpu.memory_space<hbm>> -> memref<512xi32, #tpu.memory_space<hbm>>
      tpu.enqueue_dma source(%dma_start3A_549 : memref<512xi32, #tpu.memory_space<hbm>>) target(%arg13 : memref<512xi32, #tpu.memory_space<vmem>>) target_semaphore(%run_scoped3A : memref<!tpu.dma_semaphore, #tpu.memory_space<semaphore_mem>>)
      %dma_wait3A_550 = tpu.memref_slice %arg4[%multiple_of3A] : memref<16384xi32, #tpu.memory_space<hbm>> -> memref<512xi32, #tpu.memory_space<hbm>>
      %dma_wait3A_551 = tpu.memref_slice %arg4[%multiple_of3A] : memref<16384xi32, #tpu.memory_space<hbm>> -> memref<512xi32, #tpu.memory_space<hbm>>
      tpu.wait_dma2 semaphore(%run_scoped3A : memref<!tpu.dma_semaphore, #tpu.memory_space<semaphore_mem>>) src(%dma_wait3A_551 : memref<512xi32, #tpu.memory_space<hbm>>) dst(%arg13 : memref<512xi32, #tpu.memory_space<vmem>>)
      tpu.yield
    }) : () -> ()
    "tpu.region"() ({
      %run_scoped3A = tpu.sem_alloc : memref<!tpu.dma_semaphore, #tpu.memory_space<semaphore_mem>>
      %dma_start3A_548 = tpu.memref_slice %arg5[%multiple_of3A] : memref<16384xi32, #tpu.memory_space<hbm>> -> memref<512xi32, #tpu.memory_space<hbm>>
      %dma_start3A_549 = tpu.memref_slice %arg5[%multiple_of3A] : memref<16384xi32, #tpu.memory_space<hbm>> -> memref<512xi32, #tpu.memory_space<hbm>>
      tpu.enqueue_dma source(%dma_start3A_549 : memref<512xi32, #tpu.memory_space<hbm>>) target(%arg14 : memref<512xi32, #tpu.memory_space<vmem>>) target_semaphore(%run_scoped3A : memref<!tpu.dma_semaphore, #tpu.memory_space<semaphore_mem>>)
      %dma_wait3A_550 = tpu.memref_slice %arg5[%multiple_of3A] : memref<16384xi32, #tpu.memory_space<hbm>> -> memref<512xi32, #tpu.memory_space<hbm>>
      %dma_wait3A_551 = tpu.memref_slice %arg5[%multiple_of3A] : memref<16384xi32, #tpu.memory_space<hbm>> -> memref<512xi32, #tpu.memory_space<hbm>>
      tpu.wait_dma2 semaphore(%run_scoped3A : memref<!tpu.dma_semaphore, #tpu.memory_space<semaphore_mem>>) src(%dma_wait3A_551 : memref<512xi32, #tpu.memory_space<hbm>>) dst(%arg14 : memref<512xi32, #tpu.memory_space<vmem>>)
      tpu.yield
    }) : () -> ()
    "tpu.region"() ({
      %run_scoped3A = tpu.sem_alloc : memref<!tpu.dma_semaphore, #tpu.memory_space<semaphore_mem>>
      %dma_start3A_548 = tpu.memref_slice %arg6[%multiple_of3A] : memref<16384xi32, #tpu.memory_space<hbm>> -> memref<512xi32, #tpu.memory_space<hbm>>
      %dma_start3A_549 = tpu.memref_slice %arg6[%multiple_of3A] : memref<16384xi32, #tpu.memory_space<hbm>> -> memref<512xi32, #tpu.memory_space<hbm>>
      tpu.enqueue_dma source(%dma_start3A_549 : memref<512xi32, #tpu.memory_space<hbm>>) target(%arg15 : memref<512xi32, #tpu.memory_space<vmem>>) target_semaphore(%run_scoped3A : memref<!tpu.dma_semaphore, #tpu.memory_space<semaphore_mem>>)
      %dma_wait3A_550 = tpu.memref_slice %arg6[%multiple_of3A] : memref<16384xi32, #tpu.memory_space<hbm>> -> memref<512xi32, #tpu.memory_space<hbm>>
      %dma_wait3A_551 = tpu.memref_slice %arg6[%multiple_of3A] : memref<16384xi32, #tpu.memory_space<hbm>> -> memref<512xi32, #tpu.memory_space<hbm>>
      tpu.wait_dma2 semaphore(%run_scoped3A : memref<!tpu.dma_semaphore, #tpu.memory_space<semaphore_mem>>) src(%dma_wait3A_551 : memref<512xi32, #tpu.memory_space<hbm>>) dst(%arg15 : memref<512xi32, #tpu.memory_space<vmem>>)
      tpu.yield
    }) : () -> ()
    "tpu.region"() ({
      %run_scoped3A = tpu.sem_alloc : memref<!tpu.dma_semaphore, #tpu.memory_space<semaphore_mem>>
      %dma_start3A_548 = tpu.memref_slice %arg7[%multiple_of3A] : memref<16384xi32, #tpu.memory_space<hbm>> -> memref<512xi32, #tpu.memory_space<hbm>>
      %dma_start3A_549 = tpu.memref_slice %arg7[%multiple_of3A] : memref<16384xi32, #tpu.memory_space<hbm>> -> memref<512xi32, #tpu.memory_space<hbm>>
      tpu.enqueue_dma source(%dma_start3A_549 : memref<512xi32, #tpu.memory_space<hbm>>) target(%arg16 : memref<512xi32, #tpu.memory_space<vmem>>) target_semaphore(%run_scoped3A : memref<!tpu.dma_semaphore, #tpu.memory_space<semaphore_mem>>)
      %dma_wait3A_550 = tpu.memref_slice %arg7[%multiple_of3A] : memref<16384xi32, #tpu.memory_space<hbm>> -> memref<512xi32, #tpu.memory_space<hbm>>
      %dma_wait3A_551 = tpu.memref_slice %arg7[%multiple_of3A] : memref<16384xi32, #tpu.memory_space<hbm>> -> memref<512xi32, #tpu.memory_space<hbm>>
      tpu.wait_dma2 semaphore(%run_scoped3A : memref<!tpu.dma_semaphore, #tpu.memory_space<semaphore_mem>>) src(%dma_wait3A_551 : memref<512xi32, #tpu.memory_space<hbm>>) dst(%arg16 : memref<512xi32, #tpu.memory_space<vmem>>)
      tpu.yield
    }) : () -> ()
    "tpu.region"() ({
      %run_scoped3A = tpu.sem_alloc : memref<!tpu.dma_semaphore, #tpu.memory_space<semaphore_mem>>
      %dma_start3A_548 = tpu.memref_slice %arg8[%multiple_of3A] : memref<16384xi32, #tpu.memory_space<hbm>> -> memref<512xi32, #tpu.memory_space<hbm>>
      %dma_start3A_549 = tpu.memref_slice %arg8[%multiple_of3A] : memref<16384xi32, #tpu.memory_space<hbm>> -> memref<512xi32, #tpu.memory_space<hbm>>
      tpu.enqueue_dma source(%dma_start3A_549 : memref<512xi32, #tpu.memory_space<hbm>>) target(%arg17 : memref<512xi32, #tpu.memory_space<vmem>>) target_semaphore(%run_scoped3A : memref<!tpu.dma_semaphore, #tpu.memory_space<semaphore_mem>>)
      %dma_wait3A_550 = tpu.memref_slice %arg8[%multiple_of3A] : memref<16384xi32, #tpu.memory_space<hbm>> -> memref<512xi32, #tpu.memory_space<hbm>>
      %dma_wait3A_551 = tpu.memref_slice %arg8[%multiple_of3A] : memref<16384xi32, #tpu.memory_space<hbm>> -> memref<512xi32, #tpu.memory_space<hbm>>
      tpu.wait_dma2 semaphore(%run_scoped3A : memref<!tpu.dma_semaphore, #tpu.memory_space<semaphore_mem>>) src(%dma_wait3A_551 : memref<512xi32, #tpu.memory_space<hbm>>) dst(%arg17 : memref<512xi32, #tpu.memory_space<vmem>>)
      tpu.yield
    }) : () -> ()
    "tpu.region"() ({
      %run_scoped3A = tpu.sem_alloc : memref<!tpu.dma_semaphore, #tpu.memory_space<semaphore_mem>>
      %dma_start3A_548 = tpu.memref_slice %arg9[%multiple_of3A] : memref<16384xi32, #tpu.memory_space<hbm>> -> memref<512xi32, #tpu.memory_space<hbm>>
      %dma_start3A_549 = tpu.memref_slice %arg9[%multiple_of3A] : memref<16384xi32, #tpu.memory_space<hbm>> -> memref<512xi32, #tpu.memory_space<hbm>>
      tpu.enqueue_dma source(%dma_start3A_549 : memref<512xi32, #tpu.memory_space<hbm>>) target(%arg18 : memref<512xi32, #tpu.memory_space<vmem>>) target_semaphore(%run_scoped3A : memref<!tpu.dma_semaphore, #tpu.memory_space<semaphore_mem>>)
      %dma_wait3A_550 = tpu.memref_slice %arg9[%multiple_of3A] : memref<16384xi32, #tpu.memory_space<hbm>> -> memref<512xi32, #tpu.memory_space<hbm>>
      %dma_wait3A_551 = tpu.memref_slice %arg9[%multiple_of3A] : memref<16384xi32, #tpu.memory_space<hbm>> -> memref<512xi32, #tpu.memory_space<hbm>>
      tpu.wait_dma2 semaphore(%run_scoped3A : memref<!tpu.dma_semaphore, #tpu.memory_space<semaphore_mem>>) src(%dma_wait3A_551 : memref<512xi32, #tpu.memory_space<hbm>>) dst(%arg18 : memref<512xi32, #tpu.memory_space<vmem>>)
      tpu.yield
    }) : () -> ()
    %dma_start3A = arith.constant 0 : i32
    %dma_start3A_3 = tpu.memref_slice %arg13[%dma_start3A] : memref<512xi32, #tpu.memory_space<vmem>> -> memref<128xi32, #tpu.memory_space<vmem>>
    %dma_start3A_4 = arith.constant 0 : i32
    %dma_start3A_5 = arith.constant 0 : i32
    %dma_start3A_6 = tpu.memref_slice %arg2[%dma_start3A_4, %dma_start3A_5] : memref<1000000x64xf32, #tpu.memory_space<hbm>> -> memref<1000000x64xf32, #tpu.memory_space<hbm>>
    tpu.enqueue_indirect_dma source(%dma_start3A_6 : memref<1000000x64xf32, #tpu.memory_space<hbm>>) target(%arg19 : memref<128x64xf32, #tpu.memory_space<vmem>>) offsets(%dma_start3A_3 : memref<128xi32, #tpu.memory_space<vmem>>) semaphore(%arg26 : memref<!tpu.dma_semaphore, #tpu.memory_space<semaphore_mem>>)
    %dma_start3A_7 = arith.constant 0 : i32
    %dma_start3A_8 = tpu.memref_slice %arg14[%dma_start3A_7] : memref<512xi32, #tpu.memory_space<vmem>> -> memref<128xi32, #tpu.memory_space<vmem>>
    %dma_start3A_9 = arith.constant 0 : i32
    %dma_start3A_10 = arith.constant 0 : i32
    %dma_start3A_11 = tpu.memref_slice %arg3[%dma_start3A_9, %dma_start3A_10] : memref<1000000x64xf32, #tpu.memory_space<hbm>> -> memref<1000000x64xf32, #tpu.memory_space<hbm>>
    tpu.enqueue_indirect_dma source(%dma_start3A_11 : memref<1000000x64xf32, #tpu.memory_space<hbm>>) target(%arg20 : memref<128x64xf32, #tpu.memory_space<vmem>>) offsets(%dma_start3A_8 : memref<128xi32, #tpu.memory_space<vmem>>) semaphore(%arg26 : memref<!tpu.dma_semaphore, #tpu.memory_space<semaphore_mem>>)
    %dma_start3A_12 = arith.constant 0 : i32
    %dma_start3A_13 = tpu.memref_slice %arg15[%dma_start3A_12] : memref<512xi32, #tpu.memory_space<vmem>> -> memref<128xi32, #tpu.memory_space<vmem>>
    %dma_start3A_14 = arith.constant 0 : i32
    %dma_start3A_15 = arith.constant 0 : i32
    %dma_start3A_16 = tpu.memref_slice %arg3[%dma_start3A_14, %dma_start3A_15] : memref<1000000x64xf32, #tpu.memory_space<hbm>> -> memref<1000000x64xf32, #tpu.memory_space<hbm>>
    tpu.enqueue_indirect_dma source(%dma_start3A_16 : memref<1000000x64xf32, #tpu.memory_space<hbm>>) target(%arg21 : memref<128x64xf32, #tpu.memory_space<vmem>>) offsets(%dma_start3A_13 : memref<128xi32, #tpu.memory_space<vmem>>) semaphore(%arg26 : memref<!tpu.dma_semaphore, #tpu.memory_space<semaphore_mem>>)
    %dma_wait3A = arith.constant 0 : i32
    %dma_wait3A_17 = tpu.memref_slice %arg13[%dma_wait3A] : memref<512xi32, #tpu.memory_space<vmem>> -> memref<128xi32, #tpu.memory_space<vmem>>
    %dma_wait3A_18 = arith.constant 0 : i32
    %dma_wait3A_19 = arith.constant 0 : i32
    %dma_wait3A_20 = tpu.memref_slice %arg2[%dma_wait3A_18, %dma_wait3A_19] : memref<1000000x64xf32, #tpu.memory_space<hbm>> -> memref<1000000x64xf32, #tpu.memory_space<hbm>>
    tpu.wait_indirect_dma semaphore(%arg26 : memref<!tpu.dma_semaphore, #tpu.memory_space<semaphore_mem>>) src(%dma_wait3A_20 : memref<1000000x64xf32, #tpu.memory_space<hbm>>) dst(%arg19 : memref<128x64xf32, #tpu.memory_space<vmem>>)
    %dma_wait3A_21 = arith.constant 0 : i32
    %dma_wait3A_22 = tpu.memref_slice %arg14[%dma_wait3A_21] : memref<512xi32, #tpu.memory_space<vmem>> -> memref<128xi32, #tpu.memory_space<vmem>>
    %dma_wait3A_23 = arith.constant 0 : i32
    %dma_wait3A_24 = arith.constant 0 : i32
    %dma_wait3A_25 = tpu.memref_slice %arg3[%dma_wait3A_23, %dma_wait3A_24] : memref<1000000x64xf32, #tpu.memory_space<hbm>> -> memref<1000000x64xf32, #tpu.memory_space<hbm>>
    tpu.wait_indirect_dma semaphore(%arg26 : memref<!tpu.dma_semaphore, #tpu.memory_space<semaphore_mem>>) src(%dma_wait3A_25 : memref<1000000x64xf32, #tpu.memory_space<hbm>>) dst(%arg20 : memref<128x64xf32, #tpu.memory_space<vmem>>)
    %dma_wait3A_26 = arith.constant 0 : i32
    %dma_wait3A_27 = tpu.memref_slice %arg15[%dma_wait3A_26] : memref<512xi32, #tpu.memory_space<vmem>> -> memref<128xi32, #tpu.memory_space<vmem>>
    %dma_wait3A_28 = arith.constant 0 : i32
    %dma_wait3A_29 = arith.constant 0 : i32
    %dma_wait3A_30 = tpu.memref_slice %arg3[%dma_wait3A_28, %dma_wait3A_29] : memref<1000000x64xf32, #tpu.memory_space<hbm>> -> memref<1000000x64xf32, #tpu.memory_space<hbm>>
    tpu.wait_indirect_dma semaphore(%arg26 : memref<!tpu.dma_semaphore, #tpu.memory_space<semaphore_mem>>) src(%dma_wait3A_30 : memref<1000000x64xf32, #tpu.memory_space<hbm>>) dst(%arg21 : memref<128x64xf32, #tpu.memory_space<vmem>>)
    %iota3A = tpu.iota {dimensions = array<i32: 0>} : vector<16xi32>
    %mul3A_31 = arith.constant 16 : i32
    %mul3A_32 = vector.broadcast %mul3A_31 : i32 to vector<16xi32>
    %mul3A_33 = arith.muli %iota3A, %mul3A_32 : vector<16xi32>
    %scan3A = arith.constant 0 : i32
    %scan3A_34 = arith.constant 0 : i32
    %scan3A_35 = arith.constant 8 : i32
    %scan3A_36 = arith.addi %scan3A_34, %scan3A_35 : i32
    %scan3A_37 = arith.constant 1 : i32
    %scan3A_38 = scf.for %scan3A_548 = %scan3A_34 to %scan3A_36 step %scan3A_37 iter_args(%scan3A_549 = %scan3A) -> (i32)  : i32 {
      %mul3A_550 = arith.constant 16 : i32
      %mul3A_551 = arith.muli %scan3A_548, %mul3A_550 : i32
      %scan3A_552 = arith.constant 0 : i32
      %scan3A_553 = arith.constant 0 : i32
      %scan3A_554 = arith.constant 16 : i32
      %scan3A_555 = arith.addi %scan3A_553, %scan3A_554 : i32
      %scan3A_556 = arith.constant 1 : i32
      %scan3A_557 = scf.for %scan3A_573 = %scan3A_553 to %scan3A_555 step %scan3A_556 iter_args(%scan3A_574 = %scan3A_552) -> (i32)  : i32 {
        %add3A_575 = arith.addi %mul3A_551, %scan3A_573 : i32
        %get3A_576 = arith.index_cast %add3A_575 : i32 to index
        %get3A_577 = arith.constant 0 : index
        %get3A_578 = tpu.vector_load %arg19[%get3A_576, %get3A_577] {strides = array<i32>} : memref<128x64xf32, #tpu.memory_space<vmem>>, vector<16xf32>,
        %get3A_579 = arith.index_cast %add3A_575 : i32 to index
        %get3A_580 = arith.constant 0 : index
        %get3A_581 = tpu.vector_load %arg20[%get3A_579, %get3A_580] {strides = array<i32>} : memref<128x64xf32, #tpu.memory_space<vmem>>, vector<16xf32>,
        %mul3A_582 = arith.mulf %get3A_578, %get3A_581 : vector<16xf32>
        %get3A_583 = arith.index_cast %add3A_575 : i32 to index
        %get3A_584 = arith.constant 0 : index
        %get3A_585 = tpu.vector_load %arg21[%get3A_583, %get3A_584] {strides = array<i32>} : memref<128x64xf32, #tpu.memory_space<vmem>>, vector<16xf32>,
        %mul3A_586 = arith.mulf %mul3A_582, %get3A_585 : vector<16xf32>
        %get3A_587 = arith.index_cast %add3A_575 : i32 to index
        %get3A_588 = arith.constant 16 : index
        %get3A_589 = tpu.vector_load %arg19[%get3A_587, %get3A_588] {strides = array<i32>} : memref<128x64xf32, #tpu.memory_space<vmem>>, vector<16xf32>,
        %get3A_590 = arith.index_cast %add3A_575 : i32 to index
        %get3A_591 = arith.constant 16 : index
        %get3A_592 = tpu.vector_load %arg20[%get3A_590, %get3A_591] {strides = array<i32>} : memref<128x64xf32, #tpu.memory_space<vmem>>, vector<16xf32>,
        %mul3A_593 = arith.mulf %get3A_589, %get3A_592 : vector<16xf32>
        %get3A_594 = arith.index_cast %add3A_575 : i32 to index
        %get3A_595 = arith.constant 16 : index
        %get3A_596 = tpu.vector_load %arg21[%get3A_594, %get3A_595] {strides = array<i32>} : memref<128x64xf32, #tpu.memory_space<vmem>>, vector<16xf32>,
        %mul3A_597 = arith.mulf %mul3A_593, %get3A_596 : vector<16xf32>
        %add3A_598 = arith.addf %mul3A_586, %mul3A_597 : vector<16xf32>
        %get3A_599 = arith.index_cast %add3A_575 : i32 to index
        %get3A_600 = arith.constant 32 : index
        %get3A_601 = tpu.vector_load %arg19[%get3A_599, %get3A_600] {strides = array<i32>} : memref<128x64xf32, #tpu.memory_space<vmem>>, vector<16xf32>,
        %get3A_602 = arith.index_cast %add3A_575 : i32 to index
        %get3A_603 = arith.constant 32 : index
        %get3A_604 = tpu.vector_load %arg20[%get3A_602, %get3A_603] {strides = array<i32>} : memref<128x64xf32, #tpu.memory_space<vmem>>, vector<16xf32>,
        %mul3A_605 = arith.mulf %get3A_601, %get3A_604 : vector<16xf32>
        %get3A_606 = arith.index_cast %add3A_575 : i32 to index
        %get3A_607 = arith.constant 32 : index
        %get3A_608 = tpu.vector_load %arg21[%get3A_606, %get3A_607] {strides = array<i32>} : memref<128x64xf32, #tpu.memory_space<vmem>>, vector<16xf32>,
        %mul3A_609 = arith.mulf %mul3A_605, %get3A_608 : vector<16xf32>
        %add3A_610 = arith.addf %add3A_598, %mul3A_609 : vector<16xf32>
        %get3A_611 = arith.index_cast %add3A_575 : i32 to index
        %get3A_612 = arith.constant 48 : index
        %get3A_613 = tpu.vector_load %arg19[%get3A_611, %get3A_612] {strides = array<i32>} : memref<128x64xf32, #tpu.memory_space<vmem>>, vector<16xf32>,
        %get3A_614 = arith.index_cast %add3A_575 : i32 to index
        %get3A_615 = arith.constant 48 : index
        %get3A_616 = tpu.vector_load %arg20[%get3A_614, %get3A_615] {strides = array<i32>} : memref<128x64xf32, #tpu.memory_space<vmem>>, vector<16xf32>,
        %mul3A_617 = arith.mulf %get3A_613, %get3A_616 : vector<16xf32>
        %get3A_618 = arith.index_cast %add3A_575 : i32 to index
        %get3A_619 = arith.constant 48 : index
        %get3A_620 = tpu.vector_load %arg21[%get3A_618, %get3A_619] {strides = array<i32>} : memref<128x64xf32, #tpu.memory_space<vmem>>, vector<16xf32>,
        %mul3A_621 = arith.mulf %mul3A_617, %get3A_620 : vector<16xf32>
        %add3A_622 = arith.addf %add3A_610, %mul3A_621 : vector<16xf32>
        %mul3A_623 = arith.constant 16 : i32
        %mul3A_624 = arith.muli %scan3A_573, %mul3A_623 : i32
        %swap3A_625 = arith.index_cast %mul3A_624 : i32 to index
        %swap3A_626 = tpu.vector_load %arg22[%swap3A_625] {strides = array<i32>} : memref<256xf32, #tpu.memory_space<vmem>>, vector<16xf32>,
        tpu.vector_store %arg22[%swap3A_625], %add3A_622 {strides = array<i32>} : memref<256xf32, #tpu.memory_space<vmem>>, vector<16xf32>,
        %scan3A_627 = arith.constant 0 : i32
        scf.yield %scan3A_627 : i32
      }
      %scan3A_558 = arith.constant 16 : i32
      %broadcast_in_dim3A = arith.constant 0.000000e+00 : f32
      %broadcast_in_dim3A_559 = vector.broadcast %broadcast_in_dim3A : f32 to vector<16xf32>
      %scan3A_560 = arith.constant 0 : i32
      %scan3A_561 = arith.constant 16 : i32
      %scan3A_562 = arith.addi %scan3A_560, %scan3A_561 : i32
      %scan3A_563 = arith.constant 1 : i32
      %scan3A_564 = scf.for %scan3A_573 = %scan3A_560 to %scan3A_562 step %scan3A_563 iter_args(%scan3A_574 = %broadcast_in_dim3A_559) -> (vector<16xf32>)  : i32 {
        %add3A_575 = vector.broadcast %scan3A_573 : i32 to vector<16xi32>
        %add3A_576 = arith.addi %mul3A_33, %add3A_575 : vector<16xi32>
        %gather3A = tpu.vector_load_idx %arg22[%add3A_576] : memref<256xf32, #tpu.memory_space<vmem>>[vector<16xi32>], vector<16xf32>,
        %add3A_577 = arith.addf %scan3A_574, %gather3A : vector<16xf32>
        scf.yield %add3A_577 : vector<16xf32>
      }
      %scan3A_565 = arith.constant 16 : i32
      %mul3A_566 = arith.constant 16 : i32
      %mul3A_567 = arith.muli %scan3A_548, %mul3A_566 : i32
      %add3A_568 = arith.constant 0 : i32
      %add3A_569 = arith.addi %add3A_568, %mul3A_567 : i32
      %swap3A_570 = arith.index_cast %add3A_569 : i32 to index
      %swap3A_571 = tpu.vector_load %arg23[%swap3A_570] {strides = array<i32>} : memref<512xf32, #tpu.memory_space<vmem>>, vector<16xf32>,
      tpu.vector_store %arg23[%swap3A_570], %scan3A_564 {strides = array<i32>} : memref<512xf32, #tpu.memory_space<vmem>>, vector<16xf32>,
      %scan3A_572 = arith.constant 0 : i32
      scf.yield %scan3A_572 : i32
    }
    %scan3A_39 = arith.constant 8 : i32
    %dma_start3A_40 = arith.constant 128 : i32
    %dma_start3A_41 = tpu.memref_slice %arg13[%dma_start3A_40] : memref<512xi32, #tpu.memory_space<vmem>> -> memref<128xi32, #tpu.memory_space<vmem>>
    %dma_start3A_42 = arith.constant 0 : i32
    %dma_start3A_43 = arith.constant 0 : i32
    %dma_start3A_44 = tpu.memref_slice %arg2[%dma_start3A_42, %dma_start3A_43] : memref<1000000x64xf32, #tpu.memory_space<hbm>> -> memref<1000000x64xf32, #tpu.memory_space<hbm>>
    tpu.enqueue_indirect_dma source(%dma_start3A_44 : memref<1000000x64xf32, #tpu.memory_space<hbm>>) target(%arg19 : memref<128x64xf32, #tpu.memory_space<vmem>>) offsets(%dma_start3A_41 : memref<128xi32, #tpu.memory_space<vmem>>) semaphore(%arg26 : memref<!tpu.dma_semaphore, #tpu.memory_space<semaphore_mem>>)
    %dma_start3A_45 = arith.constant 128 : i32
    %dma_start3A_46 = tpu.memref_slice %arg14[%dma_start3A_45] : memref<512xi32, #tpu.memory_space<vmem>> -> memref<128xi32, #tpu.memory_space<vmem>>
    %dma_start3A_47 = arith.constant 0 : i32
    %dma_start3A_48 = arith.constant 0 : i32
    %dma_start3A_49 = tpu.memref_slice %arg3[%dma_start3A_47, %dma_start3A_48] : memref<1000000x64xf32, #tpu.memory_space<hbm>> -> memref<1000000x64xf32, #tpu.memory_space<hbm>>
    tpu.enqueue_indirect_dma source(%dma_start3A_49 : memref<1000000x64xf32, #tpu.memory_space<hbm>>) target(%arg20 : memref<128x64xf32, #tpu.memory_space<vmem>>) offsets(%dma_start3A_46 : memref<128xi32, #tpu.memory_space<vmem>>) semaphore(%arg26 : memref<!tpu.dma_semaphore, #tpu.memory_space<semaphore_mem>>)
    %dma_start3A_50 = arith.constant 128 : i32
    %dma_start3A_51 = tpu.memref_slice %arg15[%dma_start3A_50] : memref<512xi32, #tpu.memory_space<vmem>> -> memref<128xi32, #tpu.memory_space<vmem>>
    %dma_start3A_52 = arith.constant 0 : i32
    %dma_start3A_53 = arith.constant 0 : i32
    %dma_start3A_54 = tpu.memref_slice %arg3[%dma_start3A_52, %dma_start3A_53] : memref<1000000x64xf32, #tpu.memory_space<hbm>> -> memref<1000000x64xf32, #tpu.memory_space<hbm>>
    tpu.enqueue_indirect_dma source(%dma_start3A_54 : memref<1000000x64xf32, #tpu.memory_space<hbm>>) target(%arg21 : memref<128x64xf32, #tpu.memory_space<vmem>>) offsets(%dma_start3A_51 : memref<128xi32, #tpu.memory_space<vmem>>) semaphore(%arg26 : memref<!tpu.dma_semaphore, #tpu.memory_space<semaphore_mem>>)
    %dma_wait3A_55 = arith.constant 128 : i32
    %dma_wait3A_56 = tpu.memref_slice %arg13[%dma_wait3A_55] : memref<512xi32, #tpu.memory_space<vmem>> -> memref<128xi32, #tpu.memory_space<vmem>>
    %dma_wait3A_57 = arith.constant 0 : i32
    %dma_wait3A_58 = arith.constant 0 : i32
    %dma_wait3A_59 = tpu.memref_slice %arg2[%dma_wait3A_57, %dma_wait3A_58] : memref<1000000x64xf32, #tpu.memory_space<hbm>> -> memref<1000000x64xf32, #tpu.memory_space<hbm>>
    tpu.wait_indirect_dma semaphore(%arg26 : memref<!tpu.dma_semaphore, #tpu.memory_space<semaphore_mem>>) src(%dma_wait3A_59 : memref<1000000x64xf32, #tpu.memory_space<hbm>>) dst(%arg19 : memref<128x64xf32, #tpu.memory_space<vmem>>)
    %dma_wait3A_60 = arith.constant 128 : i32
    %dma_wait3A_61 = tpu.memref_slice %arg14[%dma_wait3A_60] : memref<512xi32, #tpu.memory_space<vmem>> -> memref<128xi32, #tpu.memory_space<vmem>>
    %dma_wait3A_62 = arith.constant 0 : i32
    %dma_wait3A_63 = arith.constant 0 : i32
    %dma_wait3A_64 = tpu.memref_slice %arg3[%dma_wait3A_62, %dma_wait3A_63] : memref<1000000x64xf32, #tpu.memory_space<hbm>> -> memref<1000000x64xf32, #tpu.memory_space<hbm>>
    tpu.wait_indirect_dma semaphore(%arg26 : memref<!tpu.dma_semaphore, #tpu.memory_space<semaphore_mem>>) src(%dma_wait3A_64 : memref<1000000x64xf32, #tpu.memory_space<hbm>>) dst(%arg20 : memref<128x64xf32, #tpu.memory_space<vmem>>)
    %dma_wait3A_65 = arith.constant 128 : i32
    %dma_wait3A_66 = tpu.memref_slice %arg15[%dma_wait3A_65] : memref<512xi32, #tpu.memory_space<vmem>> -> memref<128xi32, #tpu.memory_space<vmem>>
    %dma_wait3A_67 = arith.constant 0 : i32
    %dma_wait3A_68 = arith.constant 0 : i32
    %dma_wait3A_69 = tpu.memref_slice %arg3[%dma_wait3A_67, %dma_wait3A_68] : memref<1000000x64xf32, #tpu.memory_space<hbm>> -> memref<1000000x64xf32, #tpu.memory_space<hbm>>
    tpu.wait_indirect_dma semaphore(%arg26 : memref<!tpu.dma_semaphore, #tpu.memory_space<semaphore_mem>>) src(%dma_wait3A_69 : memref<1000000x64xf32, #tpu.memory_space<hbm>>) dst(%arg21 : memref<128x64xf32, #tpu.memory_space<vmem>>)
    %iota3A_70 = tpu.iota {dimensions = array<i32: 0>} : vector<16xi32>
    %mul3A_71 = arith.constant 16 : i32
    %mul3A_72 = vector.broadcast %mul3A_71 : i32 to vector<16xi32>
    %mul3A_73 = arith.muli %iota3A_70, %mul3A_72 : vector<16xi32>
    %scan3A_74 = arith.constant 0 : i32
    %scan3A_75 = arith.constant 0 : i32
    %scan3A_76 = arith.constant 8 : i32
    %scan3A_77 = arith.addi %scan3A_75, %scan3A_76 : i32
    %scan3A_78 = arith.constant 1 : i32
    %scan3A_79 = scf.for %scan3A_548 = %scan3A_75 to %scan3A_77 step %scan3A_78 iter_args(%scan3A_549 = %scan3A_74) -> (i32)  : i32 {
      %mul3A_550 = arith.constant 16 : i32
      %mul3A_551 = arith.muli %scan3A_548, %mul3A_550 : i32
      %scan3A_552 = arith.constant 0 : i32
      %scan3A_553 = arith.constant 0 : i32
      %scan3A_554 = arith.constant 16 : i32
      %scan3A_555 = arith.addi %scan3A_553, %scan3A_554 : i32
      %scan3A_556 = arith.constant 1 : i32
      %scan3A_557 = scf.for %scan3A_573 = %scan3A_553 to %scan3A_555 step %scan3A_556 iter_args(%scan3A_574 = %scan3A_552) -> (i32)  : i32 {
        %add3A_575 = arith.addi %mul3A_551, %scan3A_573 : i32
        %get3A_576 = arith.index_cast %add3A_575 : i32 to index
        %get3A_577 = arith.constant 0 : index
        %get3A_578 = tpu.vector_load %arg19[%get3A_576, %get3A_577] {strides = array<i32>} : memref<128x64xf32, #tpu.memory_space<vmem>>, vector<16xf32>,
        %get3A_579 = arith.index_cast %add3A_575 : i32 to index
        %get3A_580 = arith.constant 0 : index
        %get3A_581 = tpu.vector_load %arg20[%get3A_579, %get3A_580] {strides = array<i32>} : memref<128x64xf32, #tpu.memory_space<vmem>>, vector<16xf32>,
        %mul3A_582 = arith.mulf %get3A_578, %get3A_581 : vector<16xf32>
        %get3A_583 = arith.index_cast %add3A_575 : i32 to index
        %get3A_584 = arith.constant 0 : index
        %get3A_585 = tpu.vector_load %arg21[%get3A_583, %get3A_584] {strides = array<i32>} : memref<128x64xf32, #tpu.memory_space<vmem>>, vector<16xf32>,
        %mul3A_586 = arith.mulf %mul3A_582, %get3A_585 : vector<16xf32>
        %get3A_587 = arith.index_cast %add3A_575 : i32 to index
        %get3A_588 = arith.constant 16 : index
        %get3A_589 = tpu.vector_load %arg19[%get3A_587, %get3A_588] {strides = array<i32>} : memref<128x64xf32, #tpu.memory_space<vmem>>, vector<16xf32>,
        %get3A_590 = arith.index_cast %add3A_575 : i32 to index
        %get3A_591 = arith.constant 16 : index
        %get3A_592 = tpu.vector_load %arg20[%get3A_590, %get3A_591] {strides = array<i32>} : memref<128x64xf32, #tpu.memory_space<vmem>>, vector<16xf32>,
        %mul3A_593 = arith.mulf %get3A_589, %get3A_592 : vector<16xf32>
        %get3A_594 = arith.index_cast %add3A_575 : i32 to index
        %get3A_595 = arith.constant 16 : index
        %get3A_596 = tpu.vector_load %arg21[%get3A_594, %get3A_595] {strides = array<i32>} : memref<128x64xf32, #tpu.memory_space<vmem>>, vector<16xf32>,
        %mul3A_597 = arith.mulf %mul3A_593, %get3A_596 : vector<16xf32>
        %add3A_598 = arith.addf %mul3A_586, %mul3A_597 : vector<16xf32>
        %get3A_599 = arith.index_cast %add3A_575 : i32 to index
        %get3A_600 = arith.constant 32 : index
        %get3A_601 = tpu.vector_load %arg19[%get3A_599, %get3A_600] {strides = array<i32>} : memref<128x64xf32, #tpu.memory_space<vmem>>, vector<16xf32>,
        %get3A_602 = arith.index_cast %add3A_575 : i32 to index
        %get3A_603 = arith.constant 32 : index
        %get3A_604 = tpu.vector_load %arg20[%get3A_602, %get3A_603] {strides = array<i32>} : memref<128x64xf32, #tpu.memory_space<vmem>>, vector<16xf32>,
        %mul3A_605 = arith.mulf %get3A_601, %get3A_604 : vector<16xf32>
        %get3A_606 = arith.index_cast %add3A_575 : i32 to index
        %get3A_607 = arith.constant 32 : index
        %get3A_608 = tpu.vector_load %arg21[%get3A_606, %get3A_607] {strides = array<i32>} : memref<128x64xf32, #tpu.memory_space<vmem>>, vector<16xf32>,
        %mul3A_609 = arith.mulf %mul3A_605, %get3A_608 : vector<16xf32>
        %add3A_610 = arith.addf %add3A_598, %mul3A_609 : vector<16xf32>
        %get3A_611 = arith.index_cast %add3A_575 : i32 to index
        %get3A_612 = arith.constant 48 : index
        %get3A_613 = tpu.vector_load %arg19[%get3A_611, %get3A_612] {strides = array<i32>} : memref<128x64xf32, #tpu.memory_space<vmem>>, vector<16xf32>,
        %get3A_614 = arith.index_cast %add3A_575 : i32 to index
        %get3A_615 = arith.constant 48 : index
        %get3A_616 = tpu.vector_load %arg20[%get3A_614, %get3A_615] {strides = array<i32>} : memref<128x64xf32, #tpu.memory_space<vmem>>, vector<16xf32>,
        %mul3A_617 = arith.mulf %get3A_613, %get3A_616 : vector<16xf32>
        %get3A_618 = arith.index_cast %add3A_575 : i32 to index
        %get3A_619 = arith.constant 48 : index
        %get3A_620 = tpu.vector_load %arg21[%get3A_618, %get3A_619] {strides = array<i32>} : memref<128x64xf32, #tpu.memory_space<vmem>>, vector<16xf32>,
        %mul3A_621 = arith.mulf %mul3A_617, %get3A_620 : vector<16xf32>
        %add3A_622 = arith.addf %add3A_610, %mul3A_621 : vector<16xf32>
        %mul3A_623 = arith.constant 16 : i32
        %mul3A_624 = arith.muli %scan3A_573, %mul3A_623 : i32
        %swap3A_625 = arith.index_cast %mul3A_624 : i32 to index
        %swap3A_626 = tpu.vector_load %arg22[%swap3A_625] {strides = array<i32>} : memref<256xf32, #tpu.memory_space<vmem>>, vector<16xf32>,
        tpu.vector_store %arg22[%swap3A_625], %add3A_622 {strides = array<i32>} : memref<256xf32, #tpu.memory_space<vmem>>, vector<16xf32>,
        %scan3A_627 = arith.constant 0 : i32
        scf.yield %scan3A_627 : i32
      }
      %scan3A_558 = arith.constant 16 : i32
      %broadcast_in_dim3A = arith.constant 0.000000e+00 : f32
      %broadcast_in_dim3A_559 = vector.broadcast %broadcast_in_dim3A : f32 to vector<16xf32>
      %scan3A_560 = arith.constant 0 : i32
      %scan3A_561 = arith.constant 16 : i32
      %scan3A_562 = arith.addi %scan3A_560, %scan3A_561 : i32
      %scan3A_563 = arith.constant 1 : i32
      %scan3A_564 = scf.for %scan3A_573 = %scan3A_560 to %scan3A_562 step %scan3A_563 iter_args(%scan3A_574 = %broadcast_in_dim3A_559) -> (vector<16xf32>)  : i32 {
        %add3A_575 = vector.broadcast %scan3A_573 : i32 to vector<16xi32>
        %add3A_576 = arith.addi %mul3A_73, %add3A_575 : vector<16xi32>
        %gather3A = tpu.vector_load_idx %arg22[%add3A_576] : memref<256xf32, #tpu.memory_space<vmem>>[vector<16xi32>], vector<16xf32>,
        %add3A_577 = arith.addf %scan3A_574, %gather3A : vector<16xf32>
        scf.yield %add3A_577 : vector<16xf32>
      }
      %scan3A_565 = arith.constant 16 : i32
      %mul3A_566 = arith.constant 16 : i32
      %mul3A_567 = arith.muli %scan3A_548, %mul3A_566 : i32
      %add3A_568 = arith.constant 128 : i32
      %add3A_569 = arith.addi %add3A_568, %mul3A_567 : i32
      %swap3A_570 = arith.index_cast %add3A_569 : i32 to index
      %swap3A_571 = tpu.vector_load %arg23[%swap3A_570] {strides = array<i32>} : memref<512xf32, #tpu.memory_space<vmem>>, vector<16xf32>,
      tpu.vector_store %arg23[%swap3A_570], %scan3A_564 {strides = array<i32>} : memref<512xf32, #tpu.memory_space<vmem>>, vector<16xf32>,
      %scan3A_572 = arith.constant 0 : i32
      scf.yield %scan3A_572 : i32
    }
    %scan3A_80 = arith.constant 8 : i32
    %dma_start3A_81 = arith.constant 256 : i32
    %dma_start3A_82 = tpu.memref_slice %arg13[%dma_start3A_81] : memref<512xi32, #tpu.memory_space<vmem>> -> memref<128xi32, #tpu.memory_space<vmem>>
    %dma_start3A_83 = arith.constant 0 : i32
    %dma_start3A_84 = arith.constant 0 : i32
    %dma_start3A_85 = tpu.memref_slice %arg2[%dma_start3A_83, %dma_start3A_84] : memref<1000000x64xf32, #tpu.memory_space<hbm>> -> memref<1000000x64xf32, #tpu.memory_space<hbm>>
    tpu.enqueue_indirect_dma source(%dma_start3A_85 : memref<1000000x64xf32, #tpu.memory_space<hbm>>) target(%arg19 : memref<128x64xf32, #tpu.memory_space<vmem>>) offsets(%dma_start3A_82 : memref<128xi32, #tpu.memory_space<vmem>>) semaphore(%arg26 : memref<!tpu.dma_semaphore, #tpu.memory_space<semaphore_mem>>)
    %dma_start3A_86 = arith.constant 256 : i32
    %dma_start3A_87 = tpu.memref_slice %arg14[%dma_start3A_86] : memref<512xi32, #tpu.memory_space<vmem>> -> memref<128xi32, #tpu.memory_space<vmem>>
    %dma_start3A_88 = arith.constant 0 : i32
    %dma_start3A_89 = arith.constant 0 : i32
    %dma_start3A_90 = tpu.memref_slice %arg3[%dma_start3A_88, %dma_start3A_89] : memref<1000000x64xf32, #tpu.memory_space<hbm>> -> memref<1000000x64xf32, #tpu.memory_space<hbm>>
    tpu.enqueue_indirect_dma source(%dma_start3A_90 : memref<1000000x64xf32, #tpu.memory_space<hbm>>) target(%arg20 : memref<128x64xf32, #tpu.memory_space<vmem>>) offsets(%dma_start3A_87 : memref<128xi32, #tpu.memory_space<vmem>>) semaphore(%arg26 : memref<!tpu.dma_semaphore, #tpu.memory_space<semaphore_mem>>)
    %dma_start3A_91 = arith.constant 256 : i32
    %dma_start3A_92 = tpu.memref_slice %arg15[%dma_start3A_91] : memref<512xi32, #tpu.memory_space<vmem>> -> memref<128xi32, #tpu.memory_space<vmem>>
    %dma_start3A_93 = arith.constant 0 : i32
    %dma_start3A_94 = arith.constant 0 : i32
    %dma_start3A_95 = tpu.memref_slice %arg3[%dma_start3A_93, %dma_start3A_94] : memref<1000000x64xf32, #tpu.memory_space<hbm>> -> memref<1000000x64xf32, #tpu.memory_space<hbm>>
    tpu.enqueue_indirect_dma source(%dma_start3A_95 : memref<1000000x64xf32, #tpu.memory_space<hbm>>) target(%arg21 : memref<128x64xf32, #tpu.memory_space<vmem>>) offsets(%dma_start3A_92 : memref<128xi32, #tpu.memory_space<vmem>>) semaphore(%arg26 : memref<!tpu.dma_semaphore, #tpu.memory_space<semaphore_mem>>)
    %dma_wait3A_96 = arith.constant 256 : i32
    %dma_wait3A_97 = tpu.memref_slice %arg13[%dma_wait3A_96] : memref<512xi32, #tpu.memory_space<vmem>> -> memref<128xi32, #tpu.memory_space<vmem>>
    %dma_wait3A_98 = arith.constant 0 : i32
    %dma_wait3A_99 = arith.constant 0 : i32
    %dma_wait3A_100 = tpu.memref_slice %arg2[%dma_wait3A_98, %dma_wait3A_99] : memref<1000000x64xf32, #tpu.memory_space<hbm>> -> memref<1000000x64xf32, #tpu.memory_space<hbm>>
    tpu.wait_indirect_dma semaphore(%arg26 : memref<!tpu.dma_semaphore, #tpu.memory_space<semaphore_mem>>) src(%dma_wait3A_100 : memref<1000000x64xf32, #tpu.memory_space<hbm>>) dst(%arg19 : memref<128x64xf32, #tpu.memory_space<vmem>>)
    %dma_wait3A_101 = arith.constant 256 : i32
    %dma_wait3A_102 = tpu.memref_slice %arg14[%dma_wait3A_101] : memref<512xi32, #tpu.memory_space<vmem>> -> memref<128xi32, #tpu.memory_space<vmem>>
    %dma_wait3A_103 = arith.constant 0 : i32
    %dma_wait3A_104 = arith.constant 0 : i32
    %dma_wait3A_105 = tpu.memref_slice %arg3[%dma_wait3A_103, %dma_wait3A_104] : memref<1000000x64xf32, #tpu.memory_space<hbm>> -> memref<1000000x64xf32, #tpu.memory_space<hbm>>
    tpu.wait_indirect_dma semaphore(%arg26 : memref<!tpu.dma_semaphore, #tpu.memory_space<semaphore_mem>>) src(%dma_wait3A_105 : memref<1000000x64xf32, #tpu.memory_space<hbm>>) dst(%arg20 : memref<128x64xf32, #tpu.memory_space<vmem>>)
    %dma_wait3A_106 = arith.constant 256 : i32
    %dma_wait3A_107 = tpu.memref_slice %arg15[%dma_wait3A_106] : memref<512xi32, #tpu.memory_space<vmem>> -> memref<128xi32, #tpu.memory_space<vmem>>
    %dma_wait3A_108 = arith.constant 0 : i32
    %dma_wait3A_109 = arith.constant 0 : i32
    %dma_wait3A_110 = tpu.memref_slice %arg3[%dma_wait3A_108, %dma_wait3A_109] : memref<1000000x64xf32, #tpu.memory_space<hbm>> -> memref<1000000x64xf32, #tpu.memory_space<hbm>>
    tpu.wait_indirect_dma semaphore(%arg26 : memref<!tpu.dma_semaphore, #tpu.memory_space<semaphore_mem>>) src(%dma_wait3A_110 : memref<1000000x64xf32, #tpu.memory_space<hbm>>) dst(%arg21 : memref<128x64xf32, #tpu.memory_space<vmem>>)
    %iota3A_111 = tpu.iota {dimensions = array<i32: 0>} : vector<16xi32>
    %mul3A_112 = arith.constant 16 : i32
    %mul3A_113 = vector.broadcast %mul3A_112 : i32 to vector<16xi32>
    %mul3A_114 = arith.muli %iota3A_111, %mul3A_113 : vector<16xi32>
    %scan3A_115 = arith.constant 0 : i32
    %scan3A_116 = arith.constant 0 : i32
    %scan3A_117 = arith.constant 8 : i32
    %scan3A_118 = arith.addi %scan3A_116, %scan3A_117 : i32
    %scan3A_119 = arith.constant 1 : i32
    %scan3A_120 = scf.for %scan3A_548 = %scan3A_116 to %scan3A_118 step %scan3A_119 iter_args(%scan3A_549 = %scan3A_115) -> (i32)  : i32 {
      %mul3A_550 = arith.constant 16 : i32
      %mul3A_551 = arith.muli %scan3A_548, %mul3A_550 : i32
      %scan3A_552 = arith.constant 0 : i32
      %scan3A_553 = arith.constant 0 : i32
      %scan3A_554 = arith.constant 16 : i32
      %scan3A_555 = arith.addi %scan3A_553, %scan3A_554 : i32
      %scan3A_556 = arith.constant 1 : i32
      %scan3A_557 = scf.for %scan3A_573 = %scan3A_553 to %scan3A_555 step %scan3A_556 iter_args(%scan3A_574 = %scan3A_552) -> (i32)  : i32 {
        %add3A_575 = arith.addi %mul3A_551, %scan3A_573 : i32
        %get3A_576 = arith.index_cast %add3A_575 : i32 to index
        %get3A_577 = arith.constant 0 : index
        %get3A_578 = tpu.vector_load %arg19[%get3A_576, %get3A_577] {strides = array<i32>} : memref<128x64xf32, #tpu.memory_space<vmem>>, vector<16xf32>,
        %get3A_579 = arith.index_cast %add3A_575 : i32 to index
        %get3A_580 = arith.constant 0 : index
        %get3A_581 = tpu.vector_load %arg20[%get3A_579, %get3A_580] {strides = array<i32>} : memref<128x64xf32, #tpu.memory_space<vmem>>, vector<16xf32>,
        %mul3A_582 = arith.mulf %get3A_578, %get3A_581 : vector<16xf32>
        %get3A_583 = arith.index_cast %add3A_575 : i32 to index
        %get3A_584 = arith.constant 0 : index
        %get3A_585 = tpu.vector_load %arg21[%get3A_583, %get3A_584] {strides = array<i32>} : memref<128x64xf32, #tpu.memory_space<vmem>>, vector<16xf32>,
        %mul3A_586 = arith.mulf %mul3A_582, %get3A_585 : vector<16xf32>
        %get3A_587 = arith.index_cast %add3A_575 : i32 to index
        %get3A_588 = arith.constant 16 : index
        %get3A_589 = tpu.vector_load %arg19[%get3A_587, %get3A_588] {strides = array<i32>} : memref<128x64xf32, #tpu.memory_space<vmem>>, vector<16xf32>,
        %get3A_590 = arith.index_cast %add3A_575 : i32 to index
        %get3A_591 = arith.constant 16 : index
        %get3A_592 = tpu.vector_load %arg20[%get3A_590, %get3A_591] {strides = array<i32>} : memref<128x64xf32, #tpu.memory_space<vmem>>, vector<16xf32>,
        %mul3A_593 = arith.mulf %get3A_589, %get3A_592 : vector<16xf32>
        %get3A_594 = arith.index_cast %add3A_575 : i32 to index
        %get3A_595 = arith.constant 16 : index
        %get3A_596 = tpu.vector_load %arg21[%get3A_594, %get3A_595] {strides = array<i32>} : memref<128x64xf32, #tpu.memory_space<vmem>>, vector<16xf32>,
        %mul3A_597 = arith.mulf %mul3A_593, %get3A_596 : vector<16xf32>
        %add3A_598 = arith.addf %mul3A_586, %mul3A_597 : vector<16xf32>
        %get3A_599 = arith.index_cast %add3A_575 : i32 to index
        %get3A_600 = arith.constant 32 : index
        %get3A_601 = tpu.vector_load %arg19[%get3A_599, %get3A_600] {strides = array<i32>} : memref<128x64xf32, #tpu.memory_space<vmem>>, vector<16xf32>,
        %get3A_602 = arith.index_cast %add3A_575 : i32 to index
        %get3A_603 = arith.constant 32 : index
        %get3A_604 = tpu.vector_load %arg20[%get3A_602, %get3A_603] {strides = array<i32>} : memref<128x64xf32, #tpu.memory_space<vmem>>, vector<16xf32>,
        %mul3A_605 = arith.mulf %get3A_601, %get3A_604 : vector<16xf32>
        %get3A_606 = arith.index_cast %add3A_575 : i32 to index
        %get3A_607 = arith.constant 32 : index
        %get3A_608 = tpu.vector_load %arg21[%get3A_606, %get3A_607] {strides = array<i32>} : memref<128x64xf32, #tpu.memory_space<vmem>>, vector<16xf32>,
        %mul3A_609 = arith.mulf %mul3A_605, %get3A_608 : vector<16xf32>
        %add3A_610 = arith.addf %add3A_598, %mul3A_609 : vector<16xf32>
        %get3A_611 = arith.index_cast %add3A_575 : i32 to index
        %get3A_612 = arith.constant 48 : index
        %get3A_613 = tpu.vector_load %arg19[%get3A_611, %get3A_612] {strides = array<i32>} : memref<128x64xf32, #tpu.memory_space<vmem>>, vector<16xf32>,
        %get3A_614 = arith.index_cast %add3A_575 : i32 to index
        %get3A_615 = arith.constant 48 : index
        %get3A_616 = tpu.vector_load %arg20[%get3A_614, %get3A_615] {strides = array<i32>} : memref<128x64xf32, #tpu.memory_space<vmem>>, vector<16xf32>,
        %mul3A_617 = arith.mulf %get3A_613, %get3A_616 : vector<16xf32>
        %get3A_618 = arith.index_cast %add3A_575 : i32 to index
        %get3A_619 = arith.constant 48 : index
        %get3A_620 = tpu.vector_load %arg21[%get3A_618, %get3A_619] {strides = array<i32>} : memref<128x64xf32, #tpu.memory_space<vmem>>, vector<16xf32>,
        %mul3A_621 = arith.mulf %mul3A_617, %get3A_620 : vector<16xf32>
        %add3A_622 = arith.addf %add3A_610, %mul3A_621 : vector<16xf32>
        %mul3A_623 = arith.constant 16 : i32
        %mul3A_624 = arith.muli %scan3A_573, %mul3A_623 : i32
        %swap3A_625 = arith.index_cast %mul3A_624 : i32 to index
        %swap3A_626 = tpu.vector_load %arg22[%swap3A_625] {strides = array<i32>} : memref<256xf32, #tpu.memory_space<vmem>>, vector<16xf32>,
        tpu.vector_store %arg22[%swap3A_625], %add3A_622 {strides = array<i32>} : memref<256xf32, #tpu.memory_space<vmem>>, vector<16xf32>,
        %scan3A_627 = arith.constant 0 : i32
        scf.yield %scan3A_627 : i32
      }
      %scan3A_558 = arith.constant 16 : i32
      %broadcast_in_dim3A = arith.constant 0.000000e+00 : f32
      %broadcast_in_dim3A_559 = vector.broadcast %broadcast_in_dim3A : f32 to vector<16xf32>
      %scan3A_560 = arith.constant 0 : i32
      %scan3A_561 = arith.constant 16 : i32
      %scan3A_562 = arith.addi %scan3A_560, %scan3A_561 : i32
      %scan3A_563 = arith.constant 1 : i32
      %scan3A_564 = scf.for %scan3A_573 = %scan3A_560 to %scan3A_562 step %scan3A_563 iter_args(%scan3A_574 = %broadcast_in_dim3A_559) -> (vector<16xf32>)  : i32 {
        %add3A_575 = vector.broadcast %scan3A_573 : i32 to vector<16xi32>
        %add3A_576 = arith.addi %mul3A_114, %add3A_575 : vector<16xi32>
        %gather3A = tpu.vector_load_idx %arg22[%add3A_576] : memref<256xf32, #tpu.memory_space<vmem>>[vector<16xi32>], vector<16xf32>,
        %add3A_577 = arith.addf %scan3A_574, %gather3A : vector<16xf32>
        scf.yield %add3A_577 : vector<16xf32>
      }
      %scan3A_565 = arith.constant 16 : i32
      %mul3A_566 = arith.constant 16 : i32
      %mul3A_567 = arith.muli %scan3A_548, %mul3A_566 : i32
      %add3A_568 = arith.constant 256 : i32
      %add3A_569 = arith.addi %add3A_568, %mul3A_567 : i32
      %swap3A_570 = arith.index_cast %add3A_569 : i32 to index
      %swap3A_571 = tpu.vector_load %arg23[%swap3A_570] {strides = array<i32>} : memref<512xf32, #tpu.memory_space<vmem>>, vector<16xf32>,
      tpu.vector_store %arg23[%swap3A_570], %scan3A_564 {strides = array<i32>} : memref<512xf32, #tpu.memory_space<vmem>>, vector<16xf32>,
      %scan3A_572 = arith.constant 0 : i32
      scf.yield %scan3A_572 : i32
    }
    %scan3A_121 = arith.constant 8 : i32
    %dma_start3A_122 = arith.constant 384 : i32
    %dma_start3A_123 = tpu.memref_slice %arg13[%dma_start3A_122] : memref<512xi32, #tpu.memory_space<vmem>> -> memref<128xi32, #tpu.memory_space<vmem>>
    %dma_start3A_124 = arith.constant 0 : i32
    %dma_start3A_125 = arith.constant 0 : i32
    %dma_start3A_126 = tpu.memref_slice %arg2[%dma_start3A_124, %dma_start3A_125] : memref<1000000x64xf32, #tpu.memory_space<hbm>> -> memref<1000000x64xf32, #tpu.memory_space<hbm>>
    tpu.enqueue_indirect_dma source(%dma_start3A_126 : memref<1000000x64xf32, #tpu.memory_space<hbm>>) target(%arg19 : memref<128x64xf32, #tpu.memory_space<vmem>>) offsets(%dma_start3A_123 : memref<128xi32, #tpu.memory_space<vmem>>) semaphore(%arg26 : memref<!tpu.dma_semaphore, #tpu.memory_space<semaphore_mem>>)
    %dma_start3A_127 = arith.constant 384 : i32
    %dma_start3A_128 = tpu.memref_slice %arg14[%dma_start3A_127] : memref<512xi32, #tpu.memory_space<vmem>> -> memref<128xi32, #tpu.memory_space<vmem>>
    %dma_start3A_129 = arith.constant 0 : i32
    %dma_start3A_130 = arith.constant 0 : i32
    %dma_start3A_131 = tpu.memref_slice %arg3[%dma_start3A_129, %dma_start3A_130] : memref<1000000x64xf32, #tpu.memory_space<hbm>> -> memref<1000000x64xf32, #tpu.memory_space<hbm>>
    tpu.enqueue_indirect_dma source(%dma_start3A_131 : memref<1000000x64xf32, #tpu.memory_space<hbm>>) target(%arg20 : memref<128x64xf32, #tpu.memory_space<vmem>>) offsets(%dma_start3A_128 : memref<128xi32, #tpu.memory_space<vmem>>) semaphore(%arg26 : memref<!tpu.dma_semaphore, #tpu.memory_space<semaphore_mem>>)
    %dma_start3A_132 = arith.constant 384 : i32
    %dma_start3A_133 = tpu.memref_slice %arg15[%dma_start3A_132] : memref<512xi32, #tpu.memory_space<vmem>> -> memref<128xi32, #tpu.memory_space<vmem>>
    %dma_start3A_134 = arith.constant 0 : i32
    %dma_start3A_135 = arith.constant 0 : i32
    %dma_start3A_136 = tpu.memref_slice %arg3[%dma_start3A_134, %dma_start3A_135] : memref<1000000x64xf32, #tpu.memory_space<hbm>> -> memref<1000000x64xf32, #tpu.memory_space<hbm>>
    tpu.enqueue_indirect_dma source(%dma_start3A_136 : memref<1000000x64xf32, #tpu.memory_space<hbm>>) target(%arg21 : memref<128x64xf32, #tpu.memory_space<vmem>>) offsets(%dma_start3A_133 : memref<128xi32, #tpu.memory_space<vmem>>) semaphore(%arg26 : memref<!tpu.dma_semaphore, #tpu.memory_space<semaphore_mem>>)
    %dma_wait3A_137 = arith.constant 384 : i32
    %dma_wait3A_138 = tpu.memref_slice %arg13[%dma_wait3A_137] : memref<512xi32, #tpu.memory_space<vmem>> -> memref<128xi32, #tpu.memory_space<vmem>>
    %dma_wait3A_139 = arith.constant 0 : i32
    %dma_wait3A_140 = arith.constant 0 : i32
    %dma_wait3A_141 = tpu.memref_slice %arg2[%dma_wait3A_139, %dma_wait3A_140] : memref<1000000x64xf32, #tpu.memory_space<hbm>> -> memref<1000000x64xf32, #tpu.memory_space<hbm>>
    tpu.wait_indirect_dma semaphore(%arg26 : memref<!tpu.dma_semaphore, #tpu.memory_space<semaphore_mem>>) src(%dma_wait3A_141 : memref<1000000x64xf32, #tpu.memory_space<hbm>>) dst(%arg19 : memref<128x64xf32, #tpu.memory_space<vmem>>)
    %dma_wait3A_142 = arith.constant 384 : i32
    %dma_wait3A_143 = tpu.memref_slice %arg14[%dma_wait3A_142] : memref<512xi32, #tpu.memory_space<vmem>> -> memref<128xi32, #tpu.memory_space<vmem>>
    %dma_wait3A_144 = arith.constant 0 : i32
    %dma_wait3A_145 = arith.constant 0 : i32
    %dma_wait3A_146 = tpu.memref_slice %arg3[%dma_wait3A_144, %dma_wait3A_145] : memref<1000000x64xf32, #tpu.memory_space<hbm>> -> memref<1000000x64xf32, #tpu.memory_space<hbm>>
    tpu.wait_indirect_dma semaphore(%arg26 : memref<!tpu.dma_semaphore, #tpu.memory_space<semaphore_mem>>) src(%dma_wait3A_146 : memref<1000000x64xf32, #tpu.memory_space<hbm>>) dst(%arg20 : memref<128x64xf32, #tpu.memory_space<vmem>>)
    %dma_wait3A_147 = arith.constant 384 : i32
    %dma_wait3A_148 = tpu.memref_slice %arg15[%dma_wait3A_147] : memref<512xi32, #tpu.memory_space<vmem>> -> memref<128xi32, #tpu.memory_space<vmem>>
    %dma_wait3A_149 = arith.constant 0 : i32
    %dma_wait3A_150 = arith.constant 0 : i32
    %dma_wait3A_151 = tpu.memref_slice %arg3[%dma_wait3A_149, %dma_wait3A_150] : memref<1000000x64xf32, #tpu.memory_space<hbm>> -> memref<1000000x64xf32, #tpu.memory_space<hbm>>
    tpu.wait_indirect_dma semaphore(%arg26 : memref<!tpu.dma_semaphore, #tpu.memory_space<semaphore_mem>>) src(%dma_wait3A_151 : memref<1000000x64xf32, #tpu.memory_space<hbm>>) dst(%arg21 : memref<128x64xf32, #tpu.memory_space<vmem>>)
    %iota3A_152 = tpu.iota {dimensions = array<i32: 0>} : vector<16xi32>
    %mul3A_153 = arith.constant 16 : i32
    %mul3A_154 = vector.broadcast %mul3A_153 : i32 to vector<16xi32>
    %mul3A_155 = arith.muli %iota3A_152, %mul3A_154 : vector<16xi32>
    %scan3A_156 = arith.constant 0 : i32
    %scan3A_157 = arith.constant 0 : i32
    %scan3A_158 = arith.constant 8 : i32
    %scan3A_159 = arith.addi %scan3A_157, %scan3A_158 : i32
    %scan3A_160 = arith.constant 1 : i32
    %scan3A_161 = scf.for %scan3A_548 = %scan3A_157 to %scan3A_159 step %scan3A_160 iter_args(%scan3A_549 = %scan3A_156) -> (i32)  : i32 {
      %mul3A_550 = arith.constant 16 : i32
      %mul3A_551 = arith.muli %scan3A_548, %mul3A_550 : i32
      %scan3A_552 = arith.constant 0 : i32
      %scan3A_553 = arith.constant 0 : i32
      %scan3A_554 = arith.constant 16 : i32
      %scan3A_555 = arith.addi %scan3A_553, %scan3A_554 : i32
      %scan3A_556 = arith.constant 1 : i32
      %scan3A_557 = scf.for %scan3A_573 = %scan3A_553 to %scan3A_555 step %scan3A_556 iter_args(%scan3A_574 = %scan3A_552) -> (i32)  : i32 {
        %add3A_575 = arith.addi %mul3A_551, %scan3A_573 : i32
        %get3A_576 = arith.index_cast %add3A_575 : i32 to index
        %get3A_577 = arith.constant 0 : index
        %get3A_578 = tpu.vector_load %arg19[%get3A_576, %get3A_577] {strides = array<i32>} : memref<128x64xf32, #tpu.memory_space<vmem>>, vector<16xf32>,
        %get3A_579 = arith.index_cast %add3A_575 : i32 to index
        %get3A_580 = arith.constant 0 : index
        %get3A_581 = tpu.vector_load %arg20[%get3A_579, %get3A_580] {strides = array<i32>} : memref<128x64xf32, #tpu.memory_space<vmem>>, vector<16xf32>,
        %mul3A_582 = arith.mulf %get3A_578, %get3A_581 : vector<16xf32>
        %get3A_583 = arith.index_cast %add3A_575 : i32 to index
        %get3A_584 = arith.constant 0 : index
        %get3A_585 = tpu.vector_load %arg21[%get3A_583, %get3A_584] {strides = array<i32>} : memref<128x64xf32, #tpu.memory_space<vmem>>, vector<16xf32>,
        %mul3A_586 = arith.mulf %mul3A_582, %get3A_585 : vector<16xf32>
        %get3A_587 = arith.index_cast %add3A_575 : i32 to index
        %get3A_588 = arith.constant 16 : index
        %get3A_589 = tpu.vector_load %arg19[%get3A_587, %get3A_588] {strides = array<i32>} : memref<128x64xf32, #tpu.memory_space<vmem>>, vector<16xf32>,
        %get3A_590 = arith.index_cast %add3A_575 : i32 to index
        %get3A_591 = arith.constant 16 : index
        %get3A_592 = tpu.vector_load %arg20[%get3A_590, %get3A_591] {strides = array<i32>} : memref<128x64xf32, #tpu.memory_space<vmem>>, vector<16xf32>,
        %mul3A_593 = arith.mulf %get3A_589, %get3A_592 : vector<16xf32>
        %get3A_594 = arith.index_cast %add3A_575 : i32 to index
        %get3A_595 = arith.constant 16 : index
        %get3A_596 = tpu.vector_load %arg21[%get3A_594, %get3A_595] {strides = array<i32>} : memref<128x64xf32, #tpu.memory_space<vmem>>, vector<16xf32>,
        %mul3A_597 = arith.mulf %mul3A_593, %get3A_596 : vector<16xf32>
        %add3A_598 = arith.addf %mul3A_586, %mul3A_597 : vector<16xf32>
        %get3A_599 = arith.index_cast %add3A_575 : i32 to index
        %get3A_600 = arith.constant 32 : index
        %get3A_601 = tpu.vector_load %arg19[%get3A_599, %get3A_600] {strides = array<i32>} : memref<128x64xf32, #tpu.memory_space<vmem>>, vector<16xf32>,
        %get3A_602 = arith.index_cast %add3A_575 : i32 to index
        %get3A_603 = arith.constant 32 : index
        %get3A_604 = tpu.vector_load %arg20[%get3A_602, %get3A_603] {strides = array<i32>} : memref<128x64xf32, #tpu.memory_space<vmem>>, vector<16xf32>,
        %mul3A_605 = arith.mulf %get3A_601, %get3A_604 : vector<16xf32>
        %get3A_606 = arith.index_cast %add3A_575 : i32 to index
        %get3A_607 = arith.constant 32 : index
        %get3A_608 = tpu.vector_load %arg21[%get3A_606, %get3A_607] {strides = array<i32>} : memref<128x64xf32, #tpu.memory_space<vmem>>, vector<16xf32>,
        %mul3A_609 = arith.mulf %mul3A_605, %get3A_608 : vector<16xf32>
        %add3A_610 = arith.addf %add3A_598, %mul3A_609 : vector<16xf32>
        %get3A_611 = arith.index_cast %add3A_575 : i32 to index
        %get3A_612 = arith.constant 48 : index
        %get3A_613 = tpu.vector_load %arg19[%get3A_611, %get3A_612] {strides = array<i32>} : memref<128x64xf32, #tpu.memory_space<vmem>>, vector<16xf32>,
        %get3A_614 = arith.index_cast %add3A_575 : i32 to index
        %get3A_615 = arith.constant 48 : index
        %get3A_616 = tpu.vector_load %arg20[%get3A_614, %get3A_615] {strides = array<i32>} : memref<128x64xf32, #tpu.memory_space<vmem>>, vector<16xf32>,
        %mul3A_617 = arith.mulf %get3A_613, %get3A_616 : vector<16xf32>
        %get3A_618 = arith.index_cast %add3A_575 : i32 to index
        %get3A_619 = arith.constant 48 : index
        %get3A_620 = tpu.vector_load %arg21[%get3A_618, %get3A_619] {strides = array<i32>} : memref<128x64xf32, #tpu.memory_space<vmem>>, vector<16xf32>,
        %mul3A_621 = arith.mulf %mul3A_617, %get3A_620 : vector<16xf32>
        %add3A_622 = arith.addf %add3A_610, %mul3A_621 : vector<16xf32>
        %mul3A_623 = arith.constant 16 : i32
        %mul3A_624 = arith.muli %scan3A_573, %mul3A_623 : i32
        %swap3A_625 = arith.index_cast %mul3A_624 : i32 to index
        %swap3A_626 = tpu.vector_load %arg22[%swap3A_625] {strides = array<i32>} : memref<256xf32, #tpu.memory_space<vmem>>, vector<16xf32>,
        tpu.vector_store %arg22[%swap3A_625], %add3A_622 {strides = array<i32>} : memref<256xf32, #tpu.memory_space<vmem>>, vector<16xf32>,
        %scan3A_627 = arith.constant 0 : i32
        scf.yield %scan3A_627 : i32
      }
      %scan3A_558 = arith.constant 16 : i32
      %broadcast_in_dim3A = arith.constant 0.000000e+00 : f32
      %broadcast_in_dim3A_559 = vector.broadcast %broadcast_in_dim3A : f32 to vector<16xf32>
      %scan3A_560 = arith.constant 0 : i32
      %scan3A_561 = arith.constant 16 : i32
      %scan3A_562 = arith.addi %scan3A_560, %scan3A_561 : i32
      %scan3A_563 = arith.constant 1 : i32
      %scan3A_564 = scf.for %scan3A_573 = %scan3A_560 to %scan3A_562 step %scan3A_563 iter_args(%scan3A_574 = %broadcast_in_dim3A_559) -> (vector<16xf32>)  : i32 {
        %add3A_575 = vector.broadcast %scan3A_573 : i32 to vector<16xi32>
        %add3A_576 = arith.addi %mul3A_155, %add3A_575 : vector<16xi32>
        %gather3A = tpu.vector_load_idx %arg22[%add3A_576] : memref<256xf32, #tpu.memory_space<vmem>>[vector<16xi32>], vector<16xf32>,
        %add3A_577 = arith.addf %scan3A_574, %gather3A : vector<16xf32>
        scf.yield %add3A_577 : vector<16xf32>
      }
      %scan3A_565 = arith.constant 16 : i32
      %mul3A_566 = arith.constant 16 : i32
      %mul3A_567 = arith.muli %scan3A_548, %mul3A_566 : i32
      %add3A_568 = arith.constant 384 : i32
      %add3A_569 = arith.addi %add3A_568, %mul3A_567 : i32
      %swap3A_570 = arith.index_cast %add3A_569 : i32 to index
      %swap3A_571 = tpu.vector_load %arg23[%swap3A_570] {strides = array<i32>} : memref<512xf32, #tpu.memory_space<vmem>>, vector<16xf32>,
      tpu.vector_store %arg23[%swap3A_570], %scan3A_564 {strides = array<i32>} : memref<512xf32, #tpu.memory_space<vmem>>, vector<16xf32>,
      %scan3A_572 = arith.constant 0 : i32
      scf.yield %scan3A_572 : i32
    }
    %scan3A_162 = arith.constant 8 : i32
    %dma_start3A_163 = arith.constant 0 : i32
    %dma_start3A_164 = tpu.memref_slice %arg16[%dma_start3A_163] : memref<512xi32, #tpu.memory_space<vmem>> -> memref<128xi32, #tpu.memory_space<vmem>>
    %dma_start3A_165 = arith.constant 0 : i32
    %dma_start3A_166 = arith.constant 0 : i32
    %dma_start3A_167 = tpu.memref_slice %arg2[%dma_start3A_165, %dma_start3A_166] : memref<1000000x64xf32, #tpu.memory_space<hbm>> -> memref<1000000x64xf32, #tpu.memory_space<hbm>>
    tpu.enqueue_indirect_dma source(%dma_start3A_167 : memref<1000000x64xf32, #tpu.memory_space<hbm>>) target(%arg19 : memref<128x64xf32, #tpu.memory_space<vmem>>) offsets(%dma_start3A_164 : memref<128xi32, #tpu.memory_space<vmem>>) semaphore(%arg26 : memref<!tpu.dma_semaphore, #tpu.memory_space<semaphore_mem>>)
    %dma_start3A_168 = arith.constant 0 : i32
    %dma_start3A_169 = tpu.memref_slice %arg17[%dma_start3A_168] : memref<512xi32, #tpu.memory_space<vmem>> -> memref<128xi32, #tpu.memory_space<vmem>>
    %dma_start3A_170 = arith.constant 0 : i32
    %dma_start3A_171 = arith.constant 0 : i32
    %dma_start3A_172 = tpu.memref_slice %arg3[%dma_start3A_170, %dma_start3A_171] : memref<1000000x64xf32, #tpu.memory_space<hbm>> -> memref<1000000x64xf32, #tpu.memory_space<hbm>>
    tpu.enqueue_indirect_dma source(%dma_start3A_172 : memref<1000000x64xf32, #tpu.memory_space<hbm>>) target(%arg20 : memref<128x64xf32, #tpu.memory_space<vmem>>) offsets(%dma_start3A_169 : memref<128xi32, #tpu.memory_space<vmem>>) semaphore(%arg26 : memref<!tpu.dma_semaphore, #tpu.memory_space<semaphore_mem>>)
    %dma_start3A_173 = arith.constant 0 : i32
    %dma_start3A_174 = tpu.memref_slice %arg18[%dma_start3A_173] : memref<512xi32, #tpu.memory_space<vmem>> -> memref<128xi32, #tpu.memory_space<vmem>>
    %dma_start3A_175 = arith.constant 0 : i32
    %dma_start3A_176 = arith.constant 0 : i32
    %dma_start3A_177 = tpu.memref_slice %arg3[%dma_start3A_175, %dma_start3A_176] : memref<1000000x64xf32, #tpu.memory_space<hbm>> -> memref<1000000x64xf32, #tpu.memory_space<hbm>>
    tpu.enqueue_indirect_dma source(%dma_start3A_177 : memref<1000000x64xf32, #tpu.memory_space<hbm>>) target(%arg21 : memref<128x64xf32, #tpu.memory_space<vmem>>) offsets(%dma_start3A_174 : memref<128xi32, #tpu.memory_space<vmem>>) semaphore(%arg26 : memref<!tpu.dma_semaphore, #tpu.memory_space<semaphore_mem>>)
    %dma_wait3A_178 = arith.constant 0 : i32
    %dma_wait3A_179 = tpu.memref_slice %arg16[%dma_wait3A_178] : memref<512xi32, #tpu.memory_space<vmem>> -> memref<128xi32, #tpu.memory_space<vmem>>
    %dma_wait3A_180 = arith.constant 0 : i32
    %dma_wait3A_181 = arith.constant 0 : i32
    %dma_wait3A_182 = tpu.memref_slice %arg2[%dma_wait3A_180, %dma_wait3A_181] : memref<1000000x64xf32, #tpu.memory_space<hbm>> -> memref<1000000x64xf32, #tpu.memory_space<hbm>>
    tpu.wait_indirect_dma semaphore(%arg26 : memref<!tpu.dma_semaphore, #tpu.memory_space<semaphore_mem>>) src(%dma_wait3A_182 : memref<1000000x64xf32, #tpu.memory_space<hbm>>) dst(%arg19 : memref<128x64xf32, #tpu.memory_space<vmem>>)
    %dma_wait3A_183 = arith.constant 0 : i32
    %dma_wait3A_184 = tpu.memref_slice %arg17[%dma_wait3A_183] : memref<512xi32, #tpu.memory_space<vmem>> -> memref<128xi32, #tpu.memory_space<vmem>>
    %dma_wait3A_185 = arith.constant 0 : i32
    %dma_wait3A_186 = arith.constant 0 : i32
    %dma_wait3A_187 = tpu.memref_slice %arg3[%dma_wait3A_185, %dma_wait3A_186] : memref<1000000x64xf32, #tpu.memory_space<hbm>> -> memref<1000000x64xf32, #tpu.memory_space<hbm>>
    tpu.wait_indirect_dma semaphore(%arg26 : memref<!tpu.dma_semaphore, #tpu.memory_space<semaphore_mem>>) src(%dma_wait3A_187 : memref<1000000x64xf32, #tpu.memory_space<hbm>>) dst(%arg20 : memref<128x64xf32, #tpu.memory_space<vmem>>)
    %dma_wait3A_188 = arith.constant 0 : i32
    %dma_wait3A_189 = tpu.memref_slice %arg18[%dma_wait3A_188] : memref<512xi32, #tpu.memory_space<vmem>> -> memref<128xi32, #tpu.memory_space<vmem>>
    %dma_wait3A_190 = arith.constant 0 : i32
    %dma_wait3A_191 = arith.constant 0 : i32
    %dma_wait3A_192 = tpu.memref_slice %arg3[%dma_wait3A_190, %dma_wait3A_191] : memref<1000000x64xf32, #tpu.memory_space<hbm>> -> memref<1000000x64xf32, #tpu.memory_space<hbm>>
    tpu.wait_indirect_dma semaphore(%arg26 : memref<!tpu.dma_semaphore, #tpu.memory_space<semaphore_mem>>) src(%dma_wait3A_192 : memref<1000000x64xf32, #tpu.memory_space<hbm>>) dst(%arg21 : memref<128x64xf32, #tpu.memory_space<vmem>>)
    %iota3A_193 = tpu.iota {dimensions = array<i32: 0>} : vector<16xi32>
    %mul3A_194 = arith.constant 16 : i32
    %mul3A_195 = vector.broadcast %mul3A_194 : i32 to vector<16xi32>
    %mul3A_196 = arith.muli %iota3A_193, %mul3A_195 : vector<16xi32>
    %scan3A_197 = arith.constant 0 : i32
    %scan3A_198 = arith.constant 0 : i32
    %scan3A_199 = arith.constant 8 : i32
    %scan3A_200 = arith.addi %scan3A_198, %scan3A_199 : i32
    %scan3A_201 = arith.constant 1 : i32
    %scan3A_202 = scf.for %scan3A_548 = %scan3A_198 to %scan3A_200 step %scan3A_201 iter_args(%scan3A_549 = %scan3A_197) -> (i32)  : i32 {
      %mul3A_550 = arith.constant 16 : i32
      %mul3A_551 = arith.muli %scan3A_548, %mul3A_550 : i32
      %scan3A_552 = arith.constant 0 : i32
      %scan3A_553 = arith.constant 0 : i32
      %scan3A_554 = arith.constant 16 : i32
      %scan3A_555 = arith.addi %scan3A_553, %scan3A_554 : i32
      %scan3A_556 = arith.constant 1 : i32
      %scan3A_557 = scf.for %scan3A_573 = %scan3A_553 to %scan3A_555 step %scan3A_556 iter_args(%scan3A_574 = %scan3A_552) -> (i32)  : i32 {
        %add3A_575 = arith.addi %mul3A_551, %scan3A_573 : i32
        %get3A_576 = arith.index_cast %add3A_575 : i32 to index
        %get3A_577 = arith.constant 0 : index
        %get3A_578 = tpu.vector_load %arg19[%get3A_576, %get3A_577] {strides = array<i32>} : memref<128x64xf32, #tpu.memory_space<vmem>>, vector<16xf32>,
        %get3A_579 = arith.index_cast %add3A_575 : i32 to index
        %get3A_580 = arith.constant 0 : index
        %get3A_581 = tpu.vector_load %arg20[%get3A_579, %get3A_580] {strides = array<i32>} : memref<128x64xf32, #tpu.memory_space<vmem>>, vector<16xf32>,
        %mul3A_582 = arith.mulf %get3A_578, %get3A_581 : vector<16xf32>
        %get3A_583 = arith.index_cast %add3A_575 : i32 to index
        %get3A_584 = arith.constant 0 : index
        %get3A_585 = tpu.vector_load %arg21[%get3A_583, %get3A_584] {strides = array<i32>} : memref<128x64xf32, #tpu.memory_space<vmem>>, vector<16xf32>,
        %mul3A_586 = arith.mulf %mul3A_582, %get3A_585 : vector<16xf32>
        %get3A_587 = arith.index_cast %add3A_575 : i32 to index
        %get3A_588 = arith.constant 16 : index
        %get3A_589 = tpu.vector_load %arg19[%get3A_587, %get3A_588] {strides = array<i32>} : memref<128x64xf32, #tpu.memory_space<vmem>>, vector<16xf32>,
        %get3A_590 = arith.index_cast %add3A_575 : i32 to index
        %get3A_591 = arith.constant 16 : index
        %get3A_592 = tpu.vector_load %arg20[%get3A_590, %get3A_591] {strides = array<i32>} : memref<128x64xf32, #tpu.memory_space<vmem>>, vector<16xf32>,
        %mul3A_593 = arith.mulf %get3A_589, %get3A_592 : vector<16xf32>
        %get3A_594 = arith.index_cast %add3A_575 : i32 to index
        %get3A_595 = arith.constant 16 : index
        %get3A_596 = tpu.vector_load %arg21[%get3A_594, %get3A_595] {strides = array<i32>} : memref<128x64xf32, #tpu.memory_space<vmem>>, vector<16xf32>,
        %mul3A_597 = arith.mulf %mul3A_593, %get3A_596 : vector<16xf32>
        %add3A_598 = arith.addf %mul3A_586, %mul3A_597 : vector<16xf32>
        %get3A_599 = arith.index_cast %add3A_575 : i32 to index
        %get3A_600 = arith.constant 32 : index
        %get3A_601 = tpu.vector_load %arg19[%get3A_599, %get3A_600] {strides = array<i32>} : memref<128x64xf32, #tpu.memory_space<vmem>>, vector<16xf32>,
        %get3A_602 = arith.index_cast %add3A_575 : i32 to index
        %get3A_603 = arith.constant 32 : index
        %get3A_604 = tpu.vector_load %arg20[%get3A_602, %get3A_603] {strides = array<i32>} : memref<128x64xf32, #tpu.memory_space<vmem>>, vector<16xf32>,
        %mul3A_605 = arith.mulf %get3A_601, %get3A_604 : vector<16xf32>
        %get3A_606 = arith.index_cast %add3A_575 : i32 to index
        %get3A_607 = arith.constant 32 : index
        %get3A_608 = tpu.vector_load %arg21[%get3A_606, %get3A_607] {strides = array<i32>} : memref<128x64xf32, #tpu.memory_space<vmem>>, vector<16xf32>,
        %mul3A_609 = arith.mulf %mul3A_605, %get3A_608 : vector<16xf32>
        %add3A_610 = arith.addf %add3A_598, %mul3A_609 : vector<16xf32>
        %get3A_611 = arith.index_cast %add3A_575 : i32 to index
        %get3A_612 = arith.constant 48 : index
        %get3A_613 = tpu.vector_load %arg19[%get3A_611, %get3A_612] {strides = array<i32>} : memref<128x64xf32, #tpu.memory_space<vmem>>, vector<16xf32>,
        %get3A_614 = arith.index_cast %add3A_575 : i32 to index
        %get3A_615 = arith.constant 48 : index
        %get3A_616 = tpu.vector_load %arg20[%get3A_614, %get3A_615] {strides = array<i32>} : memref<128x64xf32, #tpu.memory_space<vmem>>, vector<16xf32>,
        %mul3A_617 = arith.mulf %get3A_613, %get3A_616 : vector<16xf32>
        %get3A_618 = arith.index_cast %add3A_575 : i32 to index
        %get3A_619 = arith.constant 48 : index
        %get3A_620 = tpu.vector_load %arg21[%get3A_618, %get3A_619] {strides = array<i32>} : memref<128x64xf32, #tpu.memory_space<vmem>>, vector<16xf32>,
        %mul3A_621 = arith.mulf %mul3A_617, %get3A_620 : vector<16xf32>
        %add3A_622 = arith.addf %add3A_610, %mul3A_621 : vector<16xf32>
        %mul3A_623 = arith.constant 16 : i32
        %mul3A_624 = arith.muli %scan3A_573, %mul3A_623 : i32
        %swap3A_625 = arith.index_cast %mul3A_624 : i32 to index
        %swap3A_626 = tpu.vector_load %arg22[%swap3A_625] {strides = array<i32>} : memref<256xf32, #tpu.memory_space<vmem>>, vector<16xf32>,
        tpu.vector_store %arg22[%swap3A_625], %add3A_622 {strides = array<i32>} : memref<256xf32, #tpu.memory_space<vmem>>, vector<16xf32>,
        %scan3A_627 = arith.constant 0 : i32
        scf.yield %scan3A_627 : i32
      }
      %scan3A_558 = arith.constant 16 : i32
      %broadcast_in_dim3A = arith.constant 0.000000e+00 : f32
      %broadcast_in_dim3A_559 = vector.broadcast %broadcast_in_dim3A : f32 to vector<16xf32>
      %scan3A_560 = arith.constant 0 : i32
      %scan3A_561 = arith.constant 16 : i32
      %scan3A_562 = arith.addi %scan3A_560, %scan3A_561 : i32
      %scan3A_563 = arith.constant 1 : i32
      %scan3A_564 = scf.for %scan3A_573 = %scan3A_560 to %scan3A_562 step %scan3A_563 iter_args(%scan3A_574 = %broadcast_in_dim3A_559) -> (vector<16xf32>)  : i32 {
        %add3A_575 = vector.broadcast %scan3A_573 : i32 to vector<16xi32>
        %add3A_576 = arith.addi %mul3A_196, %add3A_575 : vector<16xi32>
        %gather3A = tpu.vector_load_idx %arg22[%add3A_576] : memref<256xf32, #tpu.memory_space<vmem>>[vector<16xi32>], vector<16xf32>,
        %add3A_577 = arith.addf %scan3A_574, %gather3A : vector<16xf32>
        scf.yield %add3A_577 : vector<16xf32>
      }
      %scan3A_565 = arith.constant 16 : i32
      %mul3A_566 = arith.constant 16 : i32
      %mul3A_567 = arith.muli %scan3A_548, %mul3A_566 : i32
      %add3A_568 = arith.constant 0 : i32
      %add3A_569 = arith.addi %add3A_568, %mul3A_567 : i32
      %swap3A_570 = arith.index_cast %add3A_569 : i32 to index
      %swap3A_571 = tpu.vector_load %arg24[%swap3A_570] {strides = array<i32>} : memref<512xf32, #tpu.memory_space<vmem>>, vector<16xf32>,
      tpu.vector_store %arg24[%swap3A_570], %scan3A_564 {strides = array<i32>} : memref<512xf32, #tpu.memory_space<vmem>>, vector<16xf32>,
      %scan3A_572 = arith.constant 0 : i32
      scf.yield %scan3A_572 : i32
    }
    %scan3A_203 = arith.constant 8 : i32
    %dma_start3A_204 = arith.constant 128 : i32
    %dma_start3A_205 = tpu.memref_slice %arg16[%dma_start3A_204] : memref<512xi32, #tpu.memory_space<vmem>> -> memref<128xi32, #tpu.memory_space<vmem>>
    %dma_start3A_206 = arith.constant 0 : i32
    %dma_start3A_207 = arith.constant 0 : i32
    %dma_start3A_208 = tpu.memref_slice %arg2[%dma_start3A_206, %dma_start3A_207] : memref<1000000x64xf32, #tpu.memory_space<hbm>> -> memref<1000000x64xf32, #tpu.memory_space<hbm>>
    tpu.enqueue_indirect_dma source(%dma_start3A_208 : memref<1000000x64xf32, #tpu.memory_space<hbm>>) target(%arg19 : memref<128x64xf32, #tpu.memory_space<vmem>>) offsets(%dma_start3A_205 : memref<128xi32, #tpu.memory_space<vmem>>) semaphore(%arg26 : memref<!tpu.dma_semaphore, #tpu.memory_space<semaphore_mem>>)
    %dma_start3A_209 = arith.constant 128 : i32
    %dma_start3A_210 = tpu.memref_slice %arg17[%dma_start3A_209] : memref<512xi32, #tpu.memory_space<vmem>> -> memref<128xi32, #tpu.memory_space<vmem>>
    %dma_start3A_211 = arith.constant 0 : i32
    %dma_start3A_212 = arith.constant 0 : i32
    %dma_start3A_213 = tpu.memref_slice %arg3[%dma_start3A_211, %dma_start3A_212] : memref<1000000x64xf32, #tpu.memory_space<hbm>> -> memref<1000000x64xf32, #tpu.memory_space<hbm>>
    tpu.enqueue_indirect_dma source(%dma_start3A_213 : memref<1000000x64xf32, #tpu.memory_space<hbm>>) target(%arg20 : memref<128x64xf32, #tpu.memory_space<vmem>>) offsets(%dma_start3A_210 : memref<128xi32, #tpu.memory_space<vmem>>) semaphore(%arg26 : memref<!tpu.dma_semaphore, #tpu.memory_space<semaphore_mem>>)
    %dma_start3A_214 = arith.constant 128 : i32
    %dma_start3A_215 = tpu.memref_slice %arg18[%dma_start3A_214] : memref<512xi32, #tpu.memory_space<vmem>> -> memref<128xi32, #tpu.memory_space<vmem>>
    %dma_start3A_216 = arith.constant 0 : i32
    %dma_start3A_217 = arith.constant 0 : i32
    %dma_start3A_218 = tpu.memref_slice %arg3[%dma_start3A_216, %dma_start3A_217] : memref<1000000x64xf32, #tpu.memory_space<hbm>> -> memref<1000000x64xf32, #tpu.memory_space<hbm>>
    tpu.enqueue_indirect_dma source(%dma_start3A_218 : memref<1000000x64xf32, #tpu.memory_space<hbm>>) target(%arg21 : memref<128x64xf32, #tpu.memory_space<vmem>>) offsets(%dma_start3A_215 : memref<128xi32, #tpu.memory_space<vmem>>) semaphore(%arg26 : memref<!tpu.dma_semaphore, #tpu.memory_space<semaphore_mem>>)
    %dma_wait3A_219 = arith.constant 128 : i32
    %dma_wait3A_220 = tpu.memref_slice %arg16[%dma_wait3A_219] : memref<512xi32, #tpu.memory_space<vmem>> -> memref<128xi32, #tpu.memory_space<vmem>>
    %dma_wait3A_221 = arith.constant 0 : i32
    %dma_wait3A_222 = arith.constant 0 : i32
    %dma_wait3A_223 = tpu.memref_slice %arg2[%dma_wait3A_221, %dma_wait3A_222] : memref<1000000x64xf32, #tpu.memory_space<hbm>> -> memref<1000000x64xf32, #tpu.memory_space<hbm>>
    tpu.wait_indirect_dma semaphore(%arg26 : memref<!tpu.dma_semaphore, #tpu.memory_space<semaphore_mem>>) src(%dma_wait3A_223 : memref<1000000x64xf32, #tpu.memory_space<hbm>>) dst(%arg19 : memref<128x64xf32, #tpu.memory_space<vmem>>)
    %dma_wait3A_224 = arith.constant 128 : i32
    %dma_wait3A_225 = tpu.memref_slice %arg17[%dma_wait3A_224] : memref<512xi32, #tpu.memory_space<vmem>> -> memref<128xi32, #tpu.memory_space<vmem>>
    %dma_wait3A_226 = arith.constant 0 : i32
    %dma_wait3A_227 = arith.constant 0 : i32
    %dma_wait3A_228 = tpu.memref_slice %arg3[%dma_wait3A_226, %dma_wait3A_227] : memref<1000000x64xf32, #tpu.memory_space<hbm>> -> memref<1000000x64xf32, #tpu.memory_space<hbm>>
    tpu.wait_indirect_dma semaphore(%arg26 : memref<!tpu.dma_semaphore, #tpu.memory_space<semaphore_mem>>) src(%dma_wait3A_228 : memref<1000000x64xf32, #tpu.memory_space<hbm>>) dst(%arg20 : memref<128x64xf32, #tpu.memory_space<vmem>>)
    %dma_wait3A_229 = arith.constant 128 : i32
    %dma_wait3A_230 = tpu.memref_slice %arg18[%dma_wait3A_229] : memref<512xi32, #tpu.memory_space<vmem>> -> memref<128xi32, #tpu.memory_space<vmem>>
    %dma_wait3A_231 = arith.constant 0 : i32
    %dma_wait3A_232 = arith.constant 0 : i32
    %dma_wait3A_233 = tpu.memref_slice %arg3[%dma_wait3A_231, %dma_wait3A_232] : memref<1000000x64xf32, #tpu.memory_space<hbm>> -> memref<1000000x64xf32, #tpu.memory_space<hbm>>
    tpu.wait_indirect_dma semaphore(%arg26 : memref<!tpu.dma_semaphore, #tpu.memory_space<semaphore_mem>>) src(%dma_wait3A_233 : memref<1000000x64xf32, #tpu.memory_space<hbm>>) dst(%arg21 : memref<128x64xf32, #tpu.memory_space<vmem>>)
    %iota3A_234 = tpu.iota {dimensions = array<i32: 0>} : vector<16xi32>
    %mul3A_235 = arith.constant 16 : i32
    %mul3A_236 = vector.broadcast %mul3A_235 : i32 to vector<16xi32>
    %mul3A_237 = arith.muli %iota3A_234, %mul3A_236 : vector<16xi32>
    %scan3A_238 = arith.constant 0 : i32
    %scan3A_239 = arith.constant 0 : i32
    %scan3A_240 = arith.constant 8 : i32
    %scan3A_241 = arith.addi %scan3A_239, %scan3A_240 : i32
    %scan3A_242 = arith.constant 1 : i32
    %scan3A_243 = scf.for %scan3A_548 = %scan3A_239 to %scan3A_241 step %scan3A_242 iter_args(%scan3A_549 = %scan3A_238) -> (i32)  : i32 {
      %mul3A_550 = arith.constant 16 : i32
      %mul3A_551 = arith.muli %scan3A_548, %mul3A_550 : i32
      %scan3A_552 = arith.constant 0 : i32
      %scan3A_553 = arith.constant 0 : i32
      %scan3A_554 = arith.constant 16 : i32
      %scan3A_555 = arith.addi %scan3A_553, %scan3A_554 : i32
      %scan3A_556 = arith.constant 1 : i32
      %scan3A_557 = scf.for %scan3A_573 = %scan3A_553 to %scan3A_555 step %scan3A_556 iter_args(%scan3A_574 = %scan3A_552) -> (i32)  : i32 {
        %add3A_575 = arith.addi %mul3A_551, %scan3A_573 : i32
        %get3A_576 = arith.index_cast %add3A_575 : i32 to index
        %get3A_577 = arith.constant 0 : index
        %get3A_578 = tpu.vector_load %arg19[%get3A_576, %get3A_577] {strides = array<i32>} : memref<128x64xf32, #tpu.memory_space<vmem>>, vector<16xf32>,
        %get3A_579 = arith.index_cast %add3A_575 : i32 to index
        %get3A_580 = arith.constant 0 : index
        %get3A_581 = tpu.vector_load %arg20[%get3A_579, %get3A_580] {strides = array<i32>} : memref<128x64xf32, #tpu.memory_space<vmem>>, vector<16xf32>,
        %mul3A_582 = arith.mulf %get3A_578, %get3A_581 : vector<16xf32>
        %get3A_583 = arith.index_cast %add3A_575 : i32 to index
        %get3A_584 = arith.constant 0 : index
        %get3A_585 = tpu.vector_load %arg21[%get3A_583, %get3A_584] {strides = array<i32>} : memref<128x64xf32, #tpu.memory_space<vmem>>, vector<16xf32>,
        %mul3A_586 = arith.mulf %mul3A_582, %get3A_585 : vector<16xf32>
        %get3A_587 = arith.index_cast %add3A_575 : i32 to index
        %get3A_588 = arith.constant 16 : index
        %get3A_589 = tpu.vector_load %arg19[%get3A_587, %get3A_588] {strides = array<i32>} : memref<128x64xf32, #tpu.memory_space<vmem>>, vector<16xf32>,
        %get3A_590 = arith.index_cast %add3A_575 : i32 to index
        %get3A_591 = arith.constant 16 : index
        %get3A_592 = tpu.vector_load %arg20[%get3A_590, %get3A_591] {strides = array<i32>} : memref<128x64xf32, #tpu.memory_space<vmem>>, vector<16xf32>,
        %mul3A_593 = arith.mulf %get3A_589, %get3A_592 : vector<16xf32>
        %get3A_594 = arith.index_cast %add3A_575 : i32 to index
        %get3A_595 = arith.constant 16 : index
        %get3A_596 = tpu.vector_load %arg21[%get3A_594, %get3A_595] {strides = array<i32>} : memref<128x64xf32, #tpu.memory_space<vmem>>, vector<16xf32>,
        %mul3A_597 = arith.mulf %mul3A_593, %get3A_596 : vector<16xf32>
        %add3A_598 = arith.addf %mul3A_586, %mul3A_597 : vector<16xf32>
        %get3A_599 = arith.index_cast %add3A_575 : i32 to index
        %get3A_600 = arith.constant 32 : index
        %get3A_601 = tpu.vector_load %arg19[%get3A_599, %get3A_600] {strides = array<i32>} : memref<128x64xf32, #tpu.memory_space<vmem>>, vector<16xf32>,
        %get3A_602 = arith.index_cast %add3A_575 : i32 to index
        %get3A_603 = arith.constant 32 : index
        %get3A_604 = tpu.vector_load %arg20[%get3A_602, %get3A_603] {strides = array<i32>} : memref<128x64xf32, #tpu.memory_space<vmem>>, vector<16xf32>,
        %mul3A_605 = arith.mulf %get3A_601, %get3A_604 : vector<16xf32>
        %get3A_606 = arith.index_cast %add3A_575 : i32 to index
        %get3A_607 = arith.constant 32 : index
        %get3A_608 = tpu.vector_load %arg21[%get3A_606, %get3A_607] {strides = array<i32>} : memref<128x64xf32, #tpu.memory_space<vmem>>, vector<16xf32>,
        %mul3A_609 = arith.mulf %mul3A_605, %get3A_608 : vector<16xf32>
        %add3A_610 = arith.addf %add3A_598, %mul3A_609 : vector<16xf32>
        %get3A_611 = arith.index_cast %add3A_575 : i32 to index
        %get3A_612 = arith.constant 48 : index
        %get3A_613 = tpu.vector_load %arg19[%get3A_611, %get3A_612] {strides = array<i32>} : memref<128x64xf32, #tpu.memory_space<vmem>>, vector<16xf32>,
        %get3A_614 = arith.index_cast %add3A_575 : i32 to index
        %get3A_615 = arith.constant 48 : index
        %get3A_616 = tpu.vector_load %arg20[%get3A_614, %get3A_615] {strides = array<i32>} : memref<128x64xf32, #tpu.memory_space<vmem>>, vector<16xf32>,
        %mul3A_617 = arith.mulf %get3A_613, %get3A_616 : vector<16xf32>
        %get3A_618 = arith.index_cast %add3A_575 : i32 to index
        %get3A_619 = arith.constant 48 : index
        %get3A_620 = tpu.vector_load %arg21[%get3A_618, %get3A_619] {strides = array<i32>} : memref<128x64xf32, #tpu.memory_space<vmem>>, vector<16xf32>,
        %mul3A_621 = arith.mulf %mul3A_617, %get3A_620 : vector<16xf32>
        %add3A_622 = arith.addf %add3A_610, %mul3A_621 : vector<16xf32>
        %mul3A_623 = arith.constant 16 : i32
        %mul3A_624 = arith.muli %scan3A_573, %mul3A_623 : i32
        %swap3A_625 = arith.index_cast %mul3A_624 : i32 to index
        %swap3A_626 = tpu.vector_load %arg22[%swap3A_625] {strides = array<i32>} : memref<256xf32, #tpu.memory_space<vmem>>, vector<16xf32>,
        tpu.vector_store %arg22[%swap3A_625], %add3A_622 {strides = array<i32>} : memref<256xf32, #tpu.memory_space<vmem>>, vector<16xf32>,
        %scan3A_627 = arith.constant 0 : i32
        scf.yield %scan3A_627 : i32
      }
      %scan3A_558 = arith.constant 16 : i32
      %broadcast_in_dim3A = arith.constant 0.000000e+00 : f32
      %broadcast_in_dim3A_559 = vector.broadcast %broadcast_in_dim3A : f32 to vector<16xf32>
      %scan3A_560 = arith.constant 0 : i32
      %scan3A_561 = arith.constant 16 : i32
      %scan3A_562 = arith.addi %scan3A_560, %scan3A_561 : i32
      %scan3A_563 = arith.constant 1 : i32
      %scan3A_564 = scf.for %scan3A_573 = %scan3A_560 to %scan3A_562 step %scan3A_563 iter_args(%scan3A_574 = %broadcast_in_dim3A_559) -> (vector<16xf32>)  : i32 {
        %add3A_575 = vector.broadcast %scan3A_573 : i32 to vector<16xi32>
        %add3A_576 = arith.addi %mul3A_237, %add3A_575 : vector<16xi32>
        %gather3A = tpu.vector_load_idx %arg22[%add3A_576] : memref<256xf32, #tpu.memory_space<vmem>>[vector<16xi32>], vector<16xf32>,
        %add3A_577 = arith.addf %scan3A_574, %gather3A : vector<16xf32>
        scf.yield %add3A_577 : vector<16xf32>
      }
      %scan3A_565 = arith.constant 16 : i32
      %mul3A_566 = arith.constant 16 : i32
      %mul3A_567 = arith.muli %scan3A_548, %mul3A_566 : i32
      %add3A_568 = arith.constant 128 : i32
      %add3A_569 = arith.addi %add3A_568, %mul3A_567 : i32
      %swap3A_570 = arith.index_cast %add3A_569 : i32 to index
      %swap3A_571 = tpu.vector_load %arg24[%swap3A_570] {strides = array<i32>} : memref<512xf32, #tpu.memory_space<vmem>>, vector<16xf32>,
      tpu.vector_store %arg24[%swap3A_570], %scan3A_564 {strides = array<i32>} : memref<512xf32, #tpu.memory_space<vmem>>, vector<16xf32>,
      %scan3A_572 = arith.constant 0 : i32
      scf.yield %scan3A_572 : i32
    }
    %scan3A_244 = arith.constant 8 : i32
    %dma_start3A_245 = arith.constant 256 : i32
    %dma_start3A_246 = tpu.memref_slice %arg16[%dma_start3A_245] : memref<512xi32, #tpu.memory_space<vmem>> -> memref<128xi32, #tpu.memory_space<vmem>>
    %dma_start3A_247 = arith.constant 0 : i32
    %dma_start3A_248 = arith.constant 0 : i32
    %dma_start3A_249 = tpu.memref_slice %arg2[%dma_start3A_247, %dma_start3A_248] : memref<1000000x64xf32, #tpu.memory_space<hbm>> -> memref<1000000x64xf32, #tpu.memory_space<hbm>>
    tpu.enqueue_indirect_dma source(%dma_start3A_249 : memref<1000000x64xf32, #tpu.memory_space<hbm>>) target(%arg19 : memref<128x64xf32, #tpu.memory_space<vmem>>) offsets(%dma_start3A_246 : memref<128xi32, #tpu.memory_space<vmem>>) semaphore(%arg26 : memref<!tpu.dma_semaphore, #tpu.memory_space<semaphore_mem>>)
    %dma_start3A_250 = arith.constant 256 : i32
    %dma_start3A_251 = tpu.memref_slice %arg17[%dma_start3A_250] : memref<512xi32, #tpu.memory_space<vmem>> -> memref<128xi32, #tpu.memory_space<vmem>>
    %dma_start3A_252 = arith.constant 0 : i32
    %dma_start3A_253 = arith.constant 0 : i32
    %dma_start3A_254 = tpu.memref_slice %arg3[%dma_start3A_252, %dma_start3A_253] : memref<1000000x64xf32, #tpu.memory_space<hbm>> -> memref<1000000x64xf32, #tpu.memory_space<hbm>>
    tpu.enqueue_indirect_dma source(%dma_start3A_254 : memref<1000000x64xf32, #tpu.memory_space<hbm>>) target(%arg20 : memref<128x64xf32, #tpu.memory_space<vmem>>) offsets(%dma_start3A_251 : memref<128xi32, #tpu.memory_space<vmem>>) semaphore(%arg26 : memref<!tpu.dma_semaphore, #tpu.memory_space<semaphore_mem>>)
    %dma_start3A_255 = arith.constant 256 : i32
    %dma_start3A_256 = tpu.memref_slice %arg18[%dma_start3A_255] : memref<512xi32, #tpu.memory_space<vmem>> -> memref<128xi32, #tpu.memory_space<vmem>>
    %dma_start3A_257 = arith.constant 0 : i32
    %dma_start3A_258 = arith.constant 0 : i32
    %dma_start3A_259 = tpu.memref_slice %arg3[%dma_start3A_257, %dma_start3A_258] : memref<1000000x64xf32, #tpu.memory_space<hbm>> -> memref<1000000x64xf32, #tpu.memory_space<hbm>>
    tpu.enqueue_indirect_dma source(%dma_start3A_259 : memref<1000000x64xf32, #tpu.memory_space<hbm>>) target(%arg21 : memref<128x64xf32, #tpu.memory_space<vmem>>) offsets(%dma_start3A_256 : memref<128xi32, #tpu.memory_space<vmem>>) semaphore(%arg26 : memref<!tpu.dma_semaphore, #tpu.memory_space<semaphore_mem>>)
    %dma_wait3A_260 = arith.constant 256 : i32
    %dma_wait3A_261 = tpu.memref_slice %arg16[%dma_wait3A_260] : memref<512xi32, #tpu.memory_space<vmem>> -> memref<128xi32, #tpu.memory_space<vmem>>
    %dma_wait3A_262 = arith.constant 0 : i32
    %dma_wait3A_263 = arith.constant 0 : i32
    %dma_wait3A_264 = tpu.memref_slice %arg2[%dma_wait3A_262, %dma_wait3A_263] : memref<1000000x64xf32, #tpu.memory_space<hbm>> -> memref<1000000x64xf32, #tpu.memory_space<hbm>>
    tpu.wait_indirect_dma semaphore(%arg26 : memref<!tpu.dma_semaphore, #tpu.memory_space<semaphore_mem>>) src(%dma_wait3A_264 : memref<1000000x64xf32, #tpu.memory_space<hbm>>) dst(%arg19 : memref<128x64xf32, #tpu.memory_space<vmem>>)
    %dma_wait3A_265 = arith.constant 256 : i32
    %dma_wait3A_266 = tpu.memref_slice %arg17[%dma_wait3A_265] : memref<512xi32, #tpu.memory_space<vmem>> -> memref<128xi32, #tpu.memory_space<vmem>>
    %dma_wait3A_267 = arith.constant 0 : i32
    %dma_wait3A_268 = arith.constant 0 : i32
    %dma_wait3A_269 = tpu.memref_slice %arg3[%dma_wait3A_267, %dma_wait3A_268] : memref<1000000x64xf32, #tpu.memory_space<hbm>> -> memref<1000000x64xf32, #tpu.memory_space<hbm>>
    tpu.wait_indirect_dma semaphore(%arg26 : memref<!tpu.dma_semaphore, #tpu.memory_space<semaphore_mem>>) src(%dma_wait3A_269 : memref<1000000x64xf32, #tpu.memory_space<hbm>>) dst(%arg20 : memref<128x64xf32, #tpu.memory_space<vmem>>)
    %dma_wait3A_270 = arith.constant 256 : i32
    %dma_wait3A_271 = tpu.memref_slice %arg18[%dma_wait3A_270] : memref<512xi32, #tpu.memory_space<vmem>> -> memref<128xi32, #tpu.memory_space<vmem>>
    %dma_wait3A_272 = arith.constant 0 : i32
    %dma_wait3A_273 = arith.constant 0 : i32
    %dma_wait3A_274 = tpu.memref_slice %arg3[%dma_wait3A_272, %dma_wait3A_273] : memref<1000000x64xf32, #tpu.memory_space<hbm>> -> memref<1000000x64xf32, #tpu.memory_space<hbm>>
    tpu.wait_indirect_dma semaphore(%arg26 : memref<!tpu.dma_semaphore, #tpu.memory_space<semaphore_mem>>) src(%dma_wait3A_274 : memref<1000000x64xf32, #tpu.memory_space<hbm>>) dst(%arg21 : memref<128x64xf32, #tpu.memory_space<vmem>>)
    %iota3A_275 = tpu.iota {dimensions = array<i32: 0>} : vector<16xi32>
    %mul3A_276 = arith.constant 16 : i32
    %mul3A_277 = vector.broadcast %mul3A_276 : i32 to vector<16xi32>
    %mul3A_278 = arith.muli %iota3A_275, %mul3A_277 : vector<16xi32>
    %scan3A_279 = arith.constant 0 : i32
    %scan3A_280 = arith.constant 0 : i32
    %scan3A_281 = arith.constant 8 : i32
    %scan3A_282 = arith.addi %scan3A_280, %scan3A_281 : i32
    %scan3A_283 = arith.constant 1 : i32
    %scan3A_284 = scf.for %scan3A_548 = %scan3A_280 to %scan3A_282 step %scan3A_283 iter_args(%scan3A_549 = %scan3A_279) -> (i32)  : i32 {
      %mul3A_550 = arith.constant 16 : i32
      %mul3A_551 = arith.muli %scan3A_548, %mul3A_550 : i32
      %scan3A_552 = arith.constant 0 : i32
      %scan3A_553 = arith.constant 0 : i32
      %scan3A_554 = arith.constant 16 : i32
      %scan3A_555 = arith.addi %scan3A_553, %scan3A_554 : i32
      %scan3A_556 = arith.constant 1 : i32
      %scan3A_557 = scf.for %scan3A_573 = %scan3A_553 to %scan3A_555 step %scan3A_556 iter_args(%scan3A_574 = %scan3A_552) -> (i32)  : i32 {
        %add3A_575 = arith.addi %mul3A_551, %scan3A_573 : i32
        %get3A_576 = arith.index_cast %add3A_575 : i32 to index
        %get3A_577 = arith.constant 0 : index
        %get3A_578 = tpu.vector_load %arg19[%get3A_576, %get3A_577] {strides = array<i32>} : memref<128x64xf32, #tpu.memory_space<vmem>>, vector<16xf32>,
        %get3A_579 = arith.index_cast %add3A_575 : i32 to index
        %get3A_580 = arith.constant 0 : index
        %get3A_581 = tpu.vector_load %arg20[%get3A_579, %get3A_580] {strides = array<i32>} : memref<128x64xf32, #tpu.memory_space<vmem>>, vector<16xf32>,
        %mul3A_582 = arith.mulf %get3A_578, %get3A_581 : vector<16xf32>
        %get3A_583 = arith.index_cast %add3A_575 : i32 to index
        %get3A_584 = arith.constant 0 : index
        %get3A_585 = tpu.vector_load %arg21[%get3A_583, %get3A_584] {strides = array<i32>} : memref<128x64xf32, #tpu.memory_space<vmem>>, vector<16xf32>,
        %mul3A_586 = arith.mulf %mul3A_582, %get3A_585 : vector<16xf32>
        %get3A_587 = arith.index_cast %add3A_575 : i32 to index
        %get3A_588 = arith.constant 16 : index
        %get3A_589 = tpu.vector_load %arg19[%get3A_587, %get3A_588] {strides = array<i32>} : memref<128x64xf32, #tpu.memory_space<vmem>>, vector<16xf32>,
        %get3A_590 = arith.index_cast %add3A_575 : i32 to index
        %get3A_591 = arith.constant 16 : index
        %get3A_592 = tpu.vector_load %arg20[%get3A_590, %get3A_591] {strides = array<i32>} : memref<128x64xf32, #tpu.memory_space<vmem>>, vector<16xf32>,
        %mul3A_593 = arith.mulf %get3A_589, %get3A_592 : vector<16xf32>
        %get3A_594 = arith.index_cast %add3A_575 : i32 to index
        %get3A_595 = arith.constant 16 : index
        %get3A_596 = tpu.vector_load %arg21[%get3A_594, %get3A_595] {strides = array<i32>} : memref<128x64xf32, #tpu.memory_space<vmem>>, vector<16xf32>,
        %mul3A_597 = arith.mulf %mul3A_593, %get3A_596 : vector<16xf32>
        %add3A_598 = arith.addf %mul3A_586, %mul3A_597 : vector<16xf32>
        %get3A_599 = arith.index_cast %add3A_575 : i32 to index
        %get3A_600 = arith.constant 32 : index
        %get3A_601 = tpu.vector_load %arg19[%get3A_599, %get3A_600] {strides = array<i32>} : memref<128x64xf32, #tpu.memory_space<vmem>>, vector<16xf32>,
        %get3A_602 = arith.index_cast %add3A_575 : i32 to index
        %get3A_603 = arith.constant 32 : index
        %get3A_604 = tpu.vector_load %arg20[%get3A_602, %get3A_603] {strides = array<i32>} : memref<128x64xf32, #tpu.memory_space<vmem>>, vector<16xf32>,
        %mul3A_605 = arith.mulf %get3A_601, %get3A_604 : vector<16xf32>
        %get3A_606 = arith.index_cast %add3A_575 : i32 to index
        %get3A_607 = arith.constant 32 : index
        %get3A_608 = tpu.vector_load %arg21[%get3A_606, %get3A_607] {strides = array<i32>} : memref<128x64xf32, #tpu.memory_space<vmem>>, vector<16xf32>,
        %mul3A_609 = arith.mulf %mul3A_605, %get3A_608 : vector<16xf32>
        %add3A_610 = arith.addf %add3A_598, %mul3A_609 : vector<16xf32>
        %get3A_611 = arith.index_cast %add3A_575 : i32 to index
        %get3A_612 = arith.constant 48 : index
        %get3A_613 = tpu.vector_load %arg19[%get3A_611, %get3A_612] {strides = array<i32>} : memref<128x64xf32, #tpu.memory_space<vmem>>, vector<16xf32>,
        %get3A_614 = arith.index_cast %add3A_575 : i32 to index
        %get3A_615 = arith.constant 48 : index
        %get3A_616 = tpu.vector_load %arg20[%get3A_614, %get3A_615] {strides = array<i32>} : memref<128x64xf32, #tpu.memory_space<vmem>>, vector<16xf32>,
        %mul3A_617 = arith.mulf %get3A_613, %get3A_616 : vector<16xf32>
        %get3A_618 = arith.index_cast %add3A_575 : i32 to index
        %get3A_619 = arith.constant 48 : index
        %get3A_620 = tpu.vector_load %arg21[%get3A_618, %get3A_619] {strides = array<i32>} : memref<128x64xf32, #tpu.memory_space<vmem>>, vector<16xf32>,
        %mul3A_621 = arith.mulf %mul3A_617, %get3A_620 : vector<16xf32>
        %add3A_622 = arith.addf %add3A_610, %mul3A_621 : vector<16xf32>
        %mul3A_623 = arith.constant 16 : i32
        %mul3A_624 = arith.muli %scan3A_573, %mul3A_623 : i32
        %swap3A_625 = arith.index_cast %mul3A_624 : i32 to index
        %swap3A_626 = tpu.vector_load %arg22[%swap3A_625] {strides = array<i32>} : memref<256xf32, #tpu.memory_space<vmem>>, vector<16xf32>,
        tpu.vector_store %arg22[%swap3A_625], %add3A_622 {strides = array<i32>} : memref<256xf32, #tpu.memory_space<vmem>>, vector<16xf32>,
        %scan3A_627 = arith.constant 0 : i32
        scf.yield %scan3A_627 : i32
      }
      %scan3A_558 = arith.constant 16 : i32
      %broadcast_in_dim3A = arith.constant 0.000000e+00 : f32
      %broadcast_in_dim3A_559 = vector.broadcast %broadcast_in_dim3A : f32 to vector<16xf32>
      %scan3A_560 = arith.constant 0 : i32
      %scan3A_561 = arith.constant 16 : i32
      %scan3A_562 = arith.addi %scan3A_560, %scan3A_561 : i32
      %scan3A_563 = arith.constant 1 : i32
      %scan3A_564 = scf.for %scan3A_573 = %scan3A_560 to %scan3A_562 step %scan3A_563 iter_args(%scan3A_574 = %broadcast_in_dim3A_559) -> (vector<16xf32>)  : i32 {
        %add3A_575 = vector.broadcast %scan3A_573 : i32 to vector<16xi32>
        %add3A_576 = arith.addi %mul3A_278, %add3A_575 : vector<16xi32>
        %gather3A = tpu.vector_load_idx %arg22[%add3A_576] : memref<256xf32, #tpu.memory_space<vmem>>[vector<16xi32>], vector<16xf32>,
        %add3A_577 = arith.addf %scan3A_574, %gather3A : vector<16xf32>
        scf.yield %add3A_577 : vector<16xf32>
      }
      %scan3A_565 = arith.constant 16 : i32
      %mul3A_566 = arith.constant 16 : i32
      %mul3A_567 = arith.muli %scan3A_548, %mul3A_566 : i32
      %add3A_568 = arith.constant 256 : i32
      %add3A_569 = arith.addi %add3A_568, %mul3A_567 : i32
      %swap3A_570 = arith.index_cast %add3A_569 : i32 to index
      %swap3A_571 = tpu.vector_load %arg24[%swap3A_570] {strides = array<i32>} : memref<512xf32, #tpu.memory_space<vmem>>, vector<16xf32>,
      tpu.vector_store %arg24[%swap3A_570], %scan3A_564 {strides = array<i32>} : memref<512xf32, #tpu.memory_space<vmem>>, vector<16xf32>,
      %scan3A_572 = arith.constant 0 : i32
      scf.yield %scan3A_572 : i32
    }
    %scan3A_285 = arith.constant 8 : i32
    %dma_start3A_286 = arith.constant 384 : i32
    %dma_start3A_287 = tpu.memref_slice %arg16[%dma_start3A_286] : memref<512xi32, #tpu.memory_space<vmem>> -> memref<128xi32, #tpu.memory_space<vmem>>
    %dma_start3A_288 = arith.constant 0 : i32
    %dma_start3A_289 = arith.constant 0 : i32
    %dma_start3A_290 = tpu.memref_slice %arg2[%dma_start3A_288, %dma_start3A_289] : memref<1000000x64xf32, #tpu.memory_space<hbm>> -> memref<1000000x64xf32, #tpu.memory_space<hbm>>
    tpu.enqueue_indirect_dma source(%dma_start3A_290 : memref<1000000x64xf32, #tpu.memory_space<hbm>>) target(%arg19 : memref<128x64xf32, #tpu.memory_space<vmem>>) offsets(%dma_start3A_287 : memref<128xi32, #tpu.memory_space<vmem>>) semaphore(%arg26 : memref<!tpu.dma_semaphore, #tpu.memory_space<semaphore_mem>>)
    %dma_start3A_291 = arith.constant 384 : i32
    %dma_start3A_292 = tpu.memref_slice %arg17[%dma_start3A_291] : memref<512xi32, #tpu.memory_space<vmem>> -> memref<128xi32, #tpu.memory_space<vmem>>
    %dma_start3A_293 = arith.constant 0 : i32
    %dma_start3A_294 = arith.constant 0 : i32
    %dma_start3A_295 = tpu.memref_slice %arg3[%dma_start3A_293, %dma_start3A_294] : memref<1000000x64xf32, #tpu.memory_space<hbm>> -> memref<1000000x64xf32, #tpu.memory_space<hbm>>
    tpu.enqueue_indirect_dma source(%dma_start3A_295 : memref<1000000x64xf32, #tpu.memory_space<hbm>>) target(%arg20 : memref<128x64xf32, #tpu.memory_space<vmem>>) offsets(%dma_start3A_292 : memref<128xi32, #tpu.memory_space<vmem>>) semaphore(%arg26 : memref<!tpu.dma_semaphore, #tpu.memory_space<semaphore_mem>>)
    %dma_start3A_296 = arith.constant 384 : i32
    %dma_start3A_297 = tpu.memref_slice %arg18[%dma_start3A_296] : memref<512xi32, #tpu.memory_space<vmem>> -> memref<128xi32, #tpu.memory_space<vmem>>
    %dma_start3A_298 = arith.constant 0 : i32
    %dma_start3A_299 = arith.constant 0 : i32
    %dma_start3A_300 = tpu.memref_slice %arg3[%dma_start3A_298, %dma_start3A_299] : memref<1000000x64xf32, #tpu.memory_space<hbm>> -> memref<1000000x64xf32, #tpu.memory_space<hbm>>
    tpu.enqueue_indirect_dma source(%dma_start3A_300 : memref<1000000x64xf32, #tpu.memory_space<hbm>>) target(%arg21 : memref<128x64xf32, #tpu.memory_space<vmem>>) offsets(%dma_start3A_297 : memref<128xi32, #tpu.memory_space<vmem>>) semaphore(%arg26 : memref<!tpu.dma_semaphore, #tpu.memory_space<semaphore_mem>>)
    %dma_wait3A_301 = arith.constant 384 : i32
    %dma_wait3A_302 = tpu.memref_slice %arg16[%dma_wait3A_301] : memref<512xi32, #tpu.memory_space<vmem>> -> memref<128xi32, #tpu.memory_space<vmem>>
    %dma_wait3A_303 = arith.constant 0 : i32
    %dma_wait3A_304 = arith.constant 0 : i32
    %dma_wait3A_305 = tpu.memref_slice %arg2[%dma_wait3A_303, %dma_wait3A_304] : memref<1000000x64xf32, #tpu.memory_space<hbm>> -> memref<1000000x64xf32, #tpu.memory_space<hbm>>
    tpu.wait_indirect_dma semaphore(%arg26 : memref<!tpu.dma_semaphore, #tpu.memory_space<semaphore_mem>>) src(%dma_wait3A_305 : memref<1000000x64xf32, #tpu.memory_space<hbm>>) dst(%arg19 : memref<128x64xf32, #tpu.memory_space<vmem>>)
    %dma_wait3A_306 = arith.constant 384 : i32
    %dma_wait3A_307 = tpu.memref_slice %arg17[%dma_wait3A_306] : memref<512xi32, #tpu.memory_space<vmem>> -> memref<128xi32, #tpu.memory_space<vmem>>
    %dma_wait3A_308 = arith.constant 0 : i32
    %dma_wait3A_309 = arith.constant 0 : i32
    %dma_wait3A_310 = tpu.memref_slice %arg3[%dma_wait3A_308, %dma_wait3A_309] : memref<1000000x64xf32, #tpu.memory_space<hbm>> -> memref<1000000x64xf32, #tpu.memory_space<hbm>>
    tpu.wait_indirect_dma semaphore(%arg26 : memref<!tpu.dma_semaphore, #tpu.memory_space<semaphore_mem>>) src(%dma_wait3A_310 : memref<1000000x64xf32, #tpu.memory_space<hbm>>) dst(%arg20 : memref<128x64xf32, #tpu.memory_space<vmem>>)
    %dma_wait3A_311 = arith.constant 384 : i32
    %dma_wait3A_312 = tpu.memref_slice %arg18[%dma_wait3A_311] : memref<512xi32, #tpu.memory_space<vmem>> -> memref<128xi32, #tpu.memory_space<vmem>>
    %dma_wait3A_313 = arith.constant 0 : i32
    %dma_wait3A_314 = arith.constant 0 : i32
    %dma_wait3A_315 = tpu.memref_slice %arg3[%dma_wait3A_313, %dma_wait3A_314] : memref<1000000x64xf32, #tpu.memory_space<hbm>> -> memref<1000000x64xf32, #tpu.memory_space<hbm>>
    tpu.wait_indirect_dma semaphore(%arg26 : memref<!tpu.dma_semaphore, #tpu.memory_space<semaphore_mem>>) src(%dma_wait3A_315 : memref<1000000x64xf32, #tpu.memory_space<hbm>>) dst(%arg21 : memref<128x64xf32, #tpu.memory_space<vmem>>)
    %iota3A_316 = tpu.iota {dimensions = array<i32: 0>} : vector<16xi32>
    %mul3A_317 = arith.constant 16 : i32
    %mul3A_318 = vector.broadcast %mul3A_317 : i32 to vector<16xi32>
    %mul3A_319 = arith.muli %iota3A_316, %mul3A_318 : vector<16xi32>
    %scan3A_320 = arith.constant 0 : i32
    %scan3A_321 = arith.constant 0 : i32
    %scan3A_322 = arith.constant 8 : i32
    %scan3A_323 = arith.addi %scan3A_321, %scan3A_322 : i32
    %scan3A_324 = arith.constant 1 : i32
    %scan3A_325 = scf.for %scan3A_548 = %scan3A_321 to %scan3A_323 step %scan3A_324 iter_args(%scan3A_549 = %scan3A_320) -> (i32)  : i32 {
      %mul3A_550 = arith.constant 16 : i32
      %mul3A_551 = arith.muli %scan3A_548, %mul3A_550 : i32
      %scan3A_552 = arith.constant 0 : i32
      %scan3A_553 = arith.constant 0 : i32
      %scan3A_554 = arith.constant 16 : i32
      %scan3A_555 = arith.addi %scan3A_553, %scan3A_554 : i32
      %scan3A_556 = arith.constant 1 : i32
      %scan3A_557 = scf.for %scan3A_573 = %scan3A_553 to %scan3A_555 step %scan3A_556 iter_args(%scan3A_574 = %scan3A_552) -> (i32)  : i32 {
        %add3A_575 = arith.addi %mul3A_551, %scan3A_573 : i32
        %get3A_576 = arith.index_cast %add3A_575 : i32 to index
        %get3A_577 = arith.constant 0 : index
        %get3A_578 = tpu.vector_load %arg19[%get3A_576, %get3A_577] {strides = array<i32>} : memref<128x64xf32, #tpu.memory_space<vmem>>, vector<16xf32>,
        %get3A_579 = arith.index_cast %add3A_575 : i32 to index
        %get3A_580 = arith.constant 0 : index
        %get3A_581 = tpu.vector_load %arg20[%get3A_579, %get3A_580] {strides = array<i32>} : memref<128x64xf32, #tpu.memory_space<vmem>>, vector<16xf32>,
        %mul3A_582 = arith.mulf %get3A_578, %get3A_581 : vector<16xf32>
        %get3A_583 = arith.index_cast %add3A_575 : i32 to index
        %get3A_584 = arith.constant 0 : index
        %get3A_585 = tpu.vector_load %arg21[%get3A_583, %get3A_584] {strides = array<i32>} : memref<128x64xf32, #tpu.memory_space<vmem>>, vector<16xf32>,
        %mul3A_586 = arith.mulf %mul3A_582, %get3A_585 : vector<16xf32>
        %get3A_587 = arith.index_cast %add3A_575 : i32 to index
        %get3A_588 = arith.constant 16 : index
        %get3A_589 = tpu.vector_load %arg19[%get3A_587, %get3A_588] {strides = array<i32>} : memref<128x64xf32, #tpu.memory_space<vmem>>, vector<16xf32>,
        %get3A_590 = arith.index_cast %add3A_575 : i32 to index
        %get3A_591 = arith.constant 16 : index
        %get3A_592 = tpu.vector_load %arg20[%get3A_590, %get3A_591] {strides = array<i32>} : memref<128x64xf32, #tpu.memory_space<vmem>>, vector<16xf32>,
        %mul3A_593 = arith.mulf %get3A_589, %get3A_592 : vector<16xf32>
        %get3A_594 = arith.index_cast %add3A_575 : i32 to index
        %get3A_595 = arith.constant 16 : index
        %get3A_596 = tpu.vector_load %arg21[%get3A_594, %get3A_595] {strides = array<i32>} : memref<128x64xf32, #tpu.memory_space<vmem>>, vector<16xf32>,
        %mul3A_597 = arith.mulf %mul3A_593, %get3A_596 : vector<16xf32>
        %add3A_598 = arith.addf %mul3A_586, %mul3A_597 : vector<16xf32>
        %get3A_599 = arith.index_cast %add3A_575 : i32 to index
        %get3A_600 = arith.constant 32 : index
        %get3A_601 = tpu.vector_load %arg19[%get3A_599, %get3A_600] {strides = array<i32>} : memref<128x64xf32, #tpu.memory_space<vmem>>, vector<16xf32>,
        %get3A_602 = arith.index_cast %add3A_575 : i32 to index
        %get3A_603 = arith.constant 32 : index
        %get3A_604 = tpu.vector_load %arg20[%get3A_602, %get3A_603] {strides = array<i32>} : memref<128x64xf32, #tpu.memory_space<vmem>>, vector<16xf32>,
        %mul3A_605 = arith.mulf %get3A_601, %get3A_604 : vector<16xf32>
        %get3A_606 = arith.index_cast %add3A_575 : i32 to index
        %get3A_607 = arith.constant 32 : index
        %get3A_608 = tpu.vector_load %arg21[%get3A_606, %get3A_607] {strides = array<i32>} : memref<128x64xf32, #tpu.memory_space<vmem>>, vector<16xf32>,
        %mul3A_609 = arith.mulf %mul3A_605, %get3A_608 : vector<16xf32>
        %add3A_610 = arith.addf %add3A_598, %mul3A_609 : vector<16xf32>
        %get3A_611 = arith.index_cast %add3A_575 : i32 to index
        %get3A_612 = arith.constant 48 : index
        %get3A_613 = tpu.vector_load %arg19[%get3A_611, %get3A_612] {strides = array<i32>} : memref<128x64xf32, #tpu.memory_space<vmem>>, vector<16xf32>,
        %get3A_614 = arith.index_cast %add3A_575 : i32 to index
        %get3A_615 = arith.constant 48 : index
        %get3A_616 = tpu.vector_load %arg20[%get3A_614, %get3A_615] {strides = array<i32>} : memref<128x64xf32, #tpu.memory_space<vmem>>, vector<16xf32>,
        %mul3A_617 = arith.mulf %get3A_613, %get3A_616 : vector<16xf32>
        %get3A_618 = arith.index_cast %add3A_575 : i32 to index
        %get3A_619 = arith.constant 48 : index
        %get3A_620 = tpu.vector_load %arg21[%get3A_618, %get3A_619] {strides = array<i32>} : memref<128x64xf32, #tpu.memory_space<vmem>>, vector<16xf32>,
        %mul3A_621 = arith.mulf %mul3A_617, %get3A_620 : vector<16xf32>
        %add3A_622 = arith.addf %add3A_610, %mul3A_621 : vector<16xf32>
        %mul3A_623 = arith.constant 16 : i32
        %mul3A_624 = arith.muli %scan3A_573, %mul3A_623 : i32
        %swap3A_625 = arith.index_cast %mul3A_624 : i32 to index
        %swap3A_626 = tpu.vector_load %arg22[%swap3A_625] {strides = array<i32>} : memref<256xf32, #tpu.memory_space<vmem>>, vector<16xf32>,
        tpu.vector_store %arg22[%swap3A_625], %add3A_622 {strides = array<i32>} : memref<256xf32, #tpu.memory_space<vmem>>, vector<16xf32>,
        %scan3A_627 = arith.constant 0 : i32
        scf.yield %scan3A_627 : i32
      }
      %scan3A_558 = arith.constant 16 : i32
      %broadcast_in_dim3A = arith.constant 0.000000e+00 : f32
      %broadcast_in_dim3A_559 = vector.broadcast %broadcast_in_dim3A : f32 to vector<16xf32>
      %scan3A_560 = arith.constant 0 : i32
      %scan3A_561 = arith.constant 16 : i32
      %scan3A_562 = arith.addi %scan3A_560, %scan3A_561 : i32
      %scan3A_563 = arith.constant 1 : i32
      %scan3A_564 = scf.for %scan3A_573 = %scan3A_560 to %scan3A_562 step %scan3A_563 iter_args(%scan3A_574 = %broadcast_in_dim3A_559) -> (vector<16xf32>)  : i32 {
        %add3A_575 = vector.broadcast %scan3A_573 : i32 to vector<16xi32>
        %add3A_576 = arith.addi %mul3A_319, %add3A_575 : vector<16xi32>
        %gather3A = tpu.vector_load_idx %arg22[%add3A_576] : memref<256xf32, #tpu.memory_space<vmem>>[vector<16xi32>], vector<16xf32>,
        %add3A_577 = arith.addf %scan3A_574, %gather3A : vector<16xf32>
        scf.yield %add3A_577 : vector<16xf32>
      }
      %scan3A_565 = arith.constant 16 : i32
      %mul3A_566 = arith.constant 16 : i32
      %mul3A_567 = arith.muli %scan3A_548, %mul3A_566 : i32
      %add3A_568 = arith.constant 384 : i32
      %add3A_569 = arith.addi %add3A_568, %mul3A_567 : i32
      %swap3A_570 = arith.index_cast %add3A_569 : i32 to index
      %swap3A_571 = tpu.vector_load %arg24[%swap3A_570] {strides = array<i32>} : memref<512xf32, #tpu.memory_space<vmem>>, vector<16xf32>,
      tpu.vector_store %arg24[%swap3A_570], %scan3A_564 {strides = array<i32>} : memref<512xf32, #tpu.memory_space<vmem>>, vector<16xf32>,
      %scan3A_572 = arith.constant 0 : i32
      scf.yield %scan3A_572 : i32
    }
    %scan3A_326 = arith.constant 8 : i32
    %get3A = arith.constant 0 : index
    %get3A_327 = tpu.vector_load %arg24[%get3A] {strides = array<i32>} : memref<512xf32, #tpu.memory_space<vmem>>, vector<16xf32>,
    %get3A_328 = arith.constant 0 : index
    %get3A_329 = tpu.vector_load %arg23[%get3A_328] {strides = array<i32>} : memref<512xf32, #tpu.memory_space<vmem>>, vector<16xf32>,
    %sub3A = arith.subf %get3A_327, %get3A_329 : vector<16xf32>
    %swap3A = arith.constant 0 : index
    %swap3A_330 = tpu.vector_load %arg25[%swap3A] {strides = array<i32>} : memref<512xf32, #tpu.memory_space<vmem>>, vector<16xf32>,
    tpu.vector_store %arg25[%swap3A], %sub3A {strides = array<i32>} : memref<512xf32, #tpu.memory_space<vmem>>, vector<16xf32>,
    %get3A_331 = arith.constant 16 : index
    %get3A_332 = tpu.vector_load %arg24[%get3A_331] {strides = array<i32>} : memref<512xf32, #tpu.memory_space<vmem>>, vector<16xf32>,
    %get3A_333 = arith.constant 16 : index
    %get3A_334 = tpu.vector_load %arg23[%get3A_333] {strides = array<i32>} : memref<512xf32, #tpu.memory_space<vmem>>, vector<16xf32>,
    %sub3A_335 = arith.subf %get3A_332, %get3A_334 : vector<16xf32>
    %swap3A_336 = arith.constant 16 : index
    %swap3A_337 = tpu.vector_load %arg25[%swap3A_336] {strides = array<i32>} : memref<512xf32, #tpu.memory_space<vmem>>, vector<16xf32>,
    tpu.vector_store %arg25[%swap3A_336], %sub3A_335 {strides = array<i32>} : memref<512xf32, #tpu.memory_space<vmem>>, vector<16xf32>,
    %get3A_338 = arith.constant 32 : index
    %get3A_339 = tpu.vector_load %arg24[%get3A_338] {strides = array<i32>} : memref<512xf32, #tpu.memory_space<vmem>>, vector<16xf32>,
    %get3A_340 = arith.constant 32 : index
    %get3A_341 = tpu.vector_load %arg23[%get3A_340] {strides = array<i32>} : memref<512xf32, #tpu.memory_space<vmem>>, vector<16xf32>,
    %sub3A_342 = arith.subf %get3A_339, %get3A_341 : vector<16xf32>
    %swap3A_343 = arith.constant 32 : index
    %swap3A_344 = tpu.vector_load %arg25[%swap3A_343] {strides = array<i32>} : memref<512xf32, #tpu.memory_space<vmem>>, vector<16xf32>,
    tpu.vector_store %arg25[%swap3A_343], %sub3A_342 {strides = array<i32>} : memref<512xf32, #tpu.memory_space<vmem>>, vector<16xf32>,
    %get3A_345 = arith.constant 48 : index
    %get3A_346 = tpu.vector_load %arg24[%get3A_345] {strides = array<i32>} : memref<512xf32, #tpu.memory_space<vmem>>, vector<16xf32>,
    %get3A_347 = arith.constant 48 : index
    %get3A_348 = tpu.vector_load %arg23[%get3A_347] {strides = array<i32>} : memref<512xf32, #tpu.memory_space<vmem>>, vector<16xf32>,
    %sub3A_349 = arith.subf %get3A_346, %get3A_348 : vector<16xf32>
    %swap3A_350 = arith.constant 48 : index
    %swap3A_351 = tpu.vector_load %arg25[%swap3A_350] {strides = array<i32>} : memref<512xf32, #tpu.memory_space<vmem>>, vector<16xf32>,
    tpu.vector_store %arg25[%swap3A_350], %sub3A_349 {strides = array<i32>} : memref<512xf32, #tpu.memory_space<vmem>>, vector<16xf32>,
    %get3A_352 = arith.constant 64 : index
    %get3A_353 = tpu.vector_load %arg24[%get3A_352] {strides = array<i32>} : memref<512xf32, #tpu.memory_space<vmem>>, vector<16xf32>,
    %get3A_354 = arith.constant 64 : index
    %get3A_355 = tpu.vector_load %arg23[%get3A_354] {strides = array<i32>} : memref<512xf32, #tpu.memory_space<vmem>>, vector<16xf32>,
    %sub3A_356 = arith.subf %get3A_353, %get3A_355 : vector<16xf32>
    %swap3A_357 = arith.constant 64 : index
    %swap3A_358 = tpu.vector_load %arg25[%swap3A_357] {strides = array<i32>} : memref<512xf32, #tpu.memory_space<vmem>>, vector<16xf32>,
    tpu.vector_store %arg25[%swap3A_357], %sub3A_356 {strides = array<i32>} : memref<512xf32, #tpu.memory_space<vmem>>, vector<16xf32>,
    %get3A_359 = arith.constant 80 : index
    %get3A_360 = tpu.vector_load %arg24[%get3A_359] {strides = array<i32>} : memref<512xf32, #tpu.memory_space<vmem>>, vector<16xf32>,
    %get3A_361 = arith.constant 80 : index
    %get3A_362 = tpu.vector_load %arg23[%get3A_361] {strides = array<i32>} : memref<512xf32, #tpu.memory_space<vmem>>, vector<16xf32>,
    %sub3A_363 = arith.subf %get3A_360, %get3A_362 : vector<16xf32>
    %swap3A_364 = arith.constant 80 : index
    %swap3A_365 = tpu.vector_load %arg25[%swap3A_364] {strides = array<i32>} : memref<512xf32, #tpu.memory_space<vmem>>, vector<16xf32>,
    tpu.vector_store %arg25[%swap3A_364], %sub3A_363 {strides = array<i32>} : memref<512xf32, #tpu.memory_space<vmem>>, vector<16xf32>,
    %get3A_366 = arith.constant 96 : index
    %get3A_367 = tpu.vector_load %arg24[%get3A_366] {strides = array<i32>} : memref<512xf32, #tpu.memory_space<vmem>>, vector<16xf32>,
    %get3A_368 = arith.constant 96 : index
    %get3A_369 = tpu.vector_load %arg23[%get3A_368] {strides = array<i32>} : memref<512xf32, #tpu.memory_space<vmem>>, vector<16xf32>,
    %sub3A_370 = arith.subf %get3A_367, %get3A_369 : vector<16xf32>
    %swap3A_371 = arith.constant 96 : index
    %swap3A_372 = tpu.vector_load %arg25[%swap3A_371] {strides = array<i32>} : memref<512xf32, #tpu.memory_space<vmem>>, vector<16xf32>,
    tpu.vector_store %arg25[%swap3A_371], %sub3A_370 {strides = array<i32>} : memref<512xf32, #tpu.memory_space<vmem>>, vector<16xf32>,
    %get3A_373 = arith.constant 112 : index
    %get3A_374 = tpu.vector_load %arg24[%get3A_373] {strides = array<i32>} : memref<512xf32, #tpu.memory_space<vmem>>, vector<16xf32>,
    %get3A_375 = arith.constant 112 : index
    %get3A_376 = tpu.vector_load %arg23[%get3A_375] {strides = array<i32>} : memref<512xf32, #tpu.memory_space<vmem>>, vector<16xf32>,
    %sub3A_377 = arith.subf %get3A_374, %get3A_376 : vector<16xf32>
    %swap3A_378 = arith.constant 112 : index
    %swap3A_379 = tpu.vector_load %arg25[%swap3A_378] {strides = array<i32>} : memref<512xf32, #tpu.memory_space<vmem>>, vector<16xf32>,
    tpu.vector_store %arg25[%swap3A_378], %sub3A_377 {strides = array<i32>} : memref<512xf32, #tpu.memory_space<vmem>>, vector<16xf32>,
    %get3A_380 = arith.constant 128 : index
    %get3A_381 = tpu.vector_load %arg24[%get3A_380] {strides = array<i32>} : memref<512xf32, #tpu.memory_space<vmem>>, vector<16xf32>,
    %get3A_382 = arith.constant 128 : index
    %get3A_383 = tpu.vector_load %arg23[%get3A_382] {strides = array<i32>} : memref<512xf32, #tpu.memory_space<vmem>>, vector<16xf32>,
    %sub3A_384 = arith.subf %get3A_381, %get3A_383 : vector<16xf32>
    %swap3A_385 = arith.constant 128 : index
    %swap3A_386 = tpu.vector_load %arg25[%swap3A_385] {strides = array<i32>} : memref<512xf32, #tpu.memory_space<vmem>>, vector<16xf32>,
    tpu.vector_store %arg25[%swap3A_385], %sub3A_384 {strides = array<i32>} : memref<512xf32, #tpu.memory_space<vmem>>, vector<16xf32>,
    %get3A_387 = arith.constant 144 : index
    %get3A_388 = tpu.vector_load %arg24[%get3A_387] {strides = array<i32>} : memref<512xf32, #tpu.memory_space<vmem>>, vector<16xf32>,
    %get3A_389 = arith.constant 144 : index
    %get3A_390 = tpu.vector_load %arg23[%get3A_389] {strides = array<i32>} : memref<512xf32, #tpu.memory_space<vmem>>, vector<16xf32>,
    %sub3A_391 = arith.subf %get3A_388, %get3A_390 : vector<16xf32>
    %swap3A_392 = arith.constant 144 : index
    %swap3A_393 = tpu.vector_load %arg25[%swap3A_392] {strides = array<i32>} : memref<512xf32, #tpu.memory_space<vmem>>, vector<16xf32>,
    tpu.vector_store %arg25[%swap3A_392], %sub3A_391 {strides = array<i32>} : memref<512xf32, #tpu.memory_space<vmem>>, vector<16xf32>,
    %get3A_394 = arith.constant 160 : index
    %get3A_395 = tpu.vector_load %arg24[%get3A_394] {strides = array<i32>} : memref<512xf32, #tpu.memory_space<vmem>>, vector<16xf32>,
    %get3A_396 = arith.constant 160 : index
    %get3A_397 = tpu.vector_load %arg23[%get3A_396] {strides = array<i32>} : memref<512xf32, #tpu.memory_space<vmem>>, vector<16xf32>,
    %sub3A_398 = arith.subf %get3A_395, %get3A_397 : vector<16xf32>
    %swap3A_399 = arith.constant 160 : index
    %swap3A_400 = tpu.vector_load %arg25[%swap3A_399] {strides = array<i32>} : memref<512xf32, #tpu.memory_space<vmem>>, vector<16xf32>,
    tpu.vector_store %arg25[%swap3A_399], %sub3A_398 {strides = array<i32>} : memref<512xf32, #tpu.memory_space<vmem>>, vector<16xf32>,
    %get3A_401 = arith.constant 176 : index
    %get3A_402 = tpu.vector_load %arg24[%get3A_401] {strides = array<i32>} : memref<512xf32, #tpu.memory_space<vmem>>, vector<16xf32>,
    %get3A_403 = arith.constant 176 : index
    %get3A_404 = tpu.vector_load %arg23[%get3A_403] {strides = array<i32>} : memref<512xf32, #tpu.memory_space<vmem>>, vector<16xf32>,
    %sub3A_405 = arith.subf %get3A_402, %get3A_404 : vector<16xf32>
    %swap3A_406 = arith.constant 176 : index
    %swap3A_407 = tpu.vector_load %arg25[%swap3A_406] {strides = array<i32>} : memref<512xf32, #tpu.memory_space<vmem>>, vector<16xf32>,
    tpu.vector_store %arg25[%swap3A_406], %sub3A_405 {strides = array<i32>} : memref<512xf32, #tpu.memory_space<vmem>>, vector<16xf32>,
    %get3A_408 = arith.constant 192 : index
    %get3A_409 = tpu.vector_load %arg24[%get3A_408] {strides = array<i32>} : memref<512xf32, #tpu.memory_space<vmem>>, vector<16xf32>,
    %get3A_410 = arith.constant 192 : index
    %get3A_411 = tpu.vector_load %arg23[%get3A_410] {strides = array<i32>} : memref<512xf32, #tpu.memory_space<vmem>>, vector<16xf32>,
    %sub3A_412 = arith.subf %get3A_409, %get3A_411 : vector<16xf32>
    %swap3A_413 = arith.constant 192 : index
    %swap3A_414 = tpu.vector_load %arg25[%swap3A_413] {strides = array<i32>} : memref<512xf32, #tpu.memory_space<vmem>>, vector<16xf32>,
    tpu.vector_store %arg25[%swap3A_413], %sub3A_412 {strides = array<i32>} : memref<512xf32, #tpu.memory_space<vmem>>, vector<16xf32>,
    %get3A_415 = arith.constant 208 : index
    %get3A_416 = tpu.vector_load %arg24[%get3A_415] {strides = array<i32>} : memref<512xf32, #tpu.memory_space<vmem>>, vector<16xf32>,
    %get3A_417 = arith.constant 208 : index
    %get3A_418 = tpu.vector_load %arg23[%get3A_417] {strides = array<i32>} : memref<512xf32, #tpu.memory_space<vmem>>, vector<16xf32>,
    %sub3A_419 = arith.subf %get3A_416, %get3A_418 : vector<16xf32>
    %swap3A_420 = arith.constant 208 : index
    %swap3A_421 = tpu.vector_load %arg25[%swap3A_420] {strides = array<i32>} : memref<512xf32, #tpu.memory_space<vmem>>, vector<16xf32>,
    tpu.vector_store %arg25[%swap3A_420], %sub3A_419 {strides = array<i32>} : memref<512xf32, #tpu.memory_space<vmem>>, vector<16xf32>,
    %get3A_422 = arith.constant 224 : index
    %get3A_423 = tpu.vector_load %arg24[%get3A_422] {strides = array<i32>} : memref<512xf32, #tpu.memory_space<vmem>>, vector<16xf32>,
    %get3A_424 = arith.constant 224 : index
    %get3A_425 = tpu.vector_load %arg23[%get3A_424] {strides = array<i32>} : memref<512xf32, #tpu.memory_space<vmem>>, vector<16xf32>,
    %sub3A_426 = arith.subf %get3A_423, %get3A_425 : vector<16xf32>
    %swap3A_427 = arith.constant 224 : index
    %swap3A_428 = tpu.vector_load %arg25[%swap3A_427] {strides = array<i32>} : memref<512xf32, #tpu.memory_space<vmem>>, vector<16xf32>,
    tpu.vector_store %arg25[%swap3A_427], %sub3A_426 {strides = array<i32>} : memref<512xf32, #tpu.memory_space<vmem>>, vector<16xf32>,
    %get3A_429 = arith.constant 240 : index
    %get3A_430 = tpu.vector_load %arg24[%get3A_429] {strides = array<i32>} : memref<512xf32, #tpu.memory_space<vmem>>, vector<16xf32>,
    %get3A_431 = arith.constant 240 : index
    %get3A_432 = tpu.vector_load %arg23[%get3A_431] {strides = array<i32>} : memref<512xf32, #tpu.memory_space<vmem>>, vector<16xf32>,
    %sub3A_433 = arith.subf %get3A_430, %get3A_432 : vector<16xf32>
    %swap3A_434 = arith.constant 240 : index
    %swap3A_435 = tpu.vector_load %arg25[%swap3A_434] {strides = array<i32>} : memref<512xf32, #tpu.memory_space<vmem>>, vector<16xf32>,
    tpu.vector_store %arg25[%swap3A_434], %sub3A_433 {strides = array<i32>} : memref<512xf32, #tpu.memory_space<vmem>>, vector<16xf32>,
    %get3A_436 = arith.constant 256 : index
    %get3A_437 = tpu.vector_load %arg24[%get3A_436] {strides = array<i32>} : memref<512xf32, #tpu.memory_space<vmem>>, vector<16xf32>,
    %get3A_438 = arith.constant 256 : index
    %get3A_439 = tpu.vector_load %arg23[%get3A_438] {strides = array<i32>} : memref<512xf32, #tpu.memory_space<vmem>>, vector<16xf32>,
    %sub3A_440 = arith.subf %get3A_437, %get3A_439 : vector<16xf32>
    %swap3A_441 = arith.constant 256 : index
    %swap3A_442 = tpu.vector_load %arg25[%swap3A_441] {strides = array<i32>} : memref<512xf32, #tpu.memory_space<vmem>>, vector<16xf32>,
    tpu.vector_store %arg25[%swap3A_441], %sub3A_440 {strides = array<i32>} : memref<512xf32, #tpu.memory_space<vmem>>, vector<16xf32>,
    %get3A_443 = arith.constant 272 : index
    %get3A_444 = tpu.vector_load %arg24[%get3A_443] {strides = array<i32>} : memref<512xf32, #tpu.memory_space<vmem>>, vector<16xf32>,
    %get3A_445 = arith.constant 272 : index
    %get3A_446 = tpu.vector_load %arg23[%get3A_445] {strides = array<i32>} : memref<512xf32, #tpu.memory_space<vmem>>, vector<16xf32>,
    %sub3A_447 = arith.subf %get3A_444, %get3A_446 : vector<16xf32>
    %swap3A_448 = arith.constant 272 : index
    %swap3A_449 = tpu.vector_load %arg25[%swap3A_448] {strides = array<i32>} : memref<512xf32, #tpu.memory_space<vmem>>, vector<16xf32>,
    tpu.vector_store %arg25[%swap3A_448], %sub3A_447 {strides = array<i32>} : memref<512xf32, #tpu.memory_space<vmem>>, vector<16xf32>,
    %get3A_450 = arith.constant 288 : index
    %get3A_451 = tpu.vector_load %arg24[%get3A_450] {strides = array<i32>} : memref<512xf32, #tpu.memory_space<vmem>>, vector<16xf32>,
    %get3A_452 = arith.constant 288 : index
    %get3A_453 = tpu.vector_load %arg23[%get3A_452] {strides = array<i32>} : memref<512xf32, #tpu.memory_space<vmem>>, vector<16xf32>,
    %sub3A_454 = arith.subf %get3A_451, %get3A_453 : vector<16xf32>
    %swap3A_455 = arith.constant 288 : index
    %swap3A_456 = tpu.vector_load %arg25[%swap3A_455] {strides = array<i32>} : memref<512xf32, #tpu.memory_space<vmem>>, vector<16xf32>,
    tpu.vector_store %arg25[%swap3A_455], %sub3A_454 {strides = array<i32>} : memref<512xf32, #tpu.memory_space<vmem>>, vector<16xf32>,
    %get3A_457 = arith.constant 304 : index
    %get3A_458 = tpu.vector_load %arg24[%get3A_457] {strides = array<i32>} : memref<512xf32, #tpu.memory_space<vmem>>, vector<16xf32>,
    %get3A_459 = arith.constant 304 : index
    %get3A_460 = tpu.vector_load %arg23[%get3A_459] {strides = array<i32>} : memref<512xf32, #tpu.memory_space<vmem>>, vector<16xf32>,
    %sub3A_461 = arith.subf %get3A_458, %get3A_460 : vector<16xf32>
    %swap3A_462 = arith.constant 304 : index
    %swap3A_463 = tpu.vector_load %arg25[%swap3A_462] {strides = array<i32>} : memref<512xf32, #tpu.memory_space<vmem>>, vector<16xf32>,
    tpu.vector_store %arg25[%swap3A_462], %sub3A_461 {strides = array<i32>} : memref<512xf32, #tpu.memory_space<vmem>>, vector<16xf32>,
    %get3A_464 = arith.constant 320 : index
    %get3A_465 = tpu.vector_load %arg24[%get3A_464] {strides = array<i32>} : memref<512xf32, #tpu.memory_space<vmem>>, vector<16xf32>,
    %get3A_466 = arith.constant 320 : index
    %get3A_467 = tpu.vector_load %arg23[%get3A_466] {strides = array<i32>} : memref<512xf32, #tpu.memory_space<vmem>>, vector<16xf32>,
    %sub3A_468 = arith.subf %get3A_465, %get3A_467 : vector<16xf32>
    %swap3A_469 = arith.constant 320 : index
    %swap3A_470 = tpu.vector_load %arg25[%swap3A_469] {strides = array<i32>} : memref<512xf32, #tpu.memory_space<vmem>>, vector<16xf32>,
    tpu.vector_store %arg25[%swap3A_469], %sub3A_468 {strides = array<i32>} : memref<512xf32, #tpu.memory_space<vmem>>, vector<16xf32>,
    %get3A_471 = arith.constant 336 : index
    %get3A_472 = tpu.vector_load %arg24[%get3A_471] {strides = array<i32>} : memref<512xf32, #tpu.memory_space<vmem>>, vector<16xf32>,
    %get3A_473 = arith.constant 336 : index
    %get3A_474 = tpu.vector_load %arg23[%get3A_473] {strides = array<i32>} : memref<512xf32, #tpu.memory_space<vmem>>, vector<16xf32>,
    %sub3A_475 = arith.subf %get3A_472, %get3A_474 : vector<16xf32>
    %swap3A_476 = arith.constant 336 : index
    %swap3A_477 = tpu.vector_load %arg25[%swap3A_476] {strides = array<i32>} : memref<512xf32, #tpu.memory_space<vmem>>, vector<16xf32>,
    tpu.vector_store %arg25[%swap3A_476], %sub3A_475 {strides = array<i32>} : memref<512xf32, #tpu.memory_space<vmem>>, vector<16xf32>,
    %get3A_478 = arith.constant 352 : index
    %get3A_479 = tpu.vector_load %arg24[%get3A_478] {strides = array<i32>} : memref<512xf32, #tpu.memory_space<vmem>>, vector<16xf32>,
    %get3A_480 = arith.constant 352 : index
    %get3A_481 = tpu.vector_load %arg23[%get3A_480] {strides = array<i32>} : memref<512xf32, #tpu.memory_space<vmem>>, vector<16xf32>,
    %sub3A_482 = arith.subf %get3A_479, %get3A_481 : vector<16xf32>
    %swap3A_483 = arith.constant 352 : index
    %swap3A_484 = tpu.vector_load %arg25[%swap3A_483] {strides = array<i32>} : memref<512xf32, #tpu.memory_space<vmem>>, vector<16xf32>,
    tpu.vector_store %arg25[%swap3A_483], %sub3A_482 {strides = array<i32>} : memref<512xf32, #tpu.memory_space<vmem>>, vector<16xf32>,
    %get3A_485 = arith.constant 368 : index
    %get3A_486 = tpu.vector_load %arg24[%get3A_485] {strides = array<i32>} : memref<512xf32, #tpu.memory_space<vmem>>, vector<16xf32>,
    %get3A_487 = arith.constant 368 : index
    %get3A_488 = tpu.vector_load %arg23[%get3A_487] {strides = array<i32>} : memref<512xf32, #tpu.memory_space<vmem>>, vector<16xf32>,
    %sub3A_489 = arith.subf %get3A_486, %get3A_488 : vector<16xf32>
    %swap3A_490 = arith.constant 368 : index
    %swap3A_491 = tpu.vector_load %arg25[%swap3A_490] {strides = array<i32>} : memref<512xf32, #tpu.memory_space<vmem>>, vector<16xf32>,
    tpu.vector_store %arg25[%swap3A_490], %sub3A_489 {strides = array<i32>} : memref<512xf32, #tpu.memory_space<vmem>>, vector<16xf32>,
    %get3A_492 = arith.constant 384 : index
    %get3A_493 = tpu.vector_load %arg24[%get3A_492] {strides = array<i32>} : memref<512xf32, #tpu.memory_space<vmem>>, vector<16xf32>,
    %get3A_494 = arith.constant 384 : index
    %get3A_495 = tpu.vector_load %arg23[%get3A_494] {strides = array<i32>} : memref<512xf32, #tpu.memory_space<vmem>>, vector<16xf32>,
    %sub3A_496 = arith.subf %get3A_493, %get3A_495 : vector<16xf32>
    %swap3A_497 = arith.constant 384 : index
    %swap3A_498 = tpu.vector_load %arg25[%swap3A_497] {strides = array<i32>} : memref<512xf32, #tpu.memory_space<vmem>>, vector<16xf32>,
    tpu.vector_store %arg25[%swap3A_497], %sub3A_496 {strides = array<i32>} : memref<512xf32, #tpu.memory_space<vmem>>, vector<16xf32>,
    %get3A_499 = arith.constant 400 : index
    %get3A_500 = tpu.vector_load %arg24[%get3A_499] {strides = array<i32>} : memref<512xf32, #tpu.memory_space<vmem>>, vector<16xf32>,
    %get3A_501 = arith.constant 400 : index
    %get3A_502 = tpu.vector_load %arg23[%get3A_501] {strides = array<i32>} : memref<512xf32, #tpu.memory_space<vmem>>, vector<16xf32>,
    %sub3A_503 = arith.subf %get3A_500, %get3A_502 : vector<16xf32>
    %swap3A_504 = arith.constant 400 : index
    %swap3A_505 = tpu.vector_load %arg25[%swap3A_504] {strides = array<i32>} : memref<512xf32, #tpu.memory_space<vmem>>, vector<16xf32>,
    tpu.vector_store %arg25[%swap3A_504], %sub3A_503 {strides = array<i32>} : memref<512xf32, #tpu.memory_space<vmem>>, vector<16xf32>,
    %get3A_506 = arith.constant 416 : index
    %get3A_507 = tpu.vector_load %arg24[%get3A_506] {strides = array<i32>} : memref<512xf32, #tpu.memory_space<vmem>>, vector<16xf32>,
    %get3A_508 = arith.constant 416 : index
    %get3A_509 = tpu.vector_load %arg23[%get3A_508] {strides = array<i32>} : memref<512xf32, #tpu.memory_space<vmem>>, vector<16xf32>,
    %sub3A_510 = arith.subf %get3A_507, %get3A_509 : vector<16xf32>
    %swap3A_511 = arith.constant 416 : index
    %swap3A_512 = tpu.vector_load %arg25[%swap3A_511] {strides = array<i32>} : memref<512xf32, #tpu.memory_space<vmem>>, vector<16xf32>,
    tpu.vector_store %arg25[%swap3A_511], %sub3A_510 {strides = array<i32>} : memref<512xf32, #tpu.memory_space<vmem>>, vector<16xf32>,
    %get3A_513 = arith.constant 432 : index
    %get3A_514 = tpu.vector_load %arg24[%get3A_513] {strides = array<i32>} : memref<512xf32, #tpu.memory_space<vmem>>, vector<16xf32>,
    %get3A_515 = arith.constant 432 : index
    %get3A_516 = tpu.vector_load %arg23[%get3A_515] {strides = array<i32>} : memref<512xf32, #tpu.memory_space<vmem>>, vector<16xf32>,
    %sub3A_517 = arith.subf %get3A_514, %get3A_516 : vector<16xf32>
    %swap3A_518 = arith.constant 432 : index
    %swap3A_519 = tpu.vector_load %arg25[%swap3A_518] {strides = array<i32>} : memref<512xf32, #tpu.memory_space<vmem>>, vector<16xf32>,
    tpu.vector_store %arg25[%swap3A_518], %sub3A_517 {strides = array<i32>} : memref<512xf32, #tpu.memory_space<vmem>>, vector<16xf32>,
    %get3A_520 = arith.constant 448 : index
    %get3A_521 = tpu.vector_load %arg24[%get3A_520] {strides = array<i32>} : memref<512xf32, #tpu.memory_space<vmem>>, vector<16xf32>,
    %get3A_522 = arith.constant 448 : index
    %get3A_523 = tpu.vector_load %arg23[%get3A_522] {strides = array<i32>} : memref<512xf32, #tpu.memory_space<vmem>>, vector<16xf32>,
    %sub3A_524 = arith.subf %get3A_521, %get3A_523 : vector<16xf32>
    %swap3A_525 = arith.constant 448 : index
    %swap3A_526 = tpu.vector_load %arg25[%swap3A_525] {strides = array<i32>} : memref<512xf32, #tpu.memory_space<vmem>>, vector<16xf32>,
    tpu.vector_store %arg25[%swap3A_525], %sub3A_524 {strides = array<i32>} : memref<512xf32, #tpu.memory_space<vmem>>, vector<16xf32>,
    %get3A_527 = arith.constant 464 : index
    %get3A_528 = tpu.vector_load %arg24[%get3A_527] {strides = array<i32>} : memref<512xf32, #tpu.memory_space<vmem>>, vector<16xf32>,
    %get3A_529 = arith.constant 464 : index
    %get3A_530 = tpu.vector_load %arg23[%get3A_529] {strides = array<i32>} : memref<512xf32, #tpu.memory_space<vmem>>, vector<16xf32>,
    %sub3A_531 = arith.subf %get3A_528, %get3A_530 : vector<16xf32>
    %swap3A_532 = arith.constant 464 : index
    %swap3A_533 = tpu.vector_load %arg25[%swap3A_532] {strides = array<i32>} : memref<512xf32, #tpu.memory_space<vmem>>, vector<16xf32>,
    tpu.vector_store %arg25[%swap3A_532], %sub3A_531 {strides = array<i32>} : memref<512xf32, #tpu.memory_space<vmem>>, vector<16xf32>,
    %get3A_534 = arith.constant 480 : index
    %get3A_535 = tpu.vector_load %arg24[%get3A_534] {strides = array<i32>} : memref<512xf32, #tpu.memory_space<vmem>>, vector<16xf32>,
    %get3A_536 = arith.constant 480 : index
    %get3A_537 = tpu.vector_load %arg23[%get3A_536] {strides = array<i32>} : memref<512xf32, #tpu.memory_space<vmem>>, vector<16xf32>,
    %sub3A_538 = arith.subf %get3A_535, %get3A_537 : vector<16xf32>
    %swap3A_539 = arith.constant 480 : index
    %swap3A_540 = tpu.vector_load %arg25[%swap3A_539] {strides = array<i32>} : memref<512xf32, #tpu.memory_space<vmem>>, vector<16xf32>,
    tpu.vector_store %arg25[%swap3A_539], %sub3A_538 {strides = array<i32>} : memref<512xf32, #tpu.memory_space<vmem>>, vector<16xf32>,
    %get3A_541 = arith.constant 496 : index
    %get3A_542 = tpu.vector_load %arg24[%get3A_541] {strides = array<i32>} : memref<512xf32, #tpu.memory_space<vmem>>, vector<16xf32>,
    %get3A_543 = arith.constant 496 : index
    %get3A_544 = tpu.vector_load %arg23[%get3A_543] {strides = array<i32>} : memref<512xf32, #tpu.memory_space<vmem>>, vector<16xf32>,
    %sub3A_545 = arith.subf %get3A_542, %get3A_544 : vector<16xf32>
    %swap3A_546 = arith.constant 496 : index
    %swap3A_547 = tpu.vector_load %arg25[%swap3A_546] {strides = array<i32>} : memref<512xf32, #tpu.memory_space<vmem>>, vector<16xf32>,
    tpu.vector_store %arg25[%swap3A_546], %sub3A_545 {strides = array<i32>} : memref<512xf32, #tpu.memory_space<vmem>>, vector<16xf32>,
    "tpu.region"() ({
      %run_scoped3A = tpu.sem_alloc : memref<!tpu.dma_semaphore, #tpu.memory_space<semaphore_mem>>
      %dma_start3A_548 = tpu.memref_slice %arg11[%multiple_of3A] : memref<16384xf32, #tpu.memory_space<hbm>> -> memref<512xf32, #tpu.memory_space<hbm>>
      %dma_start3A_549 = tpu.memref_slice %arg11[%multiple_of3A] : memref<16384xf32, #tpu.memory_space<hbm>> -> memref<512xf32, #tpu.memory_space<hbm>>
      tpu.enqueue_dma source(%arg23 : memref<512xf32, #tpu.memory_space<vmem>>) target(%dma_start3A_549 : memref<512xf32, #tpu.memory_space<hbm>>) target_semaphore(%run_scoped3A : memref<!tpu.dma_semaphore, #tpu.memory_space<semaphore_mem>>)
      %dma_wait3A_550 = tpu.memref_slice %arg11[%multiple_of3A] : memref<16384xf32, #tpu.memory_space<hbm>> -> memref<512xf32, #tpu.memory_space<hbm>>
      %dma_wait3A_551 = tpu.memref_slice %arg11[%multiple_of3A] : memref<16384xf32, #tpu.memory_space<hbm>> -> memref<512xf32, #tpu.memory_space<hbm>>
      tpu.wait_dma2 semaphore(%run_scoped3A : memref<!tpu.dma_semaphore, #tpu.memory_space<semaphore_mem>>) src(%arg23 : memref<512xf32, #tpu.memory_space<vmem>>) dst(%dma_wait3A_551 : memref<512xf32, #tpu.memory_space<hbm>>)
      tpu.yield
    }) : () -> ()
    "tpu.region"() ({
      %run_scoped3A = tpu.sem_alloc : memref<!tpu.dma_semaphore, #tpu.memory_space<semaphore_mem>>
      %dma_start3A_548 = tpu.memref_slice %arg12[%multiple_of3A] : memref<16384xf32, #tpu.memory_space<hbm>> -> memref<512xf32, #tpu.memory_space<hbm>>
      %dma_start3A_549 = tpu.memref_slice %arg12[%multiple_of3A] : memref<16384xf32, #tpu.memory_space<hbm>> -> memref<512xf32, #tpu.memory_space<hbm>>
      tpu.enqueue_dma source(%arg24 : memref<512xf32, #tpu.memory_space<vmem>>) target(%dma_start3A_549 : memref<512xf32, #tpu.memory_space<hbm>>) target_semaphore(%run_scoped3A : memref<!tpu.dma_semaphore, #tpu.memory_space<semaphore_mem>>)
      %dma_wait3A_550 = tpu.memref_slice %arg12[%multiple_of3A] : memref<16384xf32, #tpu.memory_space<hbm>> -> memref<512xf32, #tpu.memory_space<hbm>>
      %dma_wait3A_551 = tpu.memref_slice %arg12[%multiple_of3A] : memref<16384xf32, #tpu.memory_space<hbm>> -> memref<512xf32, #tpu.memory_space<hbm>>
      tpu.wait_dma2 semaphore(%run_scoped3A : memref<!tpu.dma_semaphore, #tpu.memory_space<semaphore_mem>>) src(%arg24 : memref<512xf32, #tpu.memory_space<vmem>>) dst(%dma_wait3A_551 : memref<512xf32, #tpu.memory_space<hbm>>)
      tpu.yield
    }) : () -> ()
    "tpu.region"() ({
      %run_scoped3A = tpu.sem_alloc : memref<!tpu.dma_semaphore, #tpu.memory_space<semaphore_mem>>
      %dma_start3A_548 = tpu.memref_slice %arg10[%multiple_of3A] : memref<16384xf32, #tpu.memory_space<hbm>> -> memref<512xf32, #tpu.memory_space<hbm>>
      %dma_start3A_549 = tpu.memref_slice %arg10[%multiple_of3A] : memref<16384xf32, #tpu.memory_space<hbm>> -> memref<512xf32, #tpu.memory_space<hbm>>
      tpu.enqueue_dma source(%arg25 : memref<512xf32, #tpu.memory_space<vmem>>) target(%dma_start3A_549 : memref<512xf32, #tpu.memory_space<hbm>>) target_semaphore(%run_scoped3A : memref<!tpu.dma_semaphore, #tpu.memory_space<semaphore_mem>>)
      %dma_wait3A_550 = tpu.memref_slice %arg10[%multiple_of3A] : memref<16384xf32, #tpu.memory_space<hbm>> -> memref<512xf32, #tpu.memory_space<hbm>>
      %dma_wait3A_551 = tpu.memref_slice %arg10[%multiple_of3A] : memref<16384xf32, #tpu.memory_space<hbm>> -> memref<512xf32, #tpu.memory_space<hbm>>
      tpu.wait_dma2 semaphore(%run_scoped3A : memref<!tpu.dma_semaphore, #tpu.memory_space<semaphore_mem>>) src(%arg25 : memref<512xf32, #tpu.memory_space<vmem>>) dst(%dma_wait3A_551 : memref<512xf32, #tpu.memory_space<hbm>>)
      tpu.yield
    }) : () -> ()
    return
  }
}

</mosaic_0001>

<sc_bundles>
// kernel: _run.3.cloned.1.call-start
scs
__scs_entry_jumppad:
0x0: {  	(pc) =	sbr.rel $0x88, $3  }
0x1: {  	(tag) =	ssettag $0x0;
	lr =	simm.s32 $0x1  }
0x2: {  	[smem:$0x3F99] =	sst lr;
	_ =	strace $0xD0000000  }
0x3: {  	_ = 	snop  }
0x4: {  	_ = 	snop  }
0x5: {  	_ = 	snop  }
0x6: {  	_ = 	snop  }
0x7: {  	_ = 	snop  }
__scs_overlays_trampoline_lowered:
0x8: {  	[smem:$0x3FA8] =	sst s0  }
0x9: {  	[smem:$0x3FA9] =	sst s1  }
0xa: {  	[smem:$0x3FAA] =	sst s2  }
0xb: {  	[smem:$0x3FAB] =	sst s3  }
0xc: {  	[smem:$0x3FAC] =	sst s4  }
0xd: {  	[smem:$0x3FAD] =	sst s5  }
0xe: {  	[smem:$0x3FAE] =	sst s6  }
0xf: {  	[smem:$0x3FAF] =	sst s7  }
0x10: {  	[smem:$0x3FB0] =	sst s8  }
0x11: {  	[smem:$0x3FB1] =	sst s9;
	s0 =	simm.s32 @!p0 $0x0  }
0x12: {  	s1 =	sld [smem:$0x3F97];
	s0 =	simm.s32 @p0 $0x1  }
0x13: {  	[smem:$0x3FB2] =	sst s0;
	s0 =	simm.s32 @!p1 $0x0  }
0x14: {  	s2 =	sld [smem:$0x3F96];
	s0 =	simm.s32 @p1 $0x1  }
0x15: {  	[smem:$0x3FB3] =	sst s0;
	s0 =	simm.s32 @!p2 $0x0  }
0x16: {  	s3 =	sld [smem:$0x3FDB];
	s0 =	simm.s32 @p2 $0x1  }
0x17: {  	s4 =	simm.s32 $0x1BF5;
	[smem:$0x3FB5] =	sst s0  }
0x18: {  	s0 =	sld [smem:$0x3F98];
	_ =	swait.ge [sflag:s4], $0x0  }
0x19: {  	s7 =	sld [smem:$0x3F99]  }
0x1a: {  	s8 =	sadd.s32 $0xFFFFE003, lr  }
0x1b: {  	s9 =	sadd.s32 $0xFFFFFEF7, lr;
	s5 =	simm.s32 $0xFFFFFFFF;
	p2 =	slt.u32 s8, $0xFFFFF086  }
0x1c: {  	p1 =	slt.u32 s9, $0xF7A;
	s5 =	simm.s32 @!p2 $0x0  }
0x1d: {  	s5 =	simm.s32 @p1 $0x1;
	p0 =	seq.s32 s7, s2  }
0x1e: {  	s7 =	smul.u32 @!p0 $0xF7A, s2;
	p2 =	seq.s32 @!p0 s5, $0x0  }
0x1f: {  	s9 =	smul.u32 $0xF7A, s1;
	s8 =	simm.s32 @!p0 $0x1BF5;
	p2 =	por !p2, p0  }
0x20: {  	[sflag:s8] =	ssyncset.s32 @!p0 $0xFFFFF086;
	s6 =	sadd.s32 @!p0 s3, s7;
	s7 =	simm.s32 @!p0 $0x108  }
0x21: {  	s3 =	sadd.s32 s3, s9;
	s6 =	sadd.s32 @!p0 $0x88, s6;
	s7 =	simm.s32 @p2 $0x1082  }
0x22: {  	[simem:s7], [sflag:s8] =	dma.local @!p0 [hbm:s6], $0xF7A  }
0x23: {  	s9 =	sor.u32 $0xD0000000, s2;
	s6 =	simm.s32 $0x108;
	_ =	swait.ge @!p0 [sflag:s8], $0x0  }
0x24: {  	s3 =	sadd.s32 $0x88, s3;
	s6 =	simm.s32 @!p1 $0x1082;
	[sflag:s4] =	ssyncset.s32 $0xFFFFF086  }
0x25: {  	[simem:s6], [sflag:s4] =	dma.local [hbm:s3], $0xF7A  }
0x26: {  	[smem:$0x3F99] =	sst s1;
	(tag) =	ssettag s2;
	_ =	strace s9  }
0x27: {  	s1 =	sld [smem:$0x3FA9]  }
0x28: {  	s2 =	sld [smem:$0x3FAA]  }
0x29: {  	s4 =	sld [smem:$0x3FAC]  }
0x2a: {  	p0 =	seq.s32 s5, $0x0;
	s5 =	sld [smem:$0x3FAD]  }
0x2b: {  	s6 =	sld [smem:$0x3FAE]  }
0x2c: {  	s7 =	sld [smem:$0x3FAF]  }
0x2d: {  	s3 =	simm.s32 $0x108;
	s8 =	sld [smem:$0x3FB0]  }
0x2e: {  	s3 =	simm.s32 @!p0 $0x1082;
	s9 =	sld [smem:$0x3FB1]  }
0x2f: {  	lr =	sadd.s32 s0, s3;
	s0 =	sld [smem:$0x3FA8]  }
0x30: {  	s3 =	sld [smem:$0x3FAB]  }
0x31: {  	[smem:$0x3FB4] =	sst s10  }
0x32: {  	s10 =	sld [smem:$0x3FB2];
	_ =	sdelay $0x3  }
0x33: {  	p0 =	seq.s32 s10, $0x1;
	s10 =	sld [smem:$0x3FB4];
	_ =	sdelay $0x3  }
0x34: {  	[smem:$0x3FB4] =	sst s10  }
0x35: {  	s10 =	sld [smem:$0x3FB3];
	_ =	sdelay $0x3  }
0x36: {  	p1 =	seq.s32 s10, $0x1;
	s10 =	sld [smem:$0x3FB4];
	_ =	sdelay $0x3  }
0x37: {  	[smem:$0x3FB4] =	sst s10  }
0x38: {  	s10 =	sld [smem:$0x3FB5]  }
0x39: {  	_ = 	snop;
	(pc) =	sbr.ind lr, $3  }
0x3a: {  	_ = 	snop  }
0x3b: {  	_ = 	snop  }
0x3c: {  	p2 =	seq.s32 s10, $0x1;
	s10 =	sld [smem:$0x3FB4]  }
0x3d: {  	_ =	shalt  }
0x3e: {  	_ =	shalt  }
0x3f: {  	_ =	shalt  }
0x40: {  	_ =	shalt  }
0x41: {  	_ =	shalt  }
0x42: {  	_ =	shalt  }
0x43: {  	_ =	shalt  }
0x44: {  	_ =	shalt  }
0x45: {  	_ =	shalt  }
0x46: {  	_ =	shalt  }
0x47: {  	_ =	shalt  }
0x48: {  	_ =	shalt  }
0x49: {  	_ =	shalt  }
0x4a: {  	_ =	shalt  }
0x4b: {  	_ =	shalt  }
0x4c: {  	_ =	shalt  }
0x4d: {  	_ =	shalt  }
0x4e: {  	_ =	shalt  }
0x4f: {  	_ =	shalt  }
0x50: {  	_ =	shalt  }
0x51: {  	_ =	shalt  }
0x52: {  	_ =	shalt  }
0x53: {  	_ =	shalt  }
0x54: {  	_ =	shalt  }
0x55: {  	_ =	shalt  }
0x56: {  	_ =	shalt  }
0x57: {  	_ =	shalt  }
0x58: {  	_ =	shalt  }
0x59: {  	_ =	shalt  }
0x5a: {  	_ =	shalt  }
0x5b: {  	_ =	shalt  }
0x5c: {  	_ =	shalt  }
0x5d: {  	_ =	shalt  }
0x5e: {  	_ =	shalt  }
0x5f: {  	_ =	shalt  }
0x60: {  	_ =	shalt  }
0x61: {  	_ =	shalt  }
0x62: {  	_ =	shalt  }
0x63: {  	_ =	shalt  }
0x64: {  	_ =	shalt  }
0x65: {  	_ =	shalt  }
0x66: {  	_ =	shalt  }
0x67: {  	_ =	shalt  }
0x68: {  	_ =	shalt  }
0x69: {  	_ =	shalt  }
0x6a: {  	_ =	shalt  }
0x6b: {  	_ =	shalt  }
0x6c: {  	_ =	shalt  }
0x6d: {  	_ =	shalt  }
0x6e: {  	_ =	shalt  }
0x6f: {  	_ =	shalt  }
0x70: {  	_ =	shalt  }
0x71: {  	_ =	shalt  }
0x72: {  	_ =	shalt  }
0x73: {  	_ =	shalt  }
0x74: {  	_ =	shalt  }
0x75: {  	_ =	shalt  }
0x76: {  	_ =	shalt  }
0x77: {  	_ =	shalt  }
0x78: {  	_ =	shalt  }
0x79: {  	_ =	shalt  }
0x7a: {  	_ =	shalt  }
0x7b: {  	_ =	shalt  }
0x7c: {  	_ =	shalt  }
0x7d: {  	_ =	shalt  }
0x7e: {  	_ =	shalt  }
0x7f: {  	_ =	shalt  }
0x80: {  	_ =	shalt  }
0x81: {  	_ =	shalt  }
0x82: {  	_ =	shalt  }
0x83: {  	_ =	shalt  }
0x84: {  	_ =	shalt  }
0x85: {  	_ =	shalt  }
0x86: {  	_ =	shalt  }
0x87: {  	_ =	shalt  }
.Lfunc_end0:
.L_simem_size_0:
called_computation_lowered:
.L_overlay_start_0:
0x88: {  	s2 =	sld [smem:$0x3FD9]  }
0x89: {  	s3 =	sld [smem:$0x3FFE];
	_ =	sdelay $0x1  }
0x8a: {  	s1 =	srdreg.scid  }
0x8b: {  	s0 =	sand.u32 $0x1, s1  }
0x8c: {  	s30 =	sshll.u32 s0, $0xA;
	s2 =	sadd.s32 s3, s2  }
0x8d: {  	s2 =	sadd.s32 s2, s30  }
0x8e: {  	[smem:$0x3FC0] =	sst s2  }
0x8f: {  	_ = 	snop  }
0x90: {  	s2 =	sld [smem:$0x3FC7]  }
0x91: {  	s31 =	sld [smem:$0x3FC6]  }
0x92: {  	s4 =	sld [smem:$0x3FC5]  }
0x93: {  	s5 =	sld [smem:$0x3FD0]  }
0x94: {  	s6 =	sld [smem:$0x3FC4]  }
0x95: {  	s7 =	sld [smem:$0x3FC3]  }
0x96: {  	s9 =	simm.s32 $0xA;
	s10 =	simm.s32 $0x10;
	s8 =	sld [smem:$0x3FC2]  }
0x97: {  	[smem:s10], [sflag:s9] =	dma.local [hbm:s5], $0x1  }
0x98: {  	_ =	swait.eq [sflag:s9], $0x1  }
0x99: {  	s16 =	sld [smem:$0x10];
	[sflag:s9] =	ssyncset.done $0x0  }
0x9a: {  	s17 =	sld [smem:$0x11];
	[sflag:s9] =	ssyncadd.s32 $0xFFFFFFFF  }
0x9b: {  	s18 =	sld [smem:$0x12];
	(tm) =	ssettm $0x1  }
0x9c: {  	s11 =	sld [smem:$0x3FFB];
	_ =	sdelay $0x3  }
0x9d: {  	_ =	strace s11  }
0x9e: {  	s11 =	sld [smem:$0x3FFC];
	_ =	sdelay $0x3  }
0x9f: {  	_ =	strace s11  }
0xa0: {  	s11 =	sld [smem:$0x3FFD];
	_ =	sdelay $0x3  }
0xa1: {  	_ =	strace s11  }
0xa2: {  	_ =	strace $0x8FFFFFFF  }
0xa3: {  	s19 =	sld [smem:$0x3FDB];
	_ =	sdelay $0x1  }
0xa4: {  	s12 =	simm.s32 $_scs_section_size  }
0xa5: {  	s13 =	simm.s32 $_size__tile_overlayer_lowered;
	s14 =	simm.s32 $_tile_overlayer_lowered  }
0xa6: {  	s22 =	simm.s32 $0x1BFF;
	s21 =	sshll.u32 s14, $0x1;
	s11 =	sadd.s32 s12, s19  }
0xa7: {  	s15 =	simm.s32 $0x0;
	s20 =	sshll.u32 s13, $0x1;
	s13 =	sadd.s32 s21, s11  }
0xa8: {  	[timem:s15], [sflag:s22] =	dma.local [hbm:s13], s20  }
0xa9: {  	_ =	swait.ge [sflag:s22], s20  }
0xaa: {  	s12 =	ssub.s32 $0x0, s20;
	[sflag:s22] =	ssyncset.done $0x0  }
0xab: {  	[sflag:s22] =	ssyncadd.s32 s12;
	_ =	sdelay $0x1  }
0xac: {  	s23 =	simm.s32 $0x1B8B  }
0xad: {  	_ =	swait.ge [sflag:s23], $0x1  }
0xae: {  	[sflag:s23] =	ssyncset.done $0x0  }
0xaf: {  	s25 =	simm.s32 $0x1B8E;
	s24 =	sld [smem:$0x3FFE];
	[sflag:s23] =	ssyncadd.s32 $0xFFFFFFFF  }
0xb0: {  	s26 =	simm.s32 $execute0_lowered;
	[smem:$0x3FD2] =	sst s25  }
0xb1: {  	s13 =	sshll.u32 s26, $0x1;
	_ =	strace $0x80000046;
	[dreg:$0x1] =	wrdreg $0xFFFFFFFF  }
0xb2: {  	s28 =	simm.s32 $_size_execute0_lowered;
	s11 =	sadd.s32 s11, s13;
	[dreg:$0x0] =	wrdreg $0x0  }
0xb3: {  	s13 =	sshll.u32 s28, $0x1;
	[dreg:$0x2] =	wrdreg s11  }
0xb4: {  	[dreg:$0x3] =	wrdreg s13  }
0xb5: {  	[dreg:$0x4] =	wrdreg $0xC0  }
0xb6: {  	_ =	task [dreg:s15], $0x5FFFF  }
0xb7: {  	[dreg:$0x1] =	wrdreg $0xFFFFFFFF  }
0xb8: {  	[dreg:$0x0] =	wrdreg $0x60  }
0xb9: {  	[dreg:$0x2] =	wrdreg s24  }
0xba: {  	[dreg:$0x3] =	wrdreg s2  }
0xbb: {  	[dreg:$0x4] =	wrdreg s31  }
0xbc: {  	[dreg:$0x5] =	wrdreg s4  }
0xbd: {  	[dreg:$0x6] =	wrdreg s6  }
0xbe: {  	[dreg:$0x7] =	wrdreg s7  }
0xbf: {  	[dreg:$0x8] =	wrdreg s8  }
0xc0: {  	[dreg:$0x9] =	wrdreg s16  }
0xc1: {  	[dreg:$0xa] =	wrdreg s17  }
0xc2: {  	[dreg:$0xb] =	wrdreg s18  }
0xc3: {  	[dreg:$0xc] =	wrdreg $0x9  }
0xc4: {  	_ =	task.clear_ibuf [dreg:s15], $0xDFFFF;
	_ =	strace $0x90000046  }
0xc5: {  	s29 =	simm.s32 $0x9;
	_ =	strace $0x80000048  }
0xc6: {  	_ =	swait.ge [sflag:s29], $0x1  }
0xc7: {  	[sflag:s29] =	ssyncadd.s32 $0xFFFFFFFF  }
0xc8: {  	_ =	strace $0x90000048  }
0xc9: {  	_ =	sfence  }
0xca: {  	s30 =	sld [smem:$0x0];
	_ =	sdelay $0x2  }
0xcb: {  	s31 =	sshll.u32 s1, $0xD;
	s1 =	sshrl.u32 s1, $0x2  }
0xcc: {  	s3 =	sand.u32 $0x4000, s31;
	s1 =	sadd.s32 s1, s30  }
0xcd: {  	s0 =	sor.u32 s3, s0;
	s1 =	sshll.u32 s1, $0x11  }
0xce: {  	s0 =	sor.u32 s1, s0  }
0xcf: {  	s0 =	sadd.s32 $0x8F2B, s0  }
0xd0: {  	[sflag:s0] =	ssyncadd.remote.s32 $0x1  }
0xd1: {  	_ =	sfence.sel $0xFFFF  }
0xd2: {  	[dreg:$0x0] =	wrdreg $0xFFFFFFFF;
	(pc) =	sbr.abs _section_cstart, $3  }
0xd3: {  	[dreg:$0x1] =	wrdreg $0xFFFFFFFF  }
0xd4: {  	_ =	task.clear_ibuf [dreg:s15], $0x2FFFF;
	_ =	strace $0x9FFFFFFF  }
0xd5: {  	(tm) =	ssettm $0x7FFFFFFF  }
tec
execute0_lowered:
.L_overlay_start_1:
0x0: {  	(tag) =	ssettag $0x1  }
0x1: {  	s0 =	rddreg [dreg:$0x0]  }
0x2: {  	s1 =	rddreg [dreg:$0x1]  }
0x3: {  	s6 =	rddreg [dreg:$0x2]  }
0x4: {  	s7 =	rddreg [dreg:$0x3]  }
0x5: {  	s8 =	rddreg [dreg:$0x4]  }
0x6: {  	s9 =	rddreg [dreg:$0x5]  }
0x7: {  	s10 =	rddreg [dreg:$0x6]  }
0x8: {  	s13 =	rddreg [dreg:$0x7]  }
0x9: {  	s11 =	rddreg [dreg:$0x8]  }
0xa: {  	s12 =	rddreg [dreg:$0x9];
	s2 =	simm.s32 $0x0  }
0xb: {  	s3 =	srdreg.scid;
	s4 =	stileid.u32;
	s19 =	simm.s32 $0x600  }
0xc: {  	s20 =	simm.s32 $0xA00;
	s21 =	simm.s32 $0x80;
	s22 =	simm.s32 $0xC00  }
0xd: {  	s23 =	simm.s32 $0x2C00;
	s24 =	simm.s32 $0x4C00;
	s25 =	simm.s32 $0x1  }
0xe: {  	s26 =	simm.s32 $0x6C00;
	s30 =	simm.s32 $0x0;
	[smem:$0x7FF] =	sst s2  }
0xf: {  	s3 =	sand.u32 $0x1, s3;
	s4 =	sshll.u32 s4, $0x7;
	_ =	strace $0x80000047  }
0x10: {  	s5 =	ssub.s32 $0x2, s3;
	s14 =	sshll.u32 s3, $0x6;
	s3 =	sadd.s32 $0xF42C00, s0  }
0x11: {  	s15 =	sshrl.u32 s5, $0x1;
	s14 =	sor.u32 s14, s4;
	s4 =	sadd.s32 $0x16E3E00, s0  }
0x12: {  	s31 =	ssub.s32 s5, s15;
	s5 =	sadd.s32 s1, s14;
	s6 =	sadd.s32 s6, s14  }
0x13: {  	v0 =	vlaneseq.u32;
	s7 =	sadd.s32 s7, s14;
	s8 =	sadd.s32 s8, s14;
	s9 =	sadd.s32 s9, s14  }
0x14: {  	v0 =	vmul.u32 $0x10, v0;
	s10 =	sadd.s32 s10, s14;
	s11 =	sadd.s32 s11, s14;
	s12 =	sadd.s32 s12, s14  }
0x15: {  	s13 =	sadd.s32 s13, s14;
	s15 =	simm.s32 $0x2;
	s14 =	smax.u32 s31, $0x1  }
.LBB2_1:
0x16: {  	[tilespmem:s2], [sflag:$0x2] =	stream.linear.gather [hbm4b:s5+s2], $0x200, $0x38;
	[tilespmem:$0x7300] =	vst v63  }
0x17: {  	_ =	swait.ge [sflag:s15], $0x200  }
0x18: {  	[sflag:s15] =	ssyncset.done $0x0  }
0x19: {  	s0 =	simm.s32 $0x200;
	[sflag:s15] =	ssyncadd.s32 $0xFFFFFE00  }
0x1a: {  	[tilespmem:s0], [sflag:$0x2] =	stream.linear.gather [hbm4b:s6+s2], $0x200, $0x38;
	[tilespmem:$0x7300] =	vst v63  }
0x1b: {  	_ =	swait.ge [sflag:s15], $0x200  }
0x1c: {  	[sflag:s15] =	ssyncset.done $0x0  }
0x1d: {  	s1 =	simm.s32 $0x400;
	[sflag:s15] =	ssyncadd.s32 $0xFFFFFE00  }
0x1e: {  	[tilespmem:s1], [sflag:$0x2] =	stream.linear.gather [hbm4b:s7+s2], $0x200, $0x38;
	[tilespmem:$0x7300] =	vst v63  }
0x1f: {  	_ =	swait.ge [sflag:s15], $0x200  }
0x20: {  	[sflag:s15] =	ssyncset.done $0x0  }
0x21: {  	[sflag:s15] =	ssyncadd.s32 $0xFFFFFE00  }
0x22: {  	[tilespmem:s19], [sflag:$0x2] =	stream.linear.gather [hbm4b:s8+s2], $0x200, $0x38;
	[tilespmem:$0x7300] =	vst v63  }
0x23: {  	_ =	swait.ge [sflag:s15], $0x200  }
0x24: {  	[sflag:s15] =	ssyncset.done $0x0  }
0x25: {  	s16 =	simm.s32 $0x800;
	[sflag:s15] =	ssyncadd.s32 $0xFFFFFE00  }
0x26: {  	[tilespmem:s16], [sflag:$0x2] =	stream.linear.gather [hbm4b:s9+s2], $0x200, $0x38;
	[tilespmem:$0x7300] =	vst v63  }
0x27: {  	_ =	swait.ge [sflag:s15], $0x200  }
0x28: {  	[sflag:s15] =	ssyncset.done $0x0  }
0x29: {  	[sflag:s15] =	ssyncadd.s32 $0xFFFFFE00  }
0x2a: {  	[tilespmem:s20], [sflag:$0x2] =	stream.linear.gather [hbm4b:s10+s2], $0x200, $0x38;
	[tilespmem:$0x7300] =	vst v63  }
0x2b: {  	_ =	swait.ge [sflag:s15], $0x200  }
0x2c: {  	[sflag:s15] =	ssyncset.done $0x0  }
0x2d: {  	[sflag:s15] =	ssyncadd.s32 $0xFFFFFE00  }
0x2e: {  	[tilespmem:s22], [sflag:$0x1] =	stream.indirect.gather [hbm4b:s3+s21], $0x40, s2, s21, $0xb8;
	[tilespmem:$0x7300] =	vst v63  }
0x2f: {  	_ = 	snop  }
0x30: {  	[tilespmem:s23], [sflag:$0x1] =	stream.indirect.gather [hbm4b:s4+s21], $0x40, s0, s21, $0xb8;
	[tilespmem:$0x7300] =	vst v63  }
0x31: {  	_ = 	snop  }
0x32: {  	[tilespmem:s24], [sflag:$0x1] =	stream.indirect.gather [hbm4b:s4+s21], $0x40, s1, s21, $0xb8;
	[tilespmem:$0x7300] =	vst v63  }
0x33: {  	_ =	swait.ge [sflag:s25], $0x2000  }
0x34: {  	[sflag:s25] =	ssyncset.done $0x0  }
0x35: {  	[sflag:s25] =	ssyncadd.s32 $0xFFFFE000  }
0x36: {  	_ =	swait.ge [sflag:s25], $0x2000  }
0x37: {  	[sflag:s25] =	ssyncset.done $0x0  }
0x38: {  	[sflag:s25] =	ssyncadd.s32 $0xFFFFE000  }
0x39: {  	_ =	swait.ge [sflag:s25], $0x2000  }
0x3a: {  	s31 =	simm.s32 $0xC20;
	s28 =	simm.s32 $0x0;
	[sflag:s25] =	ssyncset.done $0x0  }
0x3b: {  	s0 =	simm.s32 $0x2C30;
	s1 =	simm.s32 $0x4C30;
	[sflag:s25] =	ssyncadd.s32 $0xFFFFE000  }
.LBB2_2:
0x3c: {  	v1 =	vmov s1;
	_ =	sdelay $0x1  }
0x3d: {  	v2 =	vmov s31  }
0x3e: {  	v3 =	vmov s0  }
0x3f: {  	s16 =	simm.s32 $0x0  }
0x40: {  	v4 =	vld.idx.msk [tilespmem:v1+s16+$0xFFFFFFF0 ss:$0x1], $0xffff  }
0x41: {  	v5 =	vld.idx.msk [tilespmem:v1+s16+$0xFFFFFFD0 ss:$0x1], $0xffff  }
0x42: {  	v6 =	vld.idx.msk [tilespmem:v2+s16+$0x0 ss:$0x1], $0xffff  }
0x43: {  	v7 =	vld.idx.msk [tilespmem:v3+s16+$0xFFFFFFD0 ss:$0x1], $0xffff  }
0x44: {  	v8 =	vld.idx.msk [tilespmem:v2+s16+$0xFFFFFFE0 ss:$0x1], $0xffff  }
0x45: {  	v9 =	vld.idx.msk [tilespmem:v2+s16+$0xFFFFFFF0 ss:$0x1], $0xffff  }
0x46: {  	v10 =	vld.idx.msk [tilespmem:v3+s16+$0xFFFFFFE0 ss:$0x1], $0xffff  }
0x47: {  	v11 =	vld.idx.msk [tilespmem:v3+s16+$0xFFFFFFF0 ss:$0x1], $0xffff  }
0x48: {  	v12 =	vld.idx.msk [tilespmem:v1+s16+$0xFFFFFFE0 ss:$0x1], $0xffff  }
0x49: {  	v13 =	vld.idx.msk [tilespmem:v2+s16+$0x10 ss:$0x1], $0xffff  }
0x4a: {  	v14 =	vld.idx.msk [tilespmem:v3+s16+$0x0 ss:$0x1], $0xffff  }
0x4b: {  	v7 =	vmul.f32 v7, v8;
	v8 =	vmul.f32 v10, v9  }
0x4c: {  	v9 =	vld.idx.msk [tilespmem:v1+s16+$0x0 ss:$0x1], $0xffff;
	v6 =	vmul.f32 v11, v6  }
0x4d: {  	v5 =	vmul.f32 v5, v7;
	v7 =	vmul.f32 v12, v8;
	_ =	sdelay $0x1  }
0x4e: {  	v4 =	vmul.f32 v4, v6;
	v6 =	vmul.f32 v14, v13;
	v5 =	vadd.f32 v7, v5;
	_ =	sdelay $0x1  }
0x4f: {  	v4 =	vadd.f32 v4, v5;
	v5 =	vmul.f32 v9, v6;
	_ =	sdelay $0x1  }
0x50: {  	v4 =	vadd.f32 v5, v4  }
0x51: {  	s16 =	simm.s32 $0x6C00  }
0x52: {  	s19 =	simm.s32 $0x40;
	[tilespmem:s16+$0x0] =	vst v4  }
0x53: {  	v4 =	vld.idx.msk [tilespmem:v1+s19+$0xFFFFFFF0 ss:$0x1], $0xffff  }
0x54: {  	v5 =	vld.idx.msk [tilespmem:v1+s19+$0xFFFFFFD0 ss:$0x1], $0xffff  }
0x55: {  	v6 =	vld.idx.msk [tilespmem:v2+s19+$0x0 ss:$0x1], $0xffff  }
0x56: {  	v7 =	vld.idx.msk [tilespmem:v3+s19+$0xFFFFFFD0 ss:$0x1], $0xffff  }
0x57: {  	v8 =	vld.idx.msk [tilespmem:v2+s19+$0xFFFFFFE0 ss:$0x1], $0xffff  }
0x58: {  	s29 =	sshll.u32 s28, $0x4;
	s17 =	simm.s32 $0x0;
	s18 =	simm.s32 $0x200;
	v9 =	vld.idx.msk [tilespmem:v2+s19+$0xFFFFFFF0 ss:$0x1], $0xffff  }
.LBB2_3:
0x59: {  	p0 =	sne.s32 s18, $0xF00;
	v10 =	vld.idx.msk [tilespmem:v3+s19+$0xFFFFFFE0 ss:$0x1], $0xffff  }
0x5a: {  	v11 =	vld.idx.msk [tilespmem:v3+s19+$0xFFFFFFF0 ss:$0x1], $0xffff  }
0x5b: {  	v12 =	vld.idx.msk [tilespmem:v1+s19+$0xFFFFFFE0 ss:$0x1], $0xffff  }
0x5c: {  	v13 =	vld.idx.msk [tilespmem:v2+s19+$0x10 ss:$0x1], $0xffff  }
0x5d: {  	v14 =	vld.idx.msk [tilespmem:v3+s19+$0x0 ss:$0x1], $0xffff;
	_ =	sdelay $0x1  }
0x5e: {  	v7 =	vmul.f32 v7, v8;
	v8 =	vmul.f32 v10, v9;
	v9 =	vld.idx.msk [tilespmem:v1+s19+$0x0 ss:$0x1], $0xffff  }
0x5f: {  	v6 =	vmul.f32 v11, v6  }
0x60: {  	v5 =	vmul.f32 v5, v7;
	v7 =	vmul.f32 v12, v8;
	_ =	sdelay $0x1  }
0x61: {  	v4 =	vmul.f32 v4, v6;
	v5 =	vadd.f32 v7, v5;
	v6 =	vmul.f32 v14, v13;
	_ =	sdelay $0x1  }
0x62: {  	v4 =	vadd.f32 v4, v5;
	v5 =	vmul.f32 v9, v6;
	_ =	sdelay $0x1  }
0x63: {  	v4 =	vadd.f32 v5, v4  }
0x64: {  	s16 =	sadd.s32 $0x10, s16  }
0x65: {  	s19 =	sshra.s32 s18, $0x2;
	[tilespmem:s16+$0x0] =	vst v4  }
0x66: {  	v4 =	vld.idx.msk [tilespmem:v1+s19+$0xFFFFFFF0 ss:$0x1], $0xffff  }
.Ltmp0:
0x67: {  	v5 =	vld.idx.msk [tilespmem:v1+s19+$0xFFFFFFD0 ss:$0x1], $0xffff;
	(pc) =	sbr.rel @p0 .LBB2_3-.Ltmp0, $4  }
0x68: {  	v6 =	vld.idx.msk [tilespmem:v2+s19+$0x0 ss:$0x1], $0xffff  }
0x69: {  	v7 =	vld.idx.msk [tilespmem:v3+s19+$0xFFFFFFD0 ss:$0x1], $0xffff  }
0x6a: {  	v8 =	vld.idx.msk [tilespmem:v2+s19+$0xFFFFFFE0 ss:$0x1], $0xffff  }
0x6b: {  	s18 =	sadd.s32 $0x100, s18;
	v9 =	vld.idx.msk [tilespmem:v2+s19+$0xFFFFFFF0 ss:$0x1], $0xffff  }
0x6c: {  	_ =	sdelay $0x3  }
0x6d: {  	v10 =	vld.idx.msk [tilespmem:v3+s19+$0xFFFFFFE0 ss:$0x1], $0xffff  }
0x6e: {  	v11 =	vld.idx.msk [tilespmem:v3+s19+$0xFFFFFFF0 ss:$0x1], $0xffff  }
0x6f: {  	v12 =	vld.idx.msk [tilespmem:v1+s19+$0xFFFFFFE0 ss:$0x1], $0xffff  }
0x70: {  	v2 =	vld.idx.msk [tilespmem:v2+s19+$0x10 ss:$0x1], $0xffff  }
0x71: {  	v3 =	vld.idx.msk [tilespmem:v3+s19+$0x0 ss:$0x1], $0xffff  }
0x72: {  	v7 =	vmul.f32 v7, v8;
	v62 =	vmul.f32 v10, v9  }
0x73: {  	v1 =	vld.idx.msk [tilespmem:v1+s19+$0x0 ss:$0x1], $0xffff;
	v6 =	vmul.f32 v11, v6  }
0x74: {  	v5 =	vmul.f32 v5, v7;
	v63 =	vmul.f32 v12, v62;
	_ =	sdelay $0x1  }
0x75: {  	v2 =	vmul.f32 v3, v2;
	v4 =	vmul.f32 v4, v6;
	v5 =	vadd.f32 v63, v5;
	_ =	sdelay $0x1  }
0x76: {  	v1 =	vmul.f32 v1, v2;
	v2 =	vor.u32 s17, v0;
	v3 =	vadd.f32 v4, v5;
	_ =	sdelay $0x1  }
0x77: {  	v1 =	vadd.f32 v1, v3  }
0x78: {  	s16 =	sadd.s32 $0x10, s16  }
0x79: {  	[tilespmem:s16+$0x0] =	vst v1  }
0x7a: {  	v1 =	vimm.f32 $0.0e+00;
	s16 =	simm.s32 $0x1;
	v2 =	vld.idx.msk [tilespmem:v2+s26+$0x0], $0xffff  }
.LBB2_5:
0x7b: {  	v3 =	vor.u32 s16, v0;
	p0 =	sne.s32 s16, $0xF;
	s16 =	sadd.s32 $0x1, s16  }
.Ltmp1:
0x7c: {  	(pc) =	sbr.rel @p0 .LBB2_5-.Ltmp1, $2  }
0x7d: {  	_ =	sdelay $0x2  }
0x7e: {  	v1 =	vadd.f32 v2, v1;
	v2 =	vld.idx.msk [tilespmem:v3+s26+$0x0], $0xffff  }
0x7f: {  	s28 =	sadd.s32 $0x1, s28  }
0x80: {  	p0 =	sne.s32 s28, $0x8  }
.Ltmp2:
0x81: {  	_ = 	snop;
	(pc) =	sbr.rel @p0 .LBB2_2-.Ltmp2, $3  }
0x82: {  	_ = 	snop  }
0x83: {  	v1 =	vadd.f32 v2, v1;
	_ =	sdelay $0x1  }
0x84: {  	s31 =	sadd.s32 $0x400, s31;
	s0 =	sadd.s32 $0x400, s0;
	s1 =	sadd.s32 $0x400, s1;
	[tilespmem:s29+$0x6D00] =	vst v1  }
0x85: {  	[tilespmem:s22], [sflag:$0x1] =	stream.indirect.gather [hbm4b:s3+s21], $0x40, s21, s21, $0xb8;
	[tilespmem:$0x7300] =	vst v63  }
0x86: {  	s0 =	simm.s32 $0x280  }
0x87: {  	[tilespmem:s23], [sflag:$0x1] =	stream.indirect.gather [hbm4b:s4+s21], $0x40, s0, s21, $0xb8;
	[tilespmem:$0x7300] =	vst v63  }
0x88: {  	s29 =	simm.s32 $0x480  }
0x89: {  	[tilespmem:s24], [sflag:$0x1] =	stream.indirect.gather [hbm4b:s4+s21], $0x40, s29, s21, $0xb8;
	[tilespmem:$0x7300] =	vst v63  }
0x8a: {  	_ =	swait.ge [sflag:s25], $0x2000  }
0x8b: {  	[sflag:s25] =	ssyncset.done $0x0  }
0x8c: {  	[sflag:s25] =	ssyncadd.s32 $0xFFFFE000  }
0x8d: {  	_ =	swait.ge [sflag:s25], $0x2000  }
0x8e: {  	[sflag:s25] =	ssyncset.done $0x0  }
0x8f: {  	[sflag:s25] =	ssyncadd.s32 $0xFFFFE000  }
0x90: {  	s31 =	simm.s32 $0x0;
	_ =	swait.ge [sflag:s25], $0x2000  }
0x91: {  	s1 =	simm.s32 $0x2C30;
	s28 =	simm.s32 $0x4C30;
	[sflag:s25] =	ssyncset.done $0x0  }
0x92: {  	s19 =	simm.s32 $0x600;
	s0 =	simm.s32 $0xC20;
	[sflag:s25] =	ssyncadd.s32 $0xFFFFE000  }
.LBB2_8:
0x93: {  	v1 =	vmov s28;
	_ =	sdelay $0x1  }
0x94: {  	v2 =	vmov s0  }
0x95: {  	v3 =	vmov s1  }
0x96: {  	s16 =	simm.s32 $0x0  }
0x97: {  	v4 =	vld.idx.msk [tilespmem:v1+s16+$0xFFFFFFF0 ss:$0x1], $0xffff  }
0x98: {  	v5 =	vld.idx.msk [tilespmem:v1+s16+$0xFFFFFFD0 ss:$0x1], $0xffff  }
0x99: {  	v6 =	vld.idx.msk [tilespmem:v2+s16+$0x0 ss:$0x1], $0xffff  }
0x9a: {  	v7 =	vld.idx.msk [tilespmem:v3+s16+$0xFFFFFFD0 ss:$0x1], $0xffff  }
0x9b: {  	v8 =	vld.idx.msk [tilespmem:v2+s16+$0xFFFFFFE0 ss:$0x1], $0xffff  }
0x9c: {  	v9 =	vld.idx.msk [tilespmem:v2+s16+$0xFFFFFFF0 ss:$0x1], $0xffff  }
0x9d: {  	v10 =	vld.idx.msk [tilespmem:v3+s16+$0xFFFFFFE0 ss:$0x1], $0xffff  }
0x9e: {  	v11 =	vld.idx.msk [tilespmem:v3+s16+$0xFFFFFFF0 ss:$0x1], $0xffff  }
0x9f: {  	v12 =	vld.idx.msk [tilespmem:v1+s16+$0xFFFFFFE0 ss:$0x1], $0xffff  }
0xa0: {  	v13 =	vld.idx.msk [tilespmem:v2+s16+$0x10 ss:$0x1], $0xffff  }
0xa1: {  	v14 =	vld.idx.msk [tilespmem:v3+s16+$0x0 ss:$0x1], $0xffff  }
0xa2: {  	v7 =	vmul.f32 v7, v8;
	v8 =	vmul.f32 v10, v9  }
0xa3: {  	v9 =	vld.idx.msk [tilespmem:v1+s16+$0x0 ss:$0x1], $0xffff;
	v6 =	vmul.f32 v11, v6  }
0xa4: {  	v5 =	vmul.f32 v5, v7;
	v7 =	vmul.f32 v12, v8;
	_ =	sdelay $0x1  }
0xa5: {  	v4 =	vmul.f32 v4, v6;
	v6 =	vmul.f32 v14, v13;
	v5 =	vadd.f32 v7, v5;
	_ =	sdelay $0x1  }
0xa6: {  	v4 =	vadd.f32 v4, v5;
	v5 =	vmul.f32 v9, v6;
	_ =	sdelay $0x1  }
0xa7: {  	v4 =	vadd.f32 v5, v4  }
0xa8: {  	s16 =	simm.s32 $0x6C00  }
0xa9: {  	s18 =	simm.s32 $0x40;
	[tilespmem:s16+$0x0] =	vst v4  }
0xaa: {  	v4 =	vld.idx.msk [tilespmem:v1+s18+$0xFFFFFFF0 ss:$0x1], $0xffff  }
0xab: {  	v5 =	vld.idx.msk [tilespmem:v1+s18+$0xFFFFFFD0 ss:$0x1], $0xffff  }
0xac: {  	v6 =	vld.idx.msk [tilespmem:v2+s18+$0x0 ss:$0x1], $0xffff  }
0xad: {  	v7 =	vld.idx.msk [tilespmem:v3+s18+$0xFFFFFFD0 ss:$0x1], $0xffff  }
0xae: {  	v8 =	vld.idx.msk [tilespmem:v2+s18+$0xFFFFFFE0 ss:$0x1], $0xffff  }
0xaf: {  	s29 =	sshll.u32 s31, $0x4;
	s17 =	simm.s32 $0x200;
	v9 =	vld.idx.msk [tilespmem:v2+s18+$0xFFFFFFF0 ss:$0x1], $0xffff  }
.LBB2_9:
0xb0: {  	p0 =	sne.s32 s17, $0xF00;
	v10 =	vld.idx.msk [tilespmem:v3+s18+$0xFFFFFFE0 ss:$0x1], $0xffff  }
0xb1: {  	v11 =	vld.idx.msk [tilespmem:v3+s18+$0xFFFFFFF0 ss:$0x1], $0xffff  }
0xb2: {  	v12 =	vld.idx.msk [tilespmem:v1+s18+$0xFFFFFFE0 ss:$0x1], $0xffff  }
0xb3: {  	v13 =	vld.idx.msk [tilespmem:v2+s18+$0x10 ss:$0x1], $0xffff  }
0xb4: {  	v14 =	vld.idx.msk [tilespmem:v3+s18+$0x0 ss:$0x1], $0xffff;
	_ =	sdelay $0x1  }
0xb5: {  	v7 =	vmul.f32 v7, v8;
	v8 =	vmul.f32 v10, v9;
	v9 =	vld.idx.msk [tilespmem:v1+s18+$0x0 ss:$0x1], $0xffff  }
0xb6: {  	v6 =	vmul.f32 v11, v6  }
0xb7: {  	v5 =	vmul.f32 v5, v7;
	v7 =	vmul.f32 v12, v8;
	_ =	sdelay $0x1  }
0xb8: {  	v4 =	vmul.f32 v4, v6;
	v5 =	vadd.f32 v7, v5;
	v6 =	vmul.f32 v14, v13;
	_ =	sdelay $0x1  }
0xb9: {  	v4 =	vadd.f32 v4, v5;
	v5 =	vmul.f32 v9, v6;
	_ =	sdelay $0x1  }
0xba: {  	v4 =	vadd.f32 v5, v4  }
0xbb: {  	s16 =	sadd.s32 $0x10, s16  }
0xbc: {  	s18 =	sshra.s32 s17, $0x2;
	[tilespmem:s16+$0x0] =	vst v4  }
0xbd: {  	v4 =	vld.idx.msk [tilespmem:v1+s18+$0xFFFFFFF0 ss:$0x1], $0xffff  }
.Ltmp3:
0xbe: {  	v5 =	vld.idx.msk [tilespmem:v1+s18+$0xFFFFFFD0 ss:$0x1], $0xffff;
	(pc) =	sbr.rel @p0 .LBB2_9-.Ltmp3, $4  }
0xbf: {  	v6 =	vld.idx.msk [tilespmem:v2+s18+$0x0 ss:$0x1], $0xffff  }
0xc0: {  	v7 =	vld.idx.msk [tilespmem:v3+s18+$0xFFFFFFD0 ss:$0x1], $0xffff  }
0xc1: {  	v8 =	vld.idx.msk [tilespmem:v2+s18+$0xFFFFFFE0 ss:$0x1], $0xffff  }
0xc2: {  	s17 =	sadd.s32 $0x100, s17;
	v9 =	vld.idx.msk [tilespmem:v2+s18+$0xFFFFFFF0 ss:$0x1], $0xffff  }
0xc3: {  	_ =	sdelay $0x3  }
0xc4: {  	v10 =	vld.idx.msk [tilespmem:v3+s18+$0xFFFFFFE0 ss:$0x1], $0xffff  }
0xc5: {  	v11 =	vld.idx.msk [tilespmem:v3+s18+$0xFFFFFFF0 ss:$0x1], $0xffff  }
0xc6: {  	v12 =	vld.idx.msk [tilespmem:v1+s18+$0xFFFFFFE0 ss:$0x1], $0xffff  }
0xc7: {  	v2 =	vld.idx.msk [tilespmem:v2+s18+$0x10 ss:$0x1], $0xffff  }
0xc8: {  	v3 =	vld.idx.msk [tilespmem:v3+s18+$0x0 ss:$0x1], $0xffff  }
0xc9: {  	v7 =	vmul.f32 v7, v8;
	v62 =	vmul.f32 v10, v9  }
0xca: {  	v1 =	vld.idx.msk [tilespmem:v1+s18+$0x0 ss:$0x1], $0xffff;
	v6 =	vmul.f32 v11, v6  }
0xcb: {  	v5 =	vmul.f32 v5, v7;
	v63 =	vmul.f32 v12, v62;
	_ =	sdelay $0x1  }
0xcc: {  	v2 =	vmul.f32 v3, v2;
	v4 =	vmul.f32 v4, v6;
	v5 =	vadd.f32 v63, v5  }
0xcd: {  	s17 =	simm.s32 $0x0  }
0xce: {  	v1 =	vmul.f32 v1, v2;
	v2 =	vor.u32 s17, v0;
	v3 =	vadd.f32 v4, v5;
	_ =	sdelay $0x1  }
0xcf: {  	v1 =	vadd.f32 v1, v3  }
0xd0: {  	s16 =	sadd.s32 $0x10, s16  }
0xd1: {  	[tilespmem:s16+$0x0] =	vst v1  }
0xd2: {  	v1 =	vimm.f32 $0.0e+00;
	s16 =	simm.s32 $0x1;
	v2 =	vld.idx.msk [tilespmem:v2+s26+$0x0], $0xffff  }
.LBB2_11:
0xd3: {  	v3 =	vor.u32 s16, v0;
	p0 =	sne.s32 s16, $0xF;
	s16 =	sadd.s32 $0x1, s16  }
.Ltmp4:
0xd4: {  	(pc) =	sbr.rel @p0 .LBB2_11-.Ltmp4, $2  }
0xd5: {  	_ =	sdelay $0x2  }
0xd6: {  	v1 =	vadd.f32 v2, v1;
	v2 =	vld.idx.msk [tilespmem:v3+s26+$0x0], $0xffff  }
0xd7: {  	s31 =	sadd.s32 $0x1, s31  }
0xd8: {  	p0 =	sne.s32 s31, $0x8  }
.Ltmp5:
0xd9: {  	_ = 	snop;
	(pc) =	sbr.rel @p0 .LBB2_8-.Ltmp5, $3  }
0xda: {  	_ = 	snop  }
0xdb: {  	v1 =	vadd.f32 v2, v1;
	_ =	sdelay $0x1  }
0xdc: {  	s0 =	sadd.s32 $0x400, s0;
	s1 =	sadd.s32 $0x400, s1;
	s28 =	sadd.s32 $0x400, s28;
	[tilespmem:s29+$0x6D80] =	vst v1  }
0xdd: {  	s0 =	simm.s32 $0x100  }
0xde: {  	[tilespmem:s22], [sflag:$0x1] =	stream.indirect.gather [hbm4b:s3+s21], $0x40, s0, s21, $0xb8;
	[tilespmem:$0x7300] =	vst v63  }
0xdf: {  	s18 =	simm.s32 $0x300  }
0xe0: {  	[tilespmem:s23], [sflag:$0x1] =	stream.indirect.gather [hbm4b:s4+s21], $0x40, s18, s21, $0xb8;
	[tilespmem:$0x7300] =	vst v63  }
0xe1: {  	s29 =	simm.s32 $0x500  }
0xe2: {  	[tilespmem:s24], [sflag:$0x1] =	stream.indirect.gather [hbm4b:s4+s21], $0x40, s29, s21, $0xb8;
	[tilespmem:$0x7300] =	vst v63  }
0xe3: {  	_ =	swait.ge [sflag:s25], $0x2000  }
0xe4: {  	[sflag:s25] =	ssyncset.done $0x0  }
0xe5: {  	[sflag:s25] =	ssyncadd.s32 $0xFFFFE000  }
0xe6: {  	_ =	swait.ge [sflag:s25], $0x2000  }
0xe7: {  	[sflag:s25] =	ssyncset.done $0x0  }
0xe8: {  	[sflag:s25] =	ssyncadd.s32 $0xFFFFE000  }
0xe9: {  	_ =	swait.ge [sflag:s25], $0x2000  }
0xea: {  	s31 =	simm.s32 $0x0;
	s1 =	simm.s32 $0x2C30;
	[sflag:s25] =	ssyncset.done $0x0  }
0xeb: {  	s28 =	simm.s32 $0x4C30;
	s0 =	simm.s32 $0xC20;
	[sflag:s25] =	ssyncadd.s32 $0xFFFFE000  }
.LBB2_14:
0xec: {  	v1 =	vmov s28;
	_ =	sdelay $0x1  }
0xed: {  	v2 =	vmov s0  }
0xee: {  	v3 =	vmov s1  }
0xef: {  	s16 =	simm.s32 $0x0  }
0xf0: {  	v4 =	vld.idx.msk [tilespmem:v1+s16+$0xFFFFFFF0 ss:$0x1], $0xffff  }
0xf1: {  	v5 =	vld.idx.msk [tilespmem:v1+s16+$0xFFFFFFD0 ss:$0x1], $0xffff  }
0xf2: {  	v6 =	vld.idx.msk [tilespmem:v2+s16+$0x0 ss:$0x1], $0xffff  }
0xf3: {  	v7 =	vld.idx.msk [tilespmem:v3+s16+$0xFFFFFFD0 ss:$0x1], $0xffff  }
0xf4: {  	v8 =	vld.idx.msk [tilespmem:v2+s16+$0xFFFFFFE0 ss:$0x1], $0xffff  }
0xf5: {  	v9 =	vld.idx.msk [tilespmem:v2+s16+$0xFFFFFFF0 ss:$0x1], $0xffff  }
0xf6: {  	v10 =	vld.idx.msk [tilespmem:v3+s16+$0xFFFFFFE0 ss:$0x1], $0xffff  }
0xf7: {  	v11 =	vld.idx.msk [tilespmem:v3+s16+$0xFFFFFFF0 ss:$0x1], $0xffff  }
0xf8: {  	v12 =	vld.idx.msk [tilespmem:v1+s16+$0xFFFFFFE0 ss:$0x1], $0xffff  }
0xf9: {  	v13 =	vld.idx.msk [tilespmem:v2+s16+$0x10 ss:$0x1], $0xffff  }
0xfa: {  	v14 =	vld.idx.msk [tilespmem:v3+s16+$0x0 ss:$0x1], $0xffff  }
0xfb: {  	v7 =	vmul.f32 v7, v8;
	v8 =	vmul.f32 v10, v9  }
0xfc: {  	v9 =	vld.idx.msk [tilespmem:v1+s16+$0x0 ss:$0x1], $0xffff;
	v6 =	vmul.f32 v11, v6  }
0xfd: {  	v5 =	vmul.f32 v5, v7;
	v7 =	vmul.f32 v12, v8;
	_ =	sdelay $0x1  }
0xfe: {  	v4 =	vmul.f32 v4, v6;
	v6 =	vmul.f32 v14, v13;
	v5 =	vadd.f32 v7, v5;
	_ =	sdelay $0x1  }
0xff: {  	v4 =	vadd.f32 v4, v5;
	v5 =	vmul.f32 v9, v6;
	_ =	sdelay $0x1  }
0x100: {  	v4 =	vadd.f32 v5, v4  }
0x101: {  	s16 =	simm.s32 $0x6C00  }
0x102: {  	s18 =	simm.s32 $0x40;
	[tilespmem:s16+$0x0] =	vst v4  }
0x103: {  	v4 =	vld.idx.msk [tilespmem:v1+s18+$0xFFFFFFF0 ss:$0x1], $0xffff  }
0x104: {  	v5 =	vld.idx.msk [tilespmem:v1+s18+$0xFFFFFFD0 ss:$0x1], $0xffff  }
0x105: {  	v6 =	vld.idx.msk [tilespmem:v2+s18+$0x0 ss:$0x1], $0xffff  }
0x106: {  	v7 =	vld.idx.msk [tilespmem:v3+s18+$0xFFFFFFD0 ss:$0x1], $0xffff  }
0x107: {  	v8 =	vld.idx.msk [tilespmem:v2+s18+$0xFFFFFFE0 ss:$0x1], $0xffff  }
0x108: {  	s29 =	sshll.u32 s31, $0x4;
	s17 =	simm.s32 $0x200;
	v9 =	vld.idx.msk [tilespmem:v2+s18+$0xFFFFFFF0 ss:$0x1], $0xffff  }
.LBB2_15:
0x109: {  	p0 =	sne.s32 s17, $0xF00;
	v10 =	vld.idx.msk [tilespmem:v3+s18+$0xFFFFFFE0 ss:$0x1], $0xffff  }
0x10a: {  	v11 =	vld.idx.msk [tilespmem:v3+s18+$0xFFFFFFF0 ss:$0x1], $0xffff  }
0x10b: {  	v12 =	vld.idx.msk [tilespmem:v1+s18+$0xFFFFFFE0 ss:$0x1], $0xffff  }
0x10c: {  	v13 =	vld.idx.msk [tilespmem:v2+s18+$0x10 ss:$0x1], $0xffff  }
0x10d: {  	v14 =	vld.idx.msk [tilespmem:v3+s18+$0x0 ss:$0x1], $0xffff;
	_ =	sdelay $0x1  }
0x10e: {  	v7 =	vmul.f32 v7, v8;
	v8 =	vmul.f32 v10, v9;
	v9 =	vld.idx.msk [tilespmem:v1+s18+$0x0 ss:$0x1], $0xffff  }
0x10f: {  	v6 =	vmul.f32 v11, v6  }
0x110: {  	v5 =	vmul.f32 v5, v7;
	v7 =	vmul.f32 v12, v8;
	_ =	sdelay $0x1  }
0x111: {  	v4 =	vmul.f32 v4, v6;
	v5 =	vadd.f32 v7, v5;
	v6 =	vmul.f32 v14, v13;
	_ =	sdelay $0x1  }
0x112: {  	v4 =	vadd.f32 v4, v5;
	v5 =	vmul.f32 v9, v6;
	_ =	sdelay $0x1  }
0x113: {  	v4 =	vadd.f32 v5, v4  }
0x114: {  	s16 =	sadd.s32 $0x10, s16  }
0x115: {  	s18 =	sshra.s32 s17, $0x2;
	[tilespmem:s16+$0x0] =	vst v4  }
0x116: {  	v4 =	vld.idx.msk [tilespmem:v1+s18+$0xFFFFFFF0 ss:$0x1], $0xffff  }
.Ltmp6:
0x117: {  	v5 =	vld.idx.msk [tilespmem:v1+s18+$0xFFFFFFD0 ss:$0x1], $0xffff;
	(pc) =	sbr.rel @p0 .LBB2_15-.Ltmp6, $4  }
0x118: {  	v6 =	vld.idx.msk [tilespmem:v2+s18+$0x0 ss:$0x1], $0xffff  }
0x119: {  	v7 =	vld.idx.msk [tilespmem:v3+s18+$0xFFFFFFD0 ss:$0x1], $0xffff  }
0x11a: {  	v8 =	vld.idx.msk [tilespmem:v2+s18+$0xFFFFFFE0 ss:$0x1], $0xffff  }
0x11b: {  	s17 =	sadd.s32 $0x100, s17;
	v9 =	vld.idx.msk [tilespmem:v2+s18+$0xFFFFFFF0 ss:$0x1], $0xffff  }
0x11c: {  	_ =	sdelay $0x3  }
0x11d: {  	v10 =	vld.idx.msk [tilespmem:v3+s18+$0xFFFFFFE0 ss:$0x1], $0xffff  }
0x11e: {  	v11 =	vld.idx.msk [tilespmem:v3+s18+$0xFFFFFFF0 ss:$0x1], $0xffff  }
0x11f: {  	v12 =	vld.idx.msk [tilespmem:v1+s18+$0xFFFFFFE0 ss:$0x1], $0xffff  }
0x120: {  	v2 =	vld.idx.msk [tilespmem:v2+s18+$0x10 ss:$0x1], $0xffff  }
0x121: {  	v3 =	vld.idx.msk [tilespmem:v3+s18+$0x0 ss:$0x1], $0xffff  }
0x122: {  	v7 =	vmul.f32 v7, v8;
	v62 =	vmul.f32 v10, v9  }
0x123: {  	v1 =	vld.idx.msk [tilespmem:v1+s18+$0x0 ss:$0x1], $0xffff;
	v6 =	vmul.f32 v11, v6  }
0x124: {  	v5 =	vmul.f32 v5, v7;
	v63 =	vmul.f32 v12, v62;
	_ =	sdelay $0x1  }
0x125: {  	v2 =	vmul.f32 v3, v2;
	v4 =	vmul.f32 v4, v6;
	v5 =	vadd.f32 v63, v5  }
0x126: {  	s17 =	simm.s32 $0x0  }
0x127: {  	v1 =	vmul.f32 v1, v2;
	v2 =	vor.u32 s17, v0;
	v3 =	vadd.f32 v4, v5;
	_ =	sdelay $0x1  }
0x128: {  	v1 =	vadd.f32 v1, v3  }
0x129: {  	s16 =	sadd.s32 $0x10, s16  }
0x12a: {  	[tilespmem:s16+$0x0] =	vst v1  }
0x12b: {  	v1 =	vimm.f32 $0.0e+00;
	s16 =	simm.s32 $0x1;
	v2 =	vld.idx.msk [tilespmem:v2+s26+$0x0], $0xffff  }
.LBB2_17:
0x12c: {  	v3 =	vor.u32 s16, v0;
	p0 =	sne.s32 s16, $0xF;
	s16 =	sadd.s32 $0x1, s16  }
.Ltmp7:
0x12d: {  	(pc) =	sbr.rel @p0 .LBB2_17-.Ltmp7, $2  }
0x12e: {  	_ =	sdelay $0x2  }
0x12f: {  	v1 =	vadd.f32 v2, v1;
	v2 =	vld.idx.msk [tilespmem:v3+s26+$0x0], $0xffff  }
0x130: {  	s31 =	sadd.s32 $0x1, s31  }
0x131: {  	p0 =	sne.s32 s31, $0x8  }
.Ltmp8:
0x132: {  	_ = 	snop;
	(pc) =	sbr.rel @p0 .LBB2_14-.Ltmp8, $3  }
0x133: {  	_ = 	snop  }
0x134: {  	v1 =	vadd.f32 v2, v1;
	_ =	sdelay $0x1  }
0x135: {  	s0 =	sadd.s32 $0x400, s0;
	s1 =	sadd.s32 $0x400, s1;
	s28 =	sadd.s32 $0x400, s28;
	[tilespmem:s29+$0x6E00] =	vst v1  }
0x136: {  	s0 =	simm.s32 $0x180  }
0x137: {  	[tilespmem:s22], [sflag:$0x1] =	stream.indirect.gather [hbm4b:s3+s21], $0x40, s0, s21, $0xb8;
	[tilespmem:$0x7300] =	vst v63  }
0x138: {  	s18 =	simm.s32 $0x380  }
0x139: {  	[tilespmem:s23], [sflag:$0x1] =	stream.indirect.gather [hbm4b:s4+s21], $0x40, s18, s21, $0xb8;
	[tilespmem:$0x7300] =	vst v63  }
0x13a: {  	s29 =	simm.s32 $0x580  }
0x13b: {  	[tilespmem:s24], [sflag:$0x1] =	stream.indirect.gather [hbm4b:s4+s21], $0x40, s29, s21, $0xb8;
	[tilespmem:$0x7300] =	vst v63  }
0x13c: {  	_ =	swait.ge [sflag:s25], $0x2000  }
0x13d: {  	[sflag:s25] =	ssyncset.done $0x0  }
0x13e: {  	[sflag:s25] =	ssyncadd.s32 $0xFFFFE000  }
0x13f: {  	_ =	swait.ge [sflag:s25], $0x2000  }
0x140: {  	[sflag:s25] =	ssyncset.done $0x0  }
0x141: {  	[sflag:s25] =	ssyncadd.s32 $0xFFFFE000  }
0x142: {  	_ =	swait.ge [sflag:s25], $0x2000  }
0x143: {  	s31 =	simm.s32 $0x0;
	s1 =	simm.s32 $0x2C30;
	[sflag:s25] =	ssyncset.done $0x0  }
0x144: {  	s28 =	simm.s32 $0x4C30;
	s0 =	simm.s32 $0xC20;
	[sflag:s25] =	ssyncadd.s32 $0xFFFFE000  }
.LBB2_20:
0x145: {  	v1 =	vmov s28;
	_ =	sdelay $0x1  }
0x146: {  	v2 =	vmov s0  }
0x147: {  	v3 =	vmov s1  }
0x148: {  	s16 =	simm.s32 $0x0  }
0x149: {  	v4 =	vld.idx.msk [tilespmem:v1+s16+$0xFFFFFFF0 ss:$0x1], $0xffff  }
0x14a: {  	v5 =	vld.idx.msk [tilespmem:v1+s16+$0xFFFFFFD0 ss:$0x1], $0xffff  }
0x14b: {  	v6 =	vld.idx.msk [tilespmem:v2+s16+$0x0 ss:$0x1], $0xffff  }
0x14c: {  	v7 =	vld.idx.msk [tilespmem:v3+s16+$0xFFFFFFD0 ss:$0x1], $0xffff  }
0x14d: {  	v8 =	vld.idx.msk [tilespmem:v2+s16+$0xFFFFFFE0 ss:$0x1], $0xffff  }
0x14e: {  	v9 =	vld.idx.msk [tilespmem:v2+s16+$0xFFFFFFF0 ss:$0x1], $0xffff  }
0x14f: {  	v10 =	vld.idx.msk [tilespmem:v3+s16+$0xFFFFFFE0 ss:$0x1], $0xffff  }
0x150: {  	v11 =	vld.idx.msk [tilespmem:v3+s16+$0xFFFFFFF0 ss:$0x1], $0xffff  }
0x151: {  	v12 =	vld.idx.msk [tilespmem:v1+s16+$0xFFFFFFE0 ss:$0x1], $0xffff  }
0x152: {  	v13 =	vld.idx.msk [tilespmem:v2+s16+$0x10 ss:$0x1], $0xffff  }
0x153: {  	v14 =	vld.idx.msk [tilespmem:v3+s16+$0x0 ss:$0x1], $0xffff  }
0x154: {  	v7 =	vmul.f32 v7, v8;
	v8 =	vmul.f32 v10, v9  }
0x155: {  	v9 =	vld.idx.msk [tilespmem:v1+s16+$0x0 ss:$0x1], $0xffff;
	v6 =	vmul.f32 v11, v6  }
0x156: {  	v5 =	vmul.f32 v5, v7;
	v7 =	vmul.f32 v12, v8;
	_ =	sdelay $0x1  }
0x157: {  	v4 =	vmul.f32 v4, v6;
	v6 =	vmul.f32 v14, v13;
	v5 =	vadd.f32 v7, v5;
	_ =	sdelay $0x1  }
0x158: {  	v4 =	vadd.f32 v4, v5;
	v5 =	vmul.f32 v9, v6;
	_ =	sdelay $0x1  }
0x159: {  	v4 =	vadd.f32 v5, v4  }
0x15a: {  	s16 =	simm.s32 $0x6C00  }
0x15b: {  	s18 =	simm.s32 $0x40;
	[tilespmem:s16+$0x0] =	vst v4  }
0x15c: {  	v4 =	vld.idx.msk [tilespmem:v1+s18+$0xFFFFFFF0 ss:$0x1], $0xffff  }
0x15d: {  	v5 =	vld.idx.msk [tilespmem:v1+s18+$0xFFFFFFD0 ss:$0x1], $0xffff  }
0x15e: {  	v6 =	vld.idx.msk [tilespmem:v2+s18+$0x0 ss:$0x1], $0xffff  }
0x15f: {  	v7 =	vld.idx.msk [tilespmem:v3+s18+$0xFFFFFFD0 ss:$0x1], $0xffff  }
0x160: {  	v8 =	vld.idx.msk [tilespmem:v2+s18+$0xFFFFFFE0 ss:$0x1], $0xffff  }
0x161: {  	s29 =	sshll.u32 s31, $0x4;
	s17 =	simm.s32 $0x200;
	v9 =	vld.idx.msk [tilespmem:v2+s18+$0xFFFFFFF0 ss:$0x1], $0xffff  }
.LBB2_21:
0x162: {  	p0 =	sne.s32 s17, $0xF00;
	v10 =	vld.idx.msk [tilespmem:v3+s18+$0xFFFFFFE0 ss:$0x1], $0xffff  }
0x163: {  	v11 =	vld.idx.msk [tilespmem:v3+s18+$0xFFFFFFF0 ss:$0x1], $0xffff  }
0x164: {  	v12 =	vld.idx.msk [tilespmem:v1+s18+$0xFFFFFFE0 ss:$0x1], $0xffff  }
0x165: {  	v13 =	vld.idx.msk [tilespmem:v2+s18+$0x10 ss:$0x1], $0xffff  }
0x166: {  	v14 =	vld.idx.msk [tilespmem:v3+s18+$0x0 ss:$0x1], $0xffff;
	_ =	sdelay $0x1  }
0x167: {  	v7 =	vmul.f32 v7, v8;
	v8 =	vmul.f32 v10, v9;
	v9 =	vld.idx.msk [tilespmem:v1+s18+$0x0 ss:$0x1], $0xffff  }
0x168: {  	v6 =	vmul.f32 v11, v6  }
0x169: {  	v5 =	vmul.f32 v5, v7;
	v7 =	vmul.f32 v12, v8;
	_ =	sdelay $0x1  }
0x16a: {  	v4 =	vmul.f32 v4, v6;
	v5 =	vadd.f32 v7, v5;
	v6 =	vmul.f32 v14, v13;
	_ =	sdelay $0x1  }
0x16b: {  	v4 =	vadd.f32 v4, v5;
	v5 =	vmul.f32 v9, v6;
	_ =	sdelay $0x1  }
0x16c: {  	v4 =	vadd.f32 v5, v4  }
0x16d: {  	s16 =	sadd.s32 $0x10, s16  }
0x16e: {  	s18 =	sshra.s32 s17, $0x2;
	[tilespmem:s16+$0x0] =	vst v4  }
0x16f: {  	v4 =	vld.idx.msk [tilespmem:v1+s18+$0xFFFFFFF0 ss:$0x1], $0xffff  }
.Ltmp9:
0x170: {  	v5 =	vld.idx.msk [tilespmem:v1+s18+$0xFFFFFFD0 ss:$0x1], $0xffff;
	(pc) =	sbr.rel @p0 .LBB2_21-.Ltmp9, $4  }
0x171: {  	v6 =	vld.idx.msk [tilespmem:v2+s18+$0x0 ss:$0x1], $0xffff  }
0x172: {  	v7 =	vld.idx.msk [tilespmem:v3+s18+$0xFFFFFFD0 ss:$0x1], $0xffff  }
0x173: {  	v8 =	vld.idx.msk [tilespmem:v2+s18+$0xFFFFFFE0 ss:$0x1], $0xffff  }
0x174: {  	s17 =	sadd.s32 $0x100, s17;
	v9 =	vld.idx.msk [tilespmem:v2+s18+$0xFFFFFFF0 ss:$0x1], $0xffff  }
0x175: {  	_ =	sdelay $0x3  }
0x176: {  	v10 =	vld.idx.msk [tilespmem:v3+s18+$0xFFFFFFE0 ss:$0x1], $0xffff  }
0x177: {  	v11 =	vld.idx.msk [tilespmem:v3+s18+$0xFFFFFFF0 ss:$0x1], $0xffff  }
0x178: {  	v12 =	vld.idx.msk [tilespmem:v1+s18+$0xFFFFFFE0 ss:$0x1], $0xffff  }
0x179: {  	v2 =	vld.idx.msk [tilespmem:v2+s18+$0x10 ss:$0x1], $0xffff  }
0x17a: {  	v3 =	vld.idx.msk [tilespmem:v3+s18+$0x0 ss:$0x1], $0xffff  }
0x17b: {  	v7 =	vmul.f32 v7, v8;
	v62 =	vmul.f32 v10, v9  }
0x17c: {  	v1 =	vld.idx.msk [tilespmem:v1+s18+$0x0 ss:$0x1], $0xffff;
	v6 =	vmul.f32 v11, v6  }
0x17d: {  	v5 =	vmul.f32 v5, v7;
	v63 =	vmul.f32 v12, v62;
	_ =	sdelay $0x1  }
0x17e: {  	v2 =	vmul.f32 v3, v2;
	v4 =	vmul.f32 v4, v6;
	v5 =	vadd.f32 v63, v5  }
0x17f: {  	s17 =	simm.s32 $0x0  }
0x180: {  	v1 =	vmul.f32 v1, v2;
	v2 =	vor.u32 s17, v0;
	v3 =	vadd.f32 v4, v5;
	_ =	sdelay $0x1  }
0x181: {  	v1 =	vadd.f32 v1, v3  }
0x182: {  	s16 =	sadd.s32 $0x10, s16  }
0x183: {  	[tilespmem:s16+$0x0] =	vst v1  }
0x184: {  	v1 =	vimm.f32 $0.0e+00;
	s16 =	simm.s32 $0x1;
	v2 =	vld.idx.msk [tilespmem:v2+s26+$0x0], $0xffff  }
.LBB2_23:
0x185: {  	v3 =	vor.u32 s16, v0;
	p0 =	sne.s32 s16, $0xF;
	s16 =	sadd.s32 $0x1, s16  }
.Ltmp10:
0x186: {  	(pc) =	sbr.rel @p0 .LBB2_23-.Ltmp10, $2  }
0x187: {  	_ =	sdelay $0x2  }
0x188: {  	v1 =	vadd.f32 v2, v1;
	v2 =	vld.idx.msk [tilespmem:v3+s26+$0x0], $0xffff  }
0x189: {  	s31 =	sadd.s32 $0x1, s31  }
0x18a: {  	p0 =	sne.s32 s31, $0x8  }
.Ltmp11:
0x18b: {  	_ = 	snop;
	(pc) =	sbr.rel @p0 .LBB2_20-.Ltmp11, $3  }
0x18c: {  	_ = 	snop  }
0x18d: {  	v1 =	vadd.f32 v2, v1;
	_ =	sdelay $0x1  }
0x18e: {  	s0 =	sadd.s32 $0x400, s0;
	s1 =	sadd.s32 $0x400, s1;
	s28 =	sadd.s32 $0x400, s28;
	[tilespmem:s29+$0x6E80] =	vst v1  }
0x18f: {  	[tilespmem:s22], [sflag:$0x1] =	stream.indirect.gather [hbm4b:s3+s21], $0x40, s19, s21, $0xb8;
	[tilespmem:$0x7300] =	vst v63  }
0x190: {  	s0 =	simm.s32 $0x800  }
0x191: {  	[tilespmem:s23], [sflag:$0x1] =	stream.indirect.gather [hbm4b:s4+s21], $0x40, s0, s21, $0xb8;
	[tilespmem:$0x7300] =	vst v63  }
0x192: {  	_ = 	snop  }
0x193: {  	[tilespmem:s24], [sflag:$0x1] =	stream.indirect.gather [hbm4b:s4+s21], $0x40, s20, s21, $0xb8;
	[tilespmem:$0x7300] =	vst v63  }
0x194: {  	_ =	swait.ge [sflag:s25], $0x2000  }
0x195: {  	[sflag:s25] =	ssyncset.done $0x0  }
0x196: {  	[sflag:s25] =	ssyncadd.s32 $0xFFFFE000  }
0x197: {  	_ =	swait.ge [sflag:s25], $0x2000  }
0x198: {  	[sflag:s25] =	ssyncset.done $0x0  }
0x199: {  	[sflag:s25] =	ssyncadd.s32 $0xFFFFE000  }
0x19a: {  	_ =	swait.ge [sflag:s25], $0x2000  }
0x19b: {  	s31 =	simm.s32 $0x0;
	s1 =	simm.s32 $0x2C30;
	[sflag:s25] =	ssyncset.done $0x0  }
0x19c: {  	s28 =	simm.s32 $0x4C30;
	s0 =	simm.s32 $0xC20;
	[sflag:s25] =	ssyncadd.s32 $0xFFFFE000  }
.LBB2_26:
0x19d: {  	v1 =	vmov s28;
	_ =	sdelay $0x1  }
0x19e: {  	v2 =	vmov s0  }
0x19f: {  	v3 =	vmov s1  }
0x1a0: {  	s16 =	simm.s32 $0x0  }
0x1a1: {  	v4 =	vld.idx.msk [tilespmem:v1+s16+$0xFFFFFFF0 ss:$0x1], $0xffff  }
0x1a2: {  	v5 =	vld.idx.msk [tilespmem:v1+s16+$0xFFFFFFD0 ss:$0x1], $0xffff  }
0x1a3: {  	v6 =	vld.idx.msk [tilespmem:v2+s16+$0x0 ss:$0x1], $0xffff  }
0x1a4: {  	v7 =	vld.idx.msk [tilespmem:v3+s16+$0xFFFFFFD0 ss:$0x1], $0xffff  }
0x1a5: {  	v8 =	vld.idx.msk [tilespmem:v2+s16+$0xFFFFFFE0 ss:$0x1], $0xffff  }
0x1a6: {  	v9 =	vld.idx.msk [tilespmem:v2+s16+$0xFFFFFFF0 ss:$0x1], $0xffff  }
0x1a7: {  	v10 =	vld.idx.msk [tilespmem:v3+s16+$0xFFFFFFE0 ss:$0x1], $0xffff  }
0x1a8: {  	v11 =	vld.idx.msk [tilespmem:v3+s16+$0xFFFFFFF0 ss:$0x1], $0xffff  }
0x1a9: {  	v12 =	vld.idx.msk [tilespmem:v1+s16+$0xFFFFFFE0 ss:$0x1], $0xffff  }
0x1aa: {  	v13 =	vld.idx.msk [tilespmem:v2+s16+$0x10 ss:$0x1], $0xffff  }
0x1ab: {  	v14 =	vld.idx.msk [tilespmem:v3+s16+$0x0 ss:$0x1], $0xffff  }
0x1ac: {  	v7 =	vmul.f32 v7, v8;
	v8 =	vmul.f32 v10, v9  }
0x1ad: {  	v9 =	vld.idx.msk [tilespmem:v1+s16+$0x0 ss:$0x1], $0xffff;
	v6 =	vmul.f32 v11, v6  }
0x1ae: {  	v5 =	vmul.f32 v5, v7;
	v7 =	vmul.f32 v12, v8;
	_ =	sdelay $0x1  }
0x1af: {  	v4 =	vmul.f32 v4, v6;
	v6 =	vmul.f32 v14, v13;
	v5 =	vadd.f32 v7, v5;
	_ =	sdelay $0x1  }
0x1b0: {  	v4 =	vadd.f32 v4, v5;
	v5 =	vmul.f32 v9, v6;
	_ =	sdelay $0x1  }
0x1b1: {  	v4 =	vadd.f32 v5, v4  }
0x1b2: {  	s16 =	simm.s32 $0x6C00  }
0x1b3: {  	s18 =	simm.s32 $0x40;
	[tilespmem:s16+$0x0] =	vst v4  }
0x1b4: {  	v4 =	vld.idx.msk [tilespmem:v1+s18+$0xFFFFFFF0 ss:$0x1], $0xffff  }
0x1b5: {  	v5 =	vld.idx.msk [tilespmem:v1+s18+$0xFFFFFFD0 ss:$0x1], $0xffff  }
0x1b6: {  	v6 =	vld.idx.msk [tilespmem:v2+s18+$0x0 ss:$0x1], $0xffff  }
0x1b7: {  	v7 =	vld.idx.msk [tilespmem:v3+s18+$0xFFFFFFD0 ss:$0x1], $0xffff  }
0x1b8: {  	v8 =	vld.idx.msk [tilespmem:v2+s18+$0xFFFFFFE0 ss:$0x1], $0xffff  }
0x1b9: {  	s29 =	sshll.u32 s31, $0x4;
	s17 =	simm.s32 $0x200;
	v9 =	vld.idx.msk [tilespmem:v2+s18+$0xFFFFFFF0 ss:$0x1], $0xffff  }
.LBB2_27:
0x1ba: {  	p0 =	sne.s32 s17, $0xF00;
	v10 =	vld.idx.msk [tilespmem:v3+s18+$0xFFFFFFE0 ss:$0x1], $0xffff  }
0x1bb: {  	v11 =	vld.idx.msk [tilespmem:v3+s18+$0xFFFFFFF0 ss:$0x1], $0xffff  }
0x1bc: {  	v12 =	vld.idx.msk [tilespmem:v1+s18+$0xFFFFFFE0 ss:$0x1], $0xffff  }
0x1bd: {  	v13 =	vld.idx.msk [tilespmem:v2+s18+$0x10 ss:$0x1], $0xffff  }
0x1be: {  	v14 =	vld.idx.msk [tilespmem:v3+s18+$0x0 ss:$0x1], $0xffff;
	_ =	sdelay $0x1  }
0x1bf: {  	v7 =	vmul.f32 v7, v8;
	v8 =	vmul.f32 v10, v9;
	v9 =	vld.idx.msk [tilespmem:v1+s18+$0x0 ss:$0x1], $0xffff  }
0x1c0: {  	v6 =	vmul.f32 v11, v6  }
0x1c1: {  	v5 =	vmul.f32 v5, v7;
	v7 =	vmul.f32 v12, v8;
	_ =	sdelay $0x1  }
0x1c2: {  	v4 =	vmul.f32 v4, v6;
	v5 =	vadd.f32 v7, v5;
	v6 =	vmul.f32 v14, v13;
	_ =	sdelay $0x1  }
0x1c3: {  	v4 =	vadd.f32 v4, v5;
	v5 =	vmul.f32 v9, v6;
	_ =	sdelay $0x1  }
0x1c4: {  	v4 =	vadd.f32 v5, v4  }
0x1c5: {  	s16 =	sadd.s32 $0x10, s16  }
0x1c6: {  	s18 =	sshra.s32 s17, $0x2;
	[tilespmem:s16+$0x0] =	vst v4  }
0x1c7: {  	v4 =	vld.idx.msk [tilespmem:v1+s18+$0xFFFFFFF0 ss:$0x1], $0xffff  }
.Ltmp12:
0x1c8: {  	v5 =	vld.idx.msk [tilespmem:v1+s18+$0xFFFFFFD0 ss:$0x1], $0xffff;
	(pc) =	sbr.rel @p0 .LBB2_27-.Ltmp12, $4  }
0x1c9: {  	v6 =	vld.idx.msk [tilespmem:v2+s18+$0x0 ss:$0x1], $0xffff  }
0x1ca: {  	v7 =	vld.idx.msk [tilespmem:v3+s18+$0xFFFFFFD0 ss:$0x1], $0xffff  }
0x1cb: {  	v8 =	vld.idx.msk [tilespmem:v2+s18+$0xFFFFFFE0 ss:$0x1], $0xffff  }
0x1cc: {  	s17 =	sadd.s32 $0x100, s17;
	v9 =	vld.idx.msk [tilespmem:v2+s18+$0xFFFFFFF0 ss:$0x1], $0xffff  }
0x1cd: {  	_ =	sdelay $0x3  }
0x1ce: {  	v10 =	vld.idx.msk [tilespmem:v3+s18+$0xFFFFFFE0 ss:$0x1], $0xffff  }
0x1cf: {  	v11 =	vld.idx.msk [tilespmem:v3+s18+$0xFFFFFFF0 ss:$0x1], $0xffff  }
0x1d0: {  	v12 =	vld.idx.msk [tilespmem:v1+s18+$0xFFFFFFE0 ss:$0x1], $0xffff  }
0x1d1: {  	v2 =	vld.idx.msk [tilespmem:v2+s18+$0x10 ss:$0x1], $0xffff  }
0x1d2: {  	v3 =	vld.idx.msk [tilespmem:v3+s18+$0x0 ss:$0x1], $0xffff  }
0x1d3: {  	v7 =	vmul.f32 v7, v8;
	v62 =	vmul.f32 v10, v9  }
0x1d4: {  	v1 =	vld.idx.msk [tilespmem:v1+s18+$0x0 ss:$0x1], $0xffff;
	v6 =	vmul.f32 v11, v6  }
0x1d5: {  	v5 =	vmul.f32 v5, v7;
	v63 =	vmul.f32 v12, v62;
	_ =	sdelay $0x1  }
0x1d6: {  	v2 =	vmul.f32 v3, v2;
	v4 =	vmul.f32 v4, v6;
	v5 =	vadd.f32 v63, v5  }
0x1d7: {  	s17 =	simm.s32 $0x0  }
0x1d8: {  	v1 =	vmul.f32 v1, v2;
	v2 =	vor.u32 s17, v0;
	v3 =	vadd.f32 v4, v5;
	_ =	sdelay $0x1  }
0x1d9: {  	v1 =	vadd.f32 v1, v3  }
0x1da: {  	s16 =	sadd.s32 $0x10, s16  }
0x1db: {  	[tilespmem:s16+$0x0] =	vst v1  }
0x1dc: {  	v1 =	vimm.f32 $0.0e+00;
	s16 =	simm.s32 $0x1;
	v2 =	vld.idx.msk [tilespmem:v2+s26+$0x0], $0xffff  }
.LBB2_29:
0x1dd: {  	v3 =	vor.u32 s16, v0;
	p0 =	sne.s32 s16, $0xF;
	s16 =	sadd.s32 $0x1, s16  }
.Ltmp13:
0x1de: {  	(pc) =	sbr.rel @p0 .LBB2_29-.Ltmp13, $2  }
0x1df: {  	_ =	sdelay $0x2  }
0x1e0: {  	v1 =	vadd.f32 v2, v1;
	v2 =	vld.idx.msk [tilespmem:v3+s26+$0x0], $0xffff  }
0x1e1: {  	s31 =	sadd.s32 $0x1, s31  }
0x1e2: {  	p0 =	sne.s32 s31, $0x8  }
.Ltmp14:
0x1e3: {  	_ = 	snop;
	(pc) =	sbr.rel @p0 .LBB2_26-.Ltmp14, $3  }
0x1e4: {  	_ = 	snop  }
0x1e5: {  	v1 =	vadd.f32 v2, v1;
	_ =	sdelay $0x1  }
0x1e6: {  	s0 =	sadd.s32 $0x400, s0;
	s1 =	sadd.s32 $0x400, s1;
	s28 =	sadd.s32 $0x400, s28;
	[tilespmem:s29+$0x6F00] =	vst v1  }
0x1e7: {  	s0 =	simm.s32 $0x680  }
0x1e8: {  	[tilespmem:s22], [sflag:$0x1] =	stream.indirect.gather [hbm4b:s3+s21], $0x40, s0, s21, $0xb8;
	[tilespmem:$0x7300] =	vst v63  }
0x1e9: {  	s18 =	simm.s32 $0x880  }
0x1ea: {  	[tilespmem:s23], [sflag:$0x1] =	stream.indirect.gather [hbm4b:s4+s21], $0x40, s18, s21, $0xb8;
	[tilespmem:$0x7300] =	vst v63  }
0x1eb: {  	s29 =	simm.s32 $0xA80  }
0x1ec: {  	[tilespmem:s24], [sflag:$0x1] =	stream.indirect.gather [hbm4b:s4+s21], $0x40, s29, s21, $0xb8;
	[tilespmem:$0x7300] =	vst v63  }
0x1ed: {  	_ =	swait.ge [sflag:s25], $0x2000  }
0x1ee: {  	[sflag:s25] =	ssyncset.done $0x0  }
0x1ef: {  	[sflag:s25] =	ssyncadd.s32 $0xFFFFE000  }
0x1f0: {  	_ =	swait.ge [sflag:s25], $0x2000  }
0x1f1: {  	[sflag:s25] =	ssyncset.done $0x0  }
0x1f2: {  	[sflag:s25] =	ssyncadd.s32 $0xFFFFE000  }
0x1f3: {  	_ =	swait.ge [sflag:s25], $0x2000  }
0x1f4: {  	s31 =	simm.s32 $0x0;
	s1 =	simm.s32 $0x2C30;
	[sflag:s25] =	ssyncset.done $0x0  }
0x1f5: {  	s28 =	simm.s32 $0x4C30;
	s0 =	simm.s32 $0xC20;
	[sflag:s25] =	ssyncadd.s32 $0xFFFFE000  }
.LBB2_32:
0x1f6: {  	v1 =	vmov s28;
	_ =	sdelay $0x1  }
0x1f7: {  	v2 =	vmov s0  }
0x1f8: {  	v3 =	vmov s1  }
0x1f9: {  	s16 =	simm.s32 $0x0  }
0x1fa: {  	v4 =	vld.idx.msk [tilespmem:v1+s16+$0xFFFFFFF0 ss:$0x1], $0xffff  }
0x1fb: {  	v5 =	vld.idx.msk [tilespmem:v1+s16+$0xFFFFFFD0 ss:$0x1], $0xffff  }
0x1fc: {  	v6 =	vld.idx.msk [tilespmem:v2+s16+$0x0 ss:$0x1], $0xffff  }
0x1fd: {  	v7 =	vld.idx.msk [tilespmem:v3+s16+$0xFFFFFFD0 ss:$0x1], $0xffff  }
0x1fe: {  	v8 =	vld.idx.msk [tilespmem:v2+s16+$0xFFFFFFE0 ss:$0x1], $0xffff  }
0x1ff: {  	v9 =	vld.idx.msk [tilespmem:v2+s16+$0xFFFFFFF0 ss:$0x1], $0xffff  }
0x200: {  	v10 =	vld.idx.msk [tilespmem:v3+s16+$0xFFFFFFE0 ss:$0x1], $0xffff  }
0x201: {  	v11 =	vld.idx.msk [tilespmem:v3+s16+$0xFFFFFFF0 ss:$0x1], $0xffff  }
0x202: {  	v12 =	vld.idx.msk [tilespmem:v1+s16+$0xFFFFFFE0 ss:$0x1], $0xffff  }
0x203: {  	v13 =	vld.idx.msk [tilespmem:v2+s16+$0x10 ss:$0x1], $0xffff  }
0x204: {  	v14 =	vld.idx.msk [tilespmem:v3+s16+$0x0 ss:$0x1], $0xffff  }
0x205: {  	v7 =	vmul.f32 v7, v8;
	v8 =	vmul.f32 v10, v9  }
0x206: {  	v9 =	vld.idx.msk [tilespmem:v1+s16+$0x0 ss:$0x1], $0xffff;
	v6 =	vmul.f32 v11, v6  }
0x207: {  	v5 =	vmul.f32 v5, v7;
	v7 =	vmul.f32 v12, v8;
	_ =	sdelay $0x1  }
0x208: {  	v4 =	vmul.f32 v4, v6;
	v6 =	vmul.f32 v14, v13;
	v5 =	vadd.f32 v7, v5;
	_ =	sdelay $0x1  }
0x209: {  	v4 =	vadd.f32 v4, v5;
	v5 =	vmul.f32 v9, v6;
	_ =	sdelay $0x1  }
0x20a: {  	v4 =	vadd.f32 v5, v4  }
0x20b: {  	s16 =	simm.s32 $0x6C00  }
0x20c: {  	s18 =	simm.s32 $0x40;
	[tilespmem:s16+$0x0] =	vst v4  }
0x20d: {  	v4 =	vld.idx.msk [tilespmem:v1+s18+$0xFFFFFFF0 ss:$0x1], $0xffff  }
0x20e: {  	v5 =	vld.idx.msk [tilespmem:v1+s18+$0xFFFFFFD0 ss:$0x1], $0xffff  }
0x20f: {  	v6 =	vld.idx.msk [tilespmem:v2+s18+$0x0 ss:$0x1], $0xffff  }
0x210: {  	v7 =	vld.idx.msk [tilespmem:v3+s18+$0xFFFFFFD0 ss:$0x1], $0xffff  }
0x211: {  	v8 =	vld.idx.msk [tilespmem:v2+s18+$0xFFFFFFE0 ss:$0x1], $0xffff  }
0x212: {  	s29 =	sshll.u32 s31, $0x4;
	s17 =	simm.s32 $0x200;
	v9 =	vld.idx.msk [tilespmem:v2+s18+$0xFFFFFFF0 ss:$0x1], $0xffff  }
.LBB2_33:
0x213: {  	p0 =	sne.s32 s17, $0xF00;
	v10 =	vld.idx.msk [tilespmem:v3+s18+$0xFFFFFFE0 ss:$0x1], $0xffff  }
0x214: {  	v11 =	vld.idx.msk [tilespmem:v3+s18+$0xFFFFFFF0 ss:$0x1], $0xffff  }
0x215: {  	v12 =	vld.idx.msk [tilespmem:v1+s18+$0xFFFFFFE0 ss:$0x1], $0xffff  }
0x216: {  	v13 =	vld.idx.msk [tilespmem:v2+s18+$0x10 ss:$0x1], $0xffff  }
0x217: {  	v14 =	vld.idx.msk [tilespmem:v3+s18+$0x0 ss:$0x1], $0xffff;
	_ =	sdelay $0x1  }
0x218: {  	v7 =	vmul.f32 v7, v8;
	v8 =	vmul.f32 v10, v9;
	v9 =	vld.idx.msk [tilespmem:v1+s18+$0x0 ss:$0x1], $0xffff  }
0x219: {  	v6 =	vmul.f32 v11, v6  }
0x21a: {  	v5 =	vmul.f32 v5, v7;
	v7 =	vmul.f32 v12, v8;
	_ =	sdelay $0x1  }
0x21b: {  	v4 =	vmul.f32 v4, v6;
	v5 =	vadd.f32 v7, v5;
	v6 =	vmul.f32 v14, v13;
	_ =	sdelay $0x1  }
0x21c: {  	v4 =	vadd.f32 v4, v5;
	v5 =	vmul.f32 v9, v6;
	_ =	sdelay $0x1  }
0x21d: {  	v4 =	vadd.f32 v5, v4  }
0x21e: {  	s16 =	sadd.s32 $0x10, s16  }
0x21f: {  	s18 =	sshra.s32 s17, $0x2;
	[tilespmem:s16+$0x0] =	vst v4  }
0x220: {  	v4 =	vld.idx.msk [tilespmem:v1+s18+$0xFFFFFFF0 ss:$0x1], $0xffff  }
.Ltmp15:
0x221: {  	v5 =	vld.idx.msk [tilespmem:v1+s18+$0xFFFFFFD0 ss:$0x1], $0xffff;
	(pc) =	sbr.rel @p0 .LBB2_33-.Ltmp15, $4  }
0x222: {  	v6 =	vld.idx.msk [tilespmem:v2+s18+$0x0 ss:$0x1], $0xffff  }
0x223: {  	v7 =	vld.idx.msk [tilespmem:v3+s18+$0xFFFFFFD0 ss:$0x1], $0xffff  }
0x224: {  	v8 =	vld.idx.msk [tilespmem:v2+s18+$0xFFFFFFE0 ss:$0x1], $0xffff  }
0x225: {  	s17 =	sadd.s32 $0x100, s17;
	v9 =	vld.idx.msk [tilespmem:v2+s18+$0xFFFFFFF0 ss:$0x1], $0xffff  }
0x226: {  	_ =	sdelay $0x3  }
0x227: {  	v10 =	vld.idx.msk [tilespmem:v3+s18+$0xFFFFFFE0 ss:$0x1], $0xffff  }
0x228: {  	v11 =	vld.idx.msk [tilespmem:v3+s18+$0xFFFFFFF0 ss:$0x1], $0xffff  }
0x229: {  	v12 =	vld.idx.msk [tilespmem:v1+s18+$0xFFFFFFE0 ss:$0x1], $0xffff  }
0x22a: {  	v2 =	vld.idx.msk [tilespmem:v2+s18+$0x10 ss:$0x1], $0xffff  }
0x22b: {  	v3 =	vld.idx.msk [tilespmem:v3+s18+$0x0 ss:$0x1], $0xffff  }
0x22c: {  	v7 =	vmul.f32 v7, v8;
	v62 =	vmul.f32 v10, v9  }
0x22d: {  	v1 =	vld.idx.msk [tilespmem:v1+s18+$0x0 ss:$0x1], $0xffff;
	v6 =	vmul.f32 v11, v6  }
0x22e: {  	v5 =	vmul.f32 v5, v7;
	v63 =	vmul.f32 v12, v62;
	_ =	sdelay $0x1  }
0x22f: {  	v2 =	vmul.f32 v3, v2;
	v4 =	vmul.f32 v4, v6;
	v5 =	vadd.f32 v63, v5  }
0x230: {  	s17 =	simm.s32 $0x0  }
0x231: {  	v1 =	vmul.f32 v1, v2;
	v2 =	vor.u32 s17, v0;
	v3 =	vadd.f32 v4, v5;
	_ =	sdelay $0x1  }
0x232: {  	v1 =	vadd.f32 v1, v3  }
0x233: {  	s16 =	sadd.s32 $0x10, s16  }
0x234: {  	[tilespmem:s16+$0x0] =	vst v1  }
0x235: {  	v1 =	vimm.f32 $0.0e+00;
	s16 =	simm.s32 $0x1;
	v2 =	vld.idx.msk [tilespmem:v2+s26+$0x0], $0xffff  }
.LBB2_35:
0x236: {  	v3 =	vor.u32 s16, v0;
	p0 =	sne.s32 s16, $0xF;
	s16 =	sadd.s32 $0x1, s16  }
.Ltmp16:
0x237: {  	(pc) =	sbr.rel @p0 .LBB2_35-.Ltmp16, $2  }
0x238: {  	_ =	sdelay $0x2  }
0x239: {  	v1 =	vadd.f32 v2, v1;
	v2 =	vld.idx.msk [tilespmem:v3+s26+$0x0], $0xffff  }
0x23a: {  	s31 =	sadd.s32 $0x1, s31  }
0x23b: {  	p0 =	sne.s32 s31, $0x8  }
.Ltmp17:
0x23c: {  	_ = 	snop;
	(pc) =	sbr.rel @p0 .LBB2_32-.Ltmp17, $3  }
0x23d: {  	_ = 	snop  }
0x23e: {  	v1 =	vadd.f32 v2, v1;
	_ =	sdelay $0x1  }
0x23f: {  	s0 =	sadd.s32 $0x400, s0;
	s1 =	sadd.s32 $0x400, s1;
	s28 =	sadd.s32 $0x400, s28;
	[tilespmem:s29+$0x6F80] =	vst v1  }
0x240: {  	s0 =	simm.s32 $0x700  }
0x241: {  	[tilespmem:s22], [sflag:$0x1] =	stream.indirect.gather [hbm4b:s3+s21], $0x40, s0, s21, $0xb8;
	[tilespmem:$0x7300] =	vst v63  }
0x242: {  	s18 =	simm.s32 $0x900  }
0x243: {  	[tilespmem:s23], [sflag:$0x1] =	stream.indirect.gather [hbm4b:s4+s21], $0x40, s18, s21, $0xb8;
	[tilespmem:$0x7300] =	vst v63  }
0x244: {  	s29 =	simm.s32 $0xB00  }
0x245: {  	[tilespmem:s24], [sflag:$0x1] =	stream.indirect.gather [hbm4b:s4+s21], $0x40, s29, s21, $0xb8;
	[tilespmem:$0x7300] =	vst v63  }
0x246: {  	_ =	swait.ge [sflag:s25], $0x2000  }
0x247: {  	[sflag:s25] =	ssyncset.done $0x0  }
0x248: {  	[sflag:s25] =	ssyncadd.s32 $0xFFFFE000  }
0x249: {  	_ =	swait.ge [sflag:s25], $0x2000  }
0x24a: {  	[sflag:s25] =	ssyncset.done $0x0  }
0x24b: {  	[sflag:s25] =	ssyncadd.s32 $0xFFFFE000  }
0x24c: {  	_ =	swait.ge [sflag:s25], $0x2000  }
0x24d: {  	s31 =	simm.s32 $0x0;
	s1 =	simm.s32 $0x2C30;
	[sflag:s25] =	ssyncset.done $0x0  }
0x24e: {  	s28 =	simm.s32 $0x4C30;
	s0 =	simm.s32 $0xC20;
	[sflag:s25] =	ssyncadd.s32 $0xFFFFE000  }
.LBB2_38:
0x24f: {  	v1 =	vmov s28;
	_ =	sdelay $0x1  }
0x250: {  	v2 =	vmov s0  }
0x251: {  	v3 =	vmov s1  }
0x252: {  	s16 =	simm.s32 $0x0  }
0x253: {  	v4 =	vld.idx.msk [tilespmem:v1+s16+$0xFFFFFFF0 ss:$0x1], $0xffff  }
0x254: {  	v5 =	vld.idx.msk [tilespmem:v1+s16+$0xFFFFFFD0 ss:$0x1], $0xffff  }
0x255: {  	v6 =	vld.idx.msk [tilespmem:v2+s16+$0x0 ss:$0x1], $0xffff  }
0x256: {  	v7 =	vld.idx.msk [tilespmem:v3+s16+$0xFFFFFFD0 ss:$0x1], $0xffff  }
0x257: {  	v8 =	vld.idx.msk [tilespmem:v2+s16+$0xFFFFFFE0 ss:$0x1], $0xffff  }
0x258: {  	v9 =	vld.idx.msk [tilespmem:v2+s16+$0xFFFFFFF0 ss:$0x1], $0xffff  }
0x259: {  	v10 =	vld.idx.msk [tilespmem:v3+s16+$0xFFFFFFE0 ss:$0x1], $0xffff  }
0x25a: {  	v11 =	vld.idx.msk [tilespmem:v3+s16+$0xFFFFFFF0 ss:$0x1], $0xffff  }
0x25b: {  	v12 =	vld.idx.msk [tilespmem:v1+s16+$0xFFFFFFE0 ss:$0x1], $0xffff  }
0x25c: {  	v13 =	vld.idx.msk [tilespmem:v2+s16+$0x10 ss:$0x1], $0xffff  }
0x25d: {  	v14 =	vld.idx.msk [tilespmem:v3+s16+$0x0 ss:$0x1], $0xffff  }
0x25e: {  	v7 =	vmul.f32 v7, v8;
	v8 =	vmul.f32 v10, v9  }
0x25f: {  	v9 =	vld.idx.msk [tilespmem:v1+s16+$0x0 ss:$0x1], $0xffff;
	v6 =	vmul.f32 v11, v6  }
0x260: {  	v5 =	vmul.f32 v5, v7;
	v7 =	vmul.f32 v12, v8;
	_ =	sdelay $0x1  }
0x261: {  	v4 =	vmul.f32 v4, v6;
	v6 =	vmul.f32 v14, v13;
	v5 =	vadd.f32 v7, v5;
	_ =	sdelay $0x1  }
0x262: {  	v4 =	vadd.f32 v4, v5;
	v5 =	vmul.f32 v9, v6;
	_ =	sdelay $0x1  }
0x263: {  	v4 =	vadd.f32 v5, v4  }
0x264: {  	s16 =	simm.s32 $0x6C00  }
0x265: {  	s18 =	simm.s32 $0x40;
	[tilespmem:s16+$0x0] =	vst v4  }
0x266: {  	v4 =	vld.idx.msk [tilespmem:v1+s18+$0xFFFFFFF0 ss:$0x1], $0xffff  }
0x267: {  	v5 =	vld.idx.msk [tilespmem:v1+s18+$0xFFFFFFD0 ss:$0x1], $0xffff  }
0x268: {  	v6 =	vld.idx.msk [tilespmem:v2+s18+$0x0 ss:$0x1], $0xffff  }
0x269: {  	v7 =	vld.idx.msk [tilespmem:v3+s18+$0xFFFFFFD0 ss:$0x1], $0xffff  }
0x26a: {  	v8 =	vld.idx.msk [tilespmem:v2+s18+$0xFFFFFFE0 ss:$0x1], $0xffff  }
0x26b: {  	s29 =	sshll.u32 s31, $0x4;
	s17 =	simm.s32 $0x200;
	v9 =	vld.idx.msk [tilespmem:v2+s18+$0xFFFFFFF0 ss:$0x1], $0xffff  }
.LBB2_39:
0x26c: {  	p0 =	sne.s32 s17, $0xF00;
	v10 =	vld.idx.msk [tilespmem:v3+s18+$0xFFFFFFE0 ss:$0x1], $0xffff  }
0x26d: {  	v11 =	vld.idx.msk [tilespmem:v3+s18+$0xFFFFFFF0 ss:$0x1], $0xffff  }
0x26e: {  	v12 =	vld.idx.msk [tilespmem:v1+s18+$0xFFFFFFE0 ss:$0x1], $0xffff  }
0x26f: {  	v13 =	vld.idx.msk [tilespmem:v2+s18+$0x10 ss:$0x1], $0xffff  }
0x270: {  	v14 =	vld.idx.msk [tilespmem:v3+s18+$0x0 ss:$0x1], $0xffff;
	_ =	sdelay $0x1  }
0x271: {  	v7 =	vmul.f32 v7, v8;
	v8 =	vmul.f32 v10, v9;
	v9 =	vld.idx.msk [tilespmem:v1+s18+$0x0 ss:$0x1], $0xffff  }
0x272: {  	v6 =	vmul.f32 v11, v6  }
0x273: {  	v5 =	vmul.f32 v5, v7;
	v7 =	vmul.f32 v12, v8;
	_ =	sdelay $0x1  }
0x274: {  	v4 =	vmul.f32 v4, v6;
	v5 =	vadd.f32 v7, v5;
	v6 =	vmul.f32 v14, v13;
	_ =	sdelay $0x1  }
0x275: {  	v4 =	vadd.f32 v4, v5;
	v5 =	vmul.f32 v9, v6;
	_ =	sdelay $0x1  }
0x276: {  	v4 =	vadd.f32 v5, v4  }
0x277: {  	s16 =	sadd.s32 $0x10, s16  }
0x278: {  	s18 =	sshra.s32 s17, $0x2;
	[tilespmem:s16+$0x0] =	vst v4  }
0x279: {  	v4 =	vld.idx.msk [tilespmem:v1+s18+$0xFFFFFFF0 ss:$0x1], $0xffff  }
.Ltmp18:
0x27a: {  	v5 =	vld.idx.msk [tilespmem:v1+s18+$0xFFFFFFD0 ss:$0x1], $0xffff;
	(pc) =	sbr.rel @p0 .LBB2_39-.Ltmp18, $4  }
0x27b: {  	v6 =	vld.idx.msk [tilespmem:v2+s18+$0x0 ss:$0x1], $0xffff  }
0x27c: {  	v7 =	vld.idx.msk [tilespmem:v3+s18+$0xFFFFFFD0 ss:$0x1], $0xffff  }
0x27d: {  	v8 =	vld.idx.msk [tilespmem:v2+s18+$0xFFFFFFE0 ss:$0x1], $0xffff  }
0x27e: {  	s17 =	sadd.s32 $0x100, s17;
	v9 =	vld.idx.msk [tilespmem:v2+s18+$0xFFFFFFF0 ss:$0x1], $0xffff  }
0x27f: {  	_ =	sdelay $0x3  }
0x280: {  	v10 =	vld.idx.msk [tilespmem:v3+s18+$0xFFFFFFE0 ss:$0x1], $0xffff  }
0x281: {  	v11 =	vld.idx.msk [tilespmem:v3+s18+$0xFFFFFFF0 ss:$0x1], $0xffff  }
0x282: {  	v12 =	vld.idx.msk [tilespmem:v1+s18+$0xFFFFFFE0 ss:$0x1], $0xffff  }
0x283: {  	v2 =	vld.idx.msk [tilespmem:v2+s18+$0x10 ss:$0x1], $0xffff  }
0x284: {  	v3 =	vld.idx.msk [tilespmem:v3+s18+$0x0 ss:$0x1], $0xffff  }
0x285: {  	v7 =	vmul.f32 v7, v8;
	v62 =	vmul.f32 v10, v9  }
0x286: {  	v1 =	vld.idx.msk [tilespmem:v1+s18+$0x0 ss:$0x1], $0xffff;
	v6 =	vmul.f32 v11, v6  }
0x287: {  	v5 =	vmul.f32 v5, v7;
	v63 =	vmul.f32 v12, v62;
	_ =	sdelay $0x1  }
0x288: {  	v2 =	vmul.f32 v3, v2;
	v4 =	vmul.f32 v4, v6;
	v5 =	vadd.f32 v63, v5  }
0x289: {  	s17 =	simm.s32 $0x0  }
0x28a: {  	v1 =	vmul.f32 v1, v2;
	v2 =	vor.u32 s17, v0;
	v3 =	vadd.f32 v4, v5;
	_ =	sdelay $0x1  }
0x28b: {  	v1 =	vadd.f32 v1, v3  }
0x28c: {  	s16 =	sadd.s32 $0x10, s16  }
0x28d: {  	[tilespmem:s16+$0x0] =	vst v1  }
0x28e: {  	v1 =	vimm.f32 $0.0e+00;
	s16 =	simm.s32 $0x1;
	v2 =	vld.idx.msk [tilespmem:v2+s26+$0x0], $0xffff  }
.LBB2_41:
0x28f: {  	v3 =	vor.u32 s16, v0;
	p0 =	sne.s32 s16, $0xF;
	s16 =	sadd.s32 $0x1, s16  }
.Ltmp19:
0x290: {  	(pc) =	sbr.rel @p0 .LBB2_41-.Ltmp19, $2  }
0x291: {  	_ =	sdelay $0x2  }
0x292: {  	v1 =	vadd.f32 v2, v1;
	v2 =	vld.idx.msk [tilespmem:v3+s26+$0x0], $0xffff  }
0x293: {  	s31 =	sadd.s32 $0x1, s31  }
0x294: {  	p0 =	sne.s32 s31, $0x8  }
.Ltmp20:
0x295: {  	_ = 	snop;
	(pc) =	sbr.rel @p0 .LBB2_38-.Ltmp20, $3  }
0x296: {  	_ = 	snop  }
0x297: {  	v1 =	vadd.f32 v2, v1;
	_ =	sdelay $0x1  }
0x298: {  	s0 =	sadd.s32 $0x400, s0;
	s1 =	sadd.s32 $0x400, s1;
	s28 =	sadd.s32 $0x400, s28;
	[tilespmem:s29+$0x7000] =	vst v1  }
0x299: {  	s0 =	simm.s32 $0x780  }
0x29a: {  	[tilespmem:s22], [sflag:$0x1] =	stream.indirect.gather [hbm4b:s3+s21], $0x40, s0, s21, $0xb8;
	[tilespmem:$0x7300] =	vst v63  }
0x29b: {  	s18 =	simm.s32 $0x980  }
0x29c: {  	[tilespmem:s23], [sflag:$0x1] =	stream.indirect.gather [hbm4b:s4+s21], $0x40, s18, s21, $0xb8;
	[tilespmem:$0x7300] =	vst v63  }
0x29d: {  	s29 =	simm.s32 $0xB80  }
0x29e: {  	[tilespmem:s24], [sflag:$0x1] =	stream.indirect.gather [hbm4b:s4+s21], $0x40, s29, s21, $0xb8;
	[tilespmem:$0x7300] =	vst v63  }
0x29f: {  	_ =	swait.ge [sflag:s25], $0x2000  }
0x2a0: {  	[sflag:s25] =	ssyncset.done $0x0  }
0x2a1: {  	[sflag:s25] =	ssyncadd.s32 $0xFFFFE000  }
0x2a2: {  	_ =	swait.ge [sflag:s25], $0x2000  }
0x2a3: {  	[sflag:s25] =	ssyncset.done $0x0  }
0x2a4: {  	[sflag:s25] =	ssyncadd.s32 $0xFFFFE000  }
0x2a5: {  	_ =	swait.ge [sflag:s25], $0x2000  }
0x2a6: {  	s31 =	simm.s32 $0x0;
	s1 =	simm.s32 $0x2C30;
	[sflag:s25] =	ssyncset.done $0x0  }
0x2a7: {  	s28 =	simm.s32 $0x4C30;
	s0 =	simm.s32 $0xC20;
	[sflag:s25] =	ssyncadd.s32 $0xFFFFE000  }
.LBB2_44:
0x2a8: {  	v1 =	vmov s28;
	_ =	sdelay $0x1  }
0x2a9: {  	v2 =	vmov s0  }
0x2aa: {  	v3 =	vmov s1  }
0x2ab: {  	s16 =	simm.s32 $0x0  }
0x2ac: {  	v4 =	vld.idx.msk [tilespmem:v1+s16+$0xFFFFFFF0 ss:$0x1], $0xffff  }
0x2ad: {  	v5 =	vld.idx.msk [tilespmem:v1+s16+$0xFFFFFFD0 ss:$0x1], $0xffff  }
0x2ae: {  	v6 =	vld.idx.msk [tilespmem:v2+s16+$0x0 ss:$0x1], $0xffff  }
0x2af: {  	v7 =	vld.idx.msk [tilespmem:v3+s16+$0xFFFFFFD0 ss:$0x1], $0xffff  }
0x2b0: {  	v8 =	vld.idx.msk [tilespmem:v2+s16+$0xFFFFFFE0 ss:$0x1], $0xffff  }
0x2b1: {  	v9 =	vld.idx.msk [tilespmem:v2+s16+$0xFFFFFFF0 ss:$0x1], $0xffff  }
0x2b2: {  	v10 =	vld.idx.msk [tilespmem:v3+s16+$0xFFFFFFE0 ss:$0x1], $0xffff  }
0x2b3: {  	v11 =	vld.idx.msk [tilespmem:v3+s16+$0xFFFFFFF0 ss:$0x1], $0xffff  }
0x2b4: {  	v12 =	vld.idx.msk [tilespmem:v1+s16+$0xFFFFFFE0 ss:$0x1], $0xffff  }
0x2b5: {  	v13 =	vld.idx.msk [tilespmem:v2+s16+$0x10 ss:$0x1], $0xffff  }
0x2b6: {  	v14 =	vld.idx.msk [tilespmem:v3+s16+$0x0 ss:$0x1], $0xffff  }
0x2b7: {  	v7 =	vmul.f32 v7, v8;
	v8 =	vmul.f32 v10, v9  }
0x2b8: {  	v9 =	vld.idx.msk [tilespmem:v1+s16+$0x0 ss:$0x1], $0xffff;
	v6 =	vmul.f32 v11, v6  }
0x2b9: {  	v5 =	vmul.f32 v5, v7;
	v7 =	vmul.f32 v12, v8;
	_ =	sdelay $0x1  }
0x2ba: {  	v4 =	vmul.f32 v4, v6;
	v6 =	vmul.f32 v14, v13;
	v5 =	vadd.f32 v7, v5;
	_ =	sdelay $0x1  }
0x2bb: {  	v4 =	vadd.f32 v4, v5;
	v5 =	vmul.f32 v9, v6;
	_ =	sdelay $0x1  }
0x2bc: {  	v4 =	vadd.f32 v5, v4  }
0x2bd: {  	s16 =	simm.s32 $0x6C00  }
0x2be: {  	s18 =	simm.s32 $0x40;
	[tilespmem:s16+$0x0] =	vst v4  }
0x2bf: {  	v4 =	vld.idx.msk [tilespmem:v1+s18+$0xFFFFFFF0 ss:$0x1], $0xffff  }
0x2c0: {  	v5 =	vld.idx.msk [tilespmem:v1+s18+$0xFFFFFFD0 ss:$0x1], $0xffff  }
0x2c1: {  	v6 =	vld.idx.msk [tilespmem:v2+s18+$0x0 ss:$0x1], $0xffff  }
0x2c2: {  	v7 =	vld.idx.msk [tilespmem:v3+s18+$0xFFFFFFD0 ss:$0x1], $0xffff  }
0x2c3: {  	v8 =	vld.idx.msk [tilespmem:v2+s18+$0xFFFFFFE0 ss:$0x1], $0xffff  }
0x2c4: {  	s29 =	sshll.u32 s31, $0x4;
	s17 =	simm.s32 $0x200;
	v9 =	vld.idx.msk [tilespmem:v2+s18+$0xFFFFFFF0 ss:$0x1], $0xffff  }
.LBB2_45:
0x2c5: {  	p0 =	sne.s32 s17, $0xF00;
	v10 =	vld.idx.msk [tilespmem:v3+s18+$0xFFFFFFE0 ss:$0x1], $0xffff  }
0x2c6: {  	v11 =	vld.idx.msk [tilespmem:v3+s18+$0xFFFFFFF0 ss:$0x1], $0xffff  }
0x2c7: {  	v12 =	vld.idx.msk [tilespmem:v1+s18+$0xFFFFFFE0 ss:$0x1], $0xffff  }
0x2c8: {  	v13 =	vld.idx.msk [tilespmem:v2+s18+$0x10 ss:$0x1], $0xffff  }
0x2c9: {  	v14 =	vld.idx.msk [tilespmem:v3+s18+$0x0 ss:$0x1], $0xffff;
	_ =	sdelay $0x1  }
0x2ca: {  	v7 =	vmul.f32 v7, v8;
	v8 =	vmul.f32 v10, v9;
	v9 =	vld.idx.msk [tilespmem:v1+s18+$0x0 ss:$0x1], $0xffff  }
0x2cb: {  	v6 =	vmul.f32 v11, v6  }
0x2cc: {  	v5 =	vmul.f32 v5, v7;
	v7 =	vmul.f32 v12, v8;
	_ =	sdelay $0x1  }
0x2cd: {  	v4 =	vmul.f32 v4, v6;
	v5 =	vadd.f32 v7, v5;
	v6 =	vmul.f32 v14, v13;
	_ =	sdelay $0x1  }
0x2ce: {  	v4 =	vadd.f32 v4, v5;
	v5 =	vmul.f32 v9, v6;
	_ =	sdelay $0x1  }
0x2cf: {  	v4 =	vadd.f32 v5, v4  }
0x2d0: {  	s16 =	sadd.s32 $0x10, s16  }
0x2d1: {  	s18 =	sshra.s32 s17, $0x2;
	[tilespmem:s16+$0x0] =	vst v4  }
0x2d2: {  	v4 =	vld.idx.msk [tilespmem:v1+s18+$0xFFFFFFF0 ss:$0x1], $0xffff  }
.Ltmp21:
0x2d3: {  	v5 =	vld.idx.msk [tilespmem:v1+s18+$0xFFFFFFD0 ss:$0x1], $0xffff;
	(pc) =	sbr.rel @p0 .LBB2_45-.Ltmp21, $4  }
0x2d4: {  	v6 =	vld.idx.msk [tilespmem:v2+s18+$0x0 ss:$0x1], $0xffff  }
0x2d5: {  	v7 =	vld.idx.msk [tilespmem:v3+s18+$0xFFFFFFD0 ss:$0x1], $0xffff  }
0x2d6: {  	v8 =	vld.idx.msk [tilespmem:v2+s18+$0xFFFFFFE0 ss:$0x1], $0xffff  }
0x2d7: {  	s17 =	sadd.s32 $0x100, s17;
	v9 =	vld.idx.msk [tilespmem:v2+s18+$0xFFFFFFF0 ss:$0x1], $0xffff  }
0x2d8: {  	_ =	sdelay $0x3  }
0x2d9: {  	v10 =	vld.idx.msk [tilespmem:v3+s18+$0xFFFFFFE0 ss:$0x1], $0xffff  }
0x2da: {  	v11 =	vld.idx.msk [tilespmem:v3+s18+$0xFFFFFFF0 ss:$0x1], $0xffff  }
0x2db: {  	v12 =	vld.idx.msk [tilespmem:v1+s18+$0xFFFFFFE0 ss:$0x1], $0xffff  }
0x2dc: {  	v2 =	vld.idx.msk [tilespmem:v2+s18+$0x10 ss:$0x1], $0xffff  }
0x2dd: {  	v3 =	vld.idx.msk [tilespmem:v3+s18+$0x0 ss:$0x1], $0xffff  }
0x2de: {  	v7 =	vmul.f32 v7, v8;
	v62 =	vmul.f32 v10, v9  }
0x2df: {  	v1 =	vld.idx.msk [tilespmem:v1+s18+$0x0 ss:$0x1], $0xffff;
	v6 =	vmul.f32 v11, v6  }
0x2e0: {  	v5 =	vmul.f32 v5, v7;
	v63 =	vmul.f32 v12, v62;
	_ =	sdelay $0x1  }
0x2e1: {  	v2 =	vmul.f32 v3, v2;
	v4 =	vmul.f32 v4, v6;
	v5 =	vadd.f32 v63, v5  }
0x2e2: {  	s17 =	simm.s32 $0x0  }
0x2e3: {  	v1 =	vmul.f32 v1, v2;
	v2 =	vor.u32 s17, v0;
	v3 =	vadd.f32 v4, v5;
	_ =	sdelay $0x1  }
0x2e4: {  	v1 =	vadd.f32 v1, v3  }
0x2e5: {  	s16 =	sadd.s32 $0x10, s16  }
0x2e6: {  	[tilespmem:s16+$0x0] =	vst v1  }
0x2e7: {  	v1 =	vimm.f32 $0.0e+00;
	s16 =	simm.s32 $0x1;
	v2 =	vld.idx.msk [tilespmem:v2+s26+$0x0], $0xffff  }
.LBB2_47:
0x2e8: {  	v3 =	vor.u32 s16, v0;
	p0 =	sne.s32 s16, $0xF;
	s16 =	sadd.s32 $0x1, s16  }
.Ltmp22:
0x2e9: {  	(pc) =	sbr.rel @p0 .LBB2_47-.Ltmp22, $2  }
0x2ea: {  	_ =	sdelay $0x2  }
0x2eb: {  	v1 =	vadd.f32 v2, v1;
	v2 =	vld.idx.msk [tilespmem:v3+s26+$0x0], $0xffff  }
0x2ec: {  	s31 =	sadd.s32 $0x1, s31  }
0x2ed: {  	p0 =	sne.s32 s31, $0x8  }
.Ltmp23:
0x2ee: {  	_ = 	snop;
	(pc) =	sbr.rel @p0 .LBB2_44-.Ltmp23, $3  }
0x2ef: {  	_ = 	snop  }
0x2f0: {  	v1 =	vadd.f32 v2, v1;
	_ =	sdelay $0x1  }
0x2f1: {  	s0 =	sadd.s32 $0x400, s0;
	s1 =	sadd.s32 $0x400, s1;
	s28 =	sadd.s32 $0x400, s28;
	[tilespmem:s29+$0x7080] =	vst v1  }
0x2f2: {  	v1 =	vld [tilespmem:$0x6F00]  }
0x2f3: {  	v2 =	vld [tilespmem:$0x6D00]  }
0x2f4: {  	v3 =	vld [tilespmem:$0x6F10]  }
0x2f5: {  	v4 =	vld [tilespmem:$0x6D10]  }
0x2f6: {  	v5 =	vld [tilespmem:$0x6F20]  }
0x2f7: {  	v6 =	vld [tilespmem:$0x6D20]  }
0x2f8: {  	v7 =	vld [tilespmem:$0x6F30]  }
0x2f9: {  	v8 =	vld [tilespmem:$0x6D30]  }
0x2fa: {  	v9 =	vld [tilespmem:$0x6F40]  }
0x2fb: {  	v10 =	vld [tilespmem:$0x6D40]  }
0x2fc: {  	v11 =	vld [tilespmem:$0x6F50]  }
0x2fd: {  	v12 =	vld [tilespmem:$0x6D50]  }
0x2fe: {  	v13 =	vld [tilespmem:$0x6F60]  }
0x2ff: {  	v14 =	vld [tilespmem:$0x6D60]  }
0x300: {  	v15 =	vld [tilespmem:$0x6F70]  }
0x301: {  	v16 =	vld [tilespmem:$0x6D70]  }
0x302: {  	v17 =	vld [tilespmem:$0x6F80]  }
0x303: {  	v18 =	vld [tilespmem:$0x6D80]  }
0x304: {  	v19 =	vld [tilespmem:$0x6F90]  }
0x305: {  	v20 =	vld [tilespmem:$0x6D90]  }
0x306: {  	v21 =	vld [tilespmem:$0x6FA0]  }
0x307: {  	v22 =	vld [tilespmem:$0x6DA0]  }
0x308: {  	v23 =	vld [tilespmem:$0x6FB0]  }
0x309: {  	v24 =	vld [tilespmem:$0x6DB0]  }
0x30a: {  	v25 =	vld [tilespmem:$0x6FC0]  }
0x30b: {  	v26 =	vld [tilespmem:$0x6DC0]  }
0x30c: {  	v27 =	vld [tilespmem:$0x6FD0]  }
0x30d: {  	v28 =	vld [tilespmem:$0x6DD0]  }
0x30e: {  	v29 =	vld [tilespmem:$0x6FE0]  }
0x30f: {  	v30 =	vld [tilespmem:$0x6DE0]  }
0x310: {  	v31 =	vld [tilespmem:$0x6FF0]  }
0x311: {  	v32 =	vld [tilespmem:$0x6DF0]  }
0x312: {  	v33 =	vld [tilespmem:$0x7000]  }
0x313: {  	v34 =	vld [tilespmem:$0x6E00]  }
0x314: {  	v35 =	vld [tilespmem:$0x7010]  }
0x315: {  	v36 =	vld [tilespmem:$0x6E10]  }
0x316: {  	v37 =	vld [tilespmem:$0x7020]  }
0x317: {  	v39 =	vld [tilespmem:$0x7030];
	v1 =	vsub.f32 v1, v2  }
0x318: {  	v40 =	vld [tilespmem:$0x6E30];
	v3 =	vsub.f32 v3, v4  }
0x319: {  	v41 =	vld [tilespmem:$0x7040];
	[tilespmem:$0x7100] =	vst v1;
	v1 =	vsub.f32 v5, v6  }
0x31a: {  	v42 =	vld [tilespmem:$0x6E40];
	[tilespmem:$0x7110] =	vst v3;
	v3 =	vsub.f32 v7, v8  }
0x31b: {  	v43 =	vld [tilespmem:$0x7050];
	[tilespmem:$0x7120] =	vst v1;
	v1 =	vsub.f32 v9, v10  }
0x31c: {  	v44 =	vld [tilespmem:$0x6E50];
	[tilespmem:$0x7130] =	vst v3;
	v3 =	vsub.f32 v11, v12  }
0x31d: {  	v45 =	vld [tilespmem:$0x7060];
	[tilespmem:$0x7140] =	vst v1;
	v1 =	vsub.f32 v13, v14  }
0x31e: {  	v46 =	vld [tilespmem:$0x6E60];
	[tilespmem:$0x7150] =	vst v3;
	v3 =	vsub.f32 v15, v16  }
0x31f: {  	v47 =	vld [tilespmem:$0x7070];
	[tilespmem:$0x7160] =	vst v1;
	v1 =	vsub.f32 v17, v18  }
0x320: {  	v48 =	vld [tilespmem:$0x6E70];
	[tilespmem:$0x7170] =	vst v3;
	v3 =	vsub.f32 v19, v20  }
0x321: {  	v49 =	vld [tilespmem:$0x7080];
	[tilespmem:$0x7180] =	vst v1;
	v1 =	vsub.f32 v21, v22  }
0x322: {  	v50 =	vld [tilespmem:$0x6E80];
	[tilespmem:$0x7190] =	vst v3;
	v3 =	vsub.f32 v23, v24  }
0x323: {  	v51 =	vld [tilespmem:$0x7090];
	[tilespmem:$0x71A0] =	vst v1;
	v1 =	vsub.f32 v25, v26  }
0x324: {  	v2 =	vld [tilespmem:$0x6E20];
	[tilespmem:$0x71B0] =	vst v3;
	v3 =	vsub.f32 v27, v28  }
0x325: {  	v52 =	vld [tilespmem:$0x6E90];
	[tilespmem:$0x71C0] =	vst v1;
	v1 =	vsub.f32 v29, v30  }
0x326: {  	v53 =	vld [tilespmem:$0x70A0];
	[tilespmem:$0x71D0] =	vst v3;
	v3 =	vsub.f32 v31, v32  }
0x327: {  	v54 =	vld [tilespmem:$0x6EA0];
	[tilespmem:$0x71E0] =	vst v1;
	v1 =	vsub.f32 v33, v34  }
0x328: {  	v55 =	vld [tilespmem:$0x70B0];
	[tilespmem:$0x71F0] =	vst v3;
	v3 =	vsub.f32 v35, v36  }
0x329: {  	v56 =	vld [tilespmem:$0x70C0];
	[tilespmem:$0x7200] =	vst v1;
	v1 =	vsub.f32 v37, v2  }
0x32a: {  	v2 =	vld [tilespmem:$0x6EB0];
	[tilespmem:$0x7210] =	vst v3;
	v3 =	vsub.f32 v39, v40  }
0x32b: {  	v57 =	vld [tilespmem:$0x6EC0];
	[tilespmem:$0x7220] =	vst v1;
	v1 =	vsub.f32 v41, v42  }
0x32c: {  	v58 =	vld [tilespmem:$0x70D0];
	[tilespmem:$0x7230] =	vst v3;
	v3 =	vsub.f32 v43, v44  }
0x32d: {  	v59 =	vld [tilespmem:$0x6ED0];
	[tilespmem:$0x7240] =	vst v1;
	v1 =	vsub.f32 v45, v46  }
0x32e: {  	v60 =	vld [tilespmem:$0x70E0];
	[tilespmem:$0x7250] =	vst v3;
	v3 =	vsub.f32 v47, v48  }
0x32f: {  	v62 =	vld [tilespmem:$0x70F0];
	v2 =	vsub.f32 v55, v2;
	[tilespmem:$0x7260] =	vst v1  }
0x330: {  	v63 =	vld [tilespmem:$0x6EF0];
	v1 =	vsub.f32 v49, v50;
	[tilespmem:$0x7270] =	vst v3  }
0x331: {  	v61 =	vld [tilespmem:$0x6EE0];
	v3 =	vsub.f32 v51, v52;
	[tilespmem:$0x72B0] =	vst v2  }
0x332: {  	[tilespmem:$0x7280] =	vst v1;
	v1 =	vsub.f32 v53, v54  }
0x333: {  	v2 =	vsub.f32 v58, v59;
	[tilespmem:$0x7290] =	vst v3  }
0x334: {  	[tilespmem:$0x72A0] =	vst v1;
	v1 =	vsub.f32 v56, v57  }
0x335: {  	[tilespmem:$0x72D0] =	vst v2;
	v2 =	vsub.f32 v62, v63  }
0x336: {  	[tilespmem:$0x72C0] =	vst v1;
	v1 =	vsub.f32 v60, v61  }
0x337: {  	[tilespmem:$0x72F0] =	vst v2  }
0x338: {  	s0 =	simm.s32 $0x6D00;
	[tilespmem:$0x72E0] =	vst v1  }
0x339: {  	[hbm4b:s11+s2] =	stream.linear.scatter [tilespmem:s0], [sflag:$0x2], $0x200, $0x38;
	[tilespmem:$0x7300] =	vst v63  }
0x33a: {  	_ =	swait.ge [sflag:s15], $0x200  }
0x33b: {  	[sflag:s15] =	ssyncset.done $0x0  }
0x33c: {  	s29 =	simm.s32 $0x6F00;
	[sflag:s15] =	ssyncadd.s32 $0xFFFFFE00  }
0x33d: {  	[hbm4b:s12+s2] =	stream.linear.scatter [tilespmem:s29], [sflag:$0x2], $0x200, $0x38;
	[tilespmem:$0x7300] =	vst v63  }
0x33e: {  	s30 =	sadd.s32 $0x1, s30;
	_ =	swait.ge [sflag:s15], $0x200  }
0x33f: {  	p0 =	sne.s32 s30, s14;
	[sflag:s15] =	ssyncset.done $0x0  }
.Ltmp24:
0x340: {  	s31 =	simm.s32 $0x7100;
	[sflag:s15] =	ssyncadd.s32 $0xFFFFFE00;
	(pc) =	sbr.rel @p0 .LBB2_1-.Ltmp24, $4  }
0x341: {  	[hbm4b:s13+s2] =	stream.linear.scatter [tilespmem:s31], [sflag:$0x2], $0x200, $0x38;
	[tilespmem:$0x7300] =	vst v63  }
0x342: {  	_ =	swait.ge [sflag:s15], $0x200  }
0x343: {  	[sflag:s15] =	ssyncset.done $0x0  }
0x344: {  	[sflag:s15] =	ssyncadd.s32 $0xFFFFFE00  }
0x345: {  	_ =	sfence.sel $0x180000  }
0x346: {  	[bflag:$0x0] =	sbarrier.arrive $0xFFFF  }
0x347: {  	_ =	strace $0x90000047  }
0x348: {  	s0 =	stileid.u32;
	[bflag:$0x2] =	sbarrier.arrive $0xFFFF  }
0x349: {  	p0 =	sne.s32 s0, $0x0;
	s0 =	rddreg [dreg:$0xa]  }
0x34a: {  	s0 =	sadd.s32 @!p0 $0x100000, s0  }
0x34b: {  	[sflag:s0] =	ssyncadd.tile.s32 @!p0 $0x1;
	_ =	shalt  }
.Lfunc_end2:
_tile_overlayer_lowered:
.L_overlay_start_2:
0x34c: {  	(tag) =	ssettag $0x2  }
0x34d: {  	s0 =	rddreg [dreg:$0x0];
	s2 =	stileid.u32  }
0x34e: {  	s1 =	rddreg [dreg:$0x1];
	p0 =	sne.s32 s2, $0x0  }
0x34f: {  	s3 =	rddreg [dreg:$0x2];
	[bflag:$0x3] =	sbarrier.arrive $0xFFFF;
	s2 =	simm.s32 @!p0 $0x1C02  }
0x350: {  	[timem:s3], [sflag:s2] =	dma.local @!p0 [hbm:s0], s1  }
0x351: {  	s0 =	simm.s32 @!p0 $0x2  }
0x352: {  	_ =	swait.ge @!p0 [sflag:s0], s1  }
0x353: {  	s1 =	ssub.s32 @!p0 $0x0, s1;
	[sflag:s0] =	ssyncset.done @!p0 $0x0  }
0x354: {  	[sflag:s0] =	ssyncadd.s32 @!p0 s1  }
0x355: {  	[bflag:$0x3] =	sbarrier.arrive $0xFFFF  }
0x356: {  	_ =	shalt  }

</sc_bundles>
